<compile_context>
chip_gen: v7x
topology: tpu7x:2x2x1
jax: 0.10.2.dev20260603
libtpu: 0.0.44.dev20260713+nightly
codegen_flags: <defaults>
</compile_context>

<pallas_src>
import functools

import jax
import jax.numpy as jnp
from jax import lax
from jax.experimental import pallas as pl
from jax.experimental.pallas import tpu as pltpu
from jax.experimental.pallas import tpu_sc as plsc

N = 10000
E = 320000
IN = 128
H = 16
C = 8
OUT = H * C

NC = 2
NS = 16
NW = NC * NS
EPT = E // NW
K = 40
NCHUNK = EPT // K
NP = 10240
RPT = NP // NS


def _fold_matrix():
    io = lax.broadcasted_iota(jnp.int32, (OUT, H), 0)
    ik = lax.broadcasted_iota(jnp.int32, (OUT, H), 1)
    return (io % H == ik).astype(jnp.float32)


def _proj_body(x_ref, wp_ref, ats_ref, atd_ref, ht_ref, as_ref, ad_ref,
               mh_ref):
    ht = jnp.dot(x_ref[...], wp_ref[...], preferred_element_type=jnp.float32)
    ht_ref[...] = ht
    m_fold = _fold_matrix()
    a_s = jnp.dot(ht * ats_ref[...], m_fold,
                  preferred_element_type=jnp.float32)
    a_d = jnp.dot(ht * atd_ref[...], m_fold,
                  preferred_element_type=jnp.float32)
    as_ref[...] = a_s
    ad_ref[...] = a_d
    m = jnp.max(a_s, axis=0, keepdims=True) + jnp.max(a_d, axis=0,
                                                      keepdims=True)
    mh_ref[...] = jnp.where(m > 0.0, m, 0.2 * m)


def _sc_body(src_hbm, dst_hbm, ht_hbm, asrc_hbm, adst_hbm, mh_hbm, z128_hbm,
             z16_hbm, acc_out, den_out, acc_sh, den_sh, sidx_a, sidx_b, didx,
             htab_a, htab_b, asb_a, asb_b, adb_a, adb_b, msgw_a, msgw_b,
             ewb_a, ewb_b, mhv, semg_a, semg_b, sems_a, sems_b, semi_a,
             semi_b):
    cid = lax.axis_index("c")
    sid = lax.axis_index("s")
    wid = cid * NS + sid
    r0 = sid * RPT
    cbase = wid * NCHUNK
    pltpu.sync_copy(z128_hbm.at[pl.ds(r0, RPT)], acc_sh.at[pl.ds(r0, RPT)])
    pltpu.sync_copy(z16_hbm.at[pl.ds(r0, RPT)], den_sh.at[pl.ds(r0, RPT)])
    pltpu.sync_copy(mh_hbm, mhv)
    pltpu.sync_copy(dst_hbm.at[wid], didx)
    pltpu.sync_copy(src_hbm.at[cbase], sidx_a)
    pltpu.sync_copy(src_hbm.at[cbase + 1], sidx_b)
    plsc.subcore_barrier()
    m = mhv[...]

    def fire(c, sidx, htab, asb, adb, semg):
        pltpu.async_copy(ht_hbm.at[sidx], htab, semg)
        pltpu.async_copy(asrc_hbm.at[sidx], asb, semg)
        pltpu.async_copy(adst_hbm.at[didx.at[c]], adb, semg)

    def drain_gather(sidx, htab, asb, adb, semg):
        pltpu.make_async_copy(ht_hbm.at[sidx], htab, semg).wait()
        pltpu.make_async_copy(asrc_hbm.at[sidx], asb, semg).wait()
        pltpu.make_async_copy(adst_hbm.at[didx.at[0]], adb, semg).wait()

    def compute(htab, asb, adb, msgw, ewb):
        @plsc.parallel_loop(0, K, unroll=8)
        def _(j):
            s = asb[j] + adb[j]
            s = jnp.where(s > 0.0, s, 0.2 * s)
            e = jnp.exp(s - m)
            ewb[j] = e
            for c in range(C):
                msgw[j, pl.ds(c * H, H)] = htab[j, pl.ds(c * H, H)] * e

    def wait_scatter(msgw, ewb, sems):
        pltpu.make_async_copy(msgw, acc_sh.at[didx.at[0]], sems).wait()
        pltpu.make_async_copy(ewb, den_sh.at[didx.at[0]], sems).wait()

    def phase(i2, ca, sidx, htab, asb, adb, msgw, ewb, semg, sems, semi):
        drain_gather(sidx, htab, asb, adb, semg)

        @pl.when(i2 > 0)
        def _():
            wait_scatter(msgw, ewb, sems)

        @pl.when(ca + 2 < NCHUNK)
        def _():
            pltpu.async_copy(src_hbm.at[cbase + ca + 2], sidx, semi)

        compute(htab, asb, adb, msgw, ewb)
        pltpu.async_copy(msgw, acc_sh.at[didx.at[ca]], sems, add=True)
        pltpu.async_copy(ewb, den_sh.at[didx.at[ca]], sems, add=True)

        @pl.when(ca + 2 < NCHUNK)
        def _():
            pltpu.make_async_copy(src_hbm.at[cbase], sidx, semi).wait()
            fire(ca + 2, sidx, htab, asb, adb, semg)

    fire(0, sidx_a, htab_a, asb_a, adb_a, semg_a)
    fire(1, sidx_b, htab_b, asb_b, adb_b, semg_b)

    def step2(i2, carry):
        ca = 2 * i2
        phase(i2, ca, sidx_a, htab_a, asb_a, adb_a, msgw_a, ewb_a, semg_a,
              sems_a, semi_a)
        phase(i2, ca + 1, sidx_b, htab_b, asb_b, adb_b, msgw_b, ewb_b,
              semg_b, sems_b, semi_b)
        return carry

    lax.fori_loop(0, NCHUNK // 2, step2, 0)
    wait_scatter(msgw_a, ewb_a, sems_a)
    wait_scatter(msgw_b, ewb_b, sems_b)
    plsc.subcore_barrier()
    pltpu.sync_copy(acc_sh.at[pl.ds(r0, RPT)], acc_out.at[cid, pl.ds(r0, RPT)])
    pltpu.sync_copy(den_sh.at[pl.ds(r0, RPT)], den_out.at[cid, pl.ds(r0, RPT)])


def _epi_body(acc_ref, den_ref, b_ref, g_ref, bb_ref, out_ref):
    a = acc_ref[0][:N] + acc_ref[1][:N]
    d = den_ref[0][:N] + den_ref[1][:N] + 1e-16
    ik = lax.broadcasted_iota(jnp.int32, (H, OUT), 0)
    it = lax.broadcasted_iota(jnp.int32, (H, OUT), 1)
    tmat = (it % H == ik).astype(jnp.float32)
    dt = jnp.dot(d, tmat, preferred_element_type=jnp.float32)
    tt = lax.broadcasted_iota(jnp.int32, (OUT, OUT), 0)
    oo = lax.broadcasted_iota(jnp.int32, (OUT, OUT), 1)
    pmat = (oo == (tt % H) * C + tt // H).astype(jnp.float32)
    agg = jnp.dot(a / dt, pmat, preferred_element_type=jnp.float32)
    scale = g_ref[...] * (1.0 / jnp.sqrt(1.0 + 1e-5))
    o = (agg + b_ref[...]) * scale + bb_ref[...]
    out_ref[...] = jnp.maximum(o, 0.0)


def kernel(x, edge_index, W, att_src, att_dst, bias, bn_weight, bn_bias):
    f32 = jnp.float32
    t = jnp.arange(OUT)
    Wp = W[:, (t % H) * C + (t // H)]
    atsf = att_src.T.reshape(1, OUT)
    atdf = att_dst.T.reshape(1, OUT)
    src = edge_index[0].astype(jnp.int32)
    dst = edge_index[1].astype(jnp.int32)

    ht, asrc, adst, mh = pl.pallas_call(
        _proj_body,
        out_shape=[
            jax.ShapeDtypeStruct((N, OUT), f32),
            jax.ShapeDtypeStruct((N, H), f32),
            jax.ShapeDtypeStruct((N, H), f32),
            jax.ShapeDtypeStruct((1, H), f32),
        ],
    )(x, Wp, atsf, atdf)

    sc_edge = pl.kernel(
        _sc_body,
        out_type=[
            jax.ShapeDtypeStruct((NC, NP, OUT), f32),
            jax.ShapeDtypeStruct((NC, NP, H), f32),
        ],
        mesh=plsc.VectorSubcoreMesh(core_axis_name="c", subcore_axis_name="s"),
        compiler_params=pltpu.CompilerParams(use_tc_tiling_on_sc=False),
        scratch_types=[
            pltpu.VMEM_SHARED((NP, OUT), f32),
            pltpu.VMEM_SHARED((NP, H), f32),
            pltpu.VMEM((K,), jnp.int32),
            pltpu.VMEM((K,), jnp.int32),
            pltpu.VMEM((NCHUNK, K), jnp.int32),
            pltpu.VMEM((K, OUT), f32),
            pltpu.VMEM((K, OUT), f32),
            pltpu.VMEM((K, H), f32),
            pltpu.VMEM((K, H), f32),
            pltpu.VMEM((K, H), f32),
            pltpu.VMEM((K, H), f32),
            pltpu.VMEM((K, OUT), f32),
            pltpu.VMEM((K, OUT), f32),
            pltpu.VMEM((K, H), f32),
            pltpu.VMEM((K, H), f32),
            pltpu.VMEM((H,), f32),
            pltpu.SemaphoreType.DMA,
            pltpu.SemaphoreType.DMA,
            pltpu.SemaphoreType.DMA,
            pltpu.SemaphoreType.DMA,
            pltpu.SemaphoreType.DMA,
            pltpu.SemaphoreType.DMA,
        ],
    )
    acc, den = sc_edge(src.reshape(NW * NCHUNK, K), dst.reshape(NW, NCHUNK, K),
                       ht, asrc, adst, mh.reshape(H),
                       jnp.zeros((NP, OUT), f32), jnp.zeros((NP, H), f32))

    out = pl.pallas_call(
        _epi_body,
        out_shape=jax.ShapeDtypeStruct((N, OUT), f32),
    )(acc, den, bias.reshape(1, OUT), bn_weight.reshape(1, OUT),
      bn_bias.reshape(1, OUT))
    return out

# --- scband reference (transcript-rebuilt; emitter-appended) ---
"""Pipeline reference for scband-topology-extraction-44555990729043 (READ-ONLY COPY).

The authoritative reference and input builder live on the scoring server;
editing this copy changes nothing except your own understanding.
"""

import jax, jax.numpy as jnp
import numpy as np

N = 10000
E = 320000
IN = 128
H = 16
C = 8
OUT = H * C

def setup_inputs(seed: int = 0) -> dict:
    key = jax.random.key(seed)
    k1, k2, k3, k4, k5 = jax.random.split(key, 5)
    x = jax.random.normal(k1, (N, IN), dtype=jnp.float32)
    edge_index = jax.random.randint(k2, (2, E), 0, N, dtype=jnp.int64)
    W = jax.random.normal(k3, (IN, H * C), dtype=jnp.float32) * 0.1
    att_src = jax.random.normal(k4, (H, C), dtype=jnp.float32) * 0.1
    att_dst = jax.random.normal(k5, (H, C), dtype=jnp.float32) * 0.1
    bias = jnp.zeros((OUT,), dtype=jnp.float32)
    bn_weight = jnp.ones((OUT,), dtype=jnp.float32)
    bn_bias = jnp.zeros((OUT,), dtype=jnp.float32)
    return {"x": x, "edge_index": edge_index, "W": W, "att_src": att_src,
            "att_dst": att_dst, "bias": bias, "bn_weight": bn_weight, "bn_bias": bn_bias}

def reference(x, edge_index, W, att_src, att_dst, bias, bn_weight, bn_bias):
    # GATConv (heads=16, concat=True), eval mode (dropout disabled)
    h = (x @ W).reshape(N, H, C)                      # [N, H, C]
    src = edge_index[0]
    dst = edge_index[1]
    a_src = jnp.sum(h * att_src[None, :, :], axis=-1)  # [N, H]
    a_dst = jnp.sum(h * att_dst[None, :, :], axis=-1)  # [N, H]
    alpha = a_src[src] + a_dst[dst]                    # [E, H]
    alpha = jnp.where(alpha > 0, alpha, 0.2 * alpha)   # LeakyReLU(0.2)
    # segment softmax over incoming edges per dst node
    amax = jax.ops.segment_max(alpha, dst, num_segments=N)
    amax = jnp.where(jnp.isfinite(amax), amax, 0.0)
    ealpha = jnp.exp(alpha - amax[dst])
    denom = jax.ops.segment_sum(ealpha, dst, num_segments=N)
    coef = ealpha / (denom[dst] + 1e-16)               # [E, H]
    msg = h[src] * coef[:, :, None]                    # [E, H, C]
    out = jax.ops.segment_sum(msg, dst, num_segments=N).reshape(N, OUT)
    out = out + bias
    # BatchNorm1d in eval mode with running_mean=0, running_var=1
    out = out / jnp.sqrt(1.0 + 1e-5) * bn_weight + bn_bias
    out = jax.nn.relu(out)
    return out

if __name__ == "__main__":
    import jax
    _d = setup_inputs()
    print(jax.jit(kernel)(*tuple(_d.values())))

</pallas_src>

<mosaic_0001>
#map = affine_map<(d0, d1) -> (0, 0)>
#map1 = affine_map<(d0, d1) -> (0, 0, 0)>
#map2 = affine_map<(d0, d1) -> (0)>
module attributes {stable_mosaic.version = 14 : i64} {
  func.func @_sc_body(%arg0: i32, %arg1: i32, %arg2: memref<8000x40xi32, #tpu.memory_space<hbm>>, %arg3: memref<32x250x40xi32, #tpu.memory_space<hbm>>, %arg4: memref<10000x128xf32, #tpu.memory_space<hbm>>, %arg5: memref<10000x16xf32, #tpu.memory_space<hbm>>, %arg6: memref<10000x16xf32, #tpu.memory_space<hbm>>, %arg7: memref<16xf32, #tpu.memory_space<hbm>>, %arg8: memref<10240x128xf32, #tpu.memory_space<hbm>>, %arg9: memref<10240x16xf32, #tpu.memory_space<hbm>>, %arg10: memref<2x10240x128xf32, #tpu.memory_space<hbm>>, %arg11: memref<2x10240x16xf32, #tpu.memory_space<hbm>>, %arg12: memref<10240x128xf32, #tpu.memory_space<vmem_shared>>, %arg13: memref<10240x16xf32, #tpu.memory_space<vmem_shared>>, %arg14: memref<40xi32, #tpu.memory_space<vmem>>, %arg15: memref<40xi32, #tpu.memory_space<vmem>>, %arg16: memref<250x40xi32, #tpu.memory_space<vmem>>, %arg17: memref<40x128xf32, #tpu.memory_space<vmem>>, %arg18: memref<40x128xf32, #tpu.memory_space<vmem>>, %arg19: memref<40x16xf32, #tpu.memory_space<vmem>>, %arg20: memref<40x16xf32, #tpu.memory_space<vmem>>, %arg21: memref<40x16xf32, #tpu.memory_space<vmem>>, %arg22: memref<40x16xf32, #tpu.memory_space<vmem>>, %arg23: memref<40x128xf32, #tpu.memory_space<vmem>>, %arg24: memref<40x128xf32, #tpu.memory_space<vmem>>, %arg25: memref<40x16xf32, #tpu.memory_space<vmem>>, %arg26: memref<40x16xf32, #tpu.memory_space<vmem>>, %arg27: memref<16xf32, #tpu.memory_space<vmem>>, %arg28: memref<!tpu.dma_semaphore, #tpu.memory_space<semaphore_mem>>, %arg29: memref<!tpu.dma_semaphore, #tpu.memory_space<semaphore_mem>>, %arg30: memref<!tpu.dma_semaphore, #tpu.memory_space<semaphore_mem>>, %arg31: memref<!tpu.dma_semaphore, #tpu.memory_space<semaphore_mem>>, %arg32: memref<!tpu.dma_semaphore, #tpu.memory_space<semaphore_mem>>, %arg33: memref<!tpu.dma_semaphore, #tpu.memory_space<semaphore_mem>>) attributes {dimension_semantics = [#tpu.dimension_semantics<core_parallel>, #tpu.dimension_semantics<subcore_parallel>], iteration_bounds = array<i64: 2, 16>, scalar_prefetch = 0 : i64, scratch_operands = 22 : i64, tpu.core_type = #tpu.core_type<sc_vector_subcore>, window_params = [{transform_indices = #map}, {transform_indices = #map1}, {transform_indices = #map}, {transform_indices = #map}, {transform_indices = #map}, {transform_indices = #map2}, {transform_indices = #map}, {transform_indices = #map}, {transform_indices = #map1}, {transform_indices = #map1}]} {
    %mul3A = arith.constant 16 : i32
    %mul3A_0 = arith.muli %arg0, %mul3A : i32
    %add3A = arith.addi %mul3A_0, %arg1 : i32
    %mul3A_1 = arith.constant 640 : i32
    %mul3A_2 = arith.muli %arg1, %mul3A_1 : i32
    %mul3A_3 = arith.constant 250 : i32
    %mul3A_4 = arith.muli %add3A, %mul3A_3 : i32
    "tpu.region"() ({
      %run_scoped3A = tpu.sem_alloc : memref<!tpu.dma_semaphore, #tpu.memory_space<semaphore_mem>>
      %dma_start3A_67 = arith.constant 0 : i32
      %dma_start3A_68 = tpu.memref_slice %arg12[%mul3A_2, %dma_start3A_67] : memref<10240x128xf32, #tpu.memory_space<vmem_shared>> -> memref<640x128xf32, #tpu.memory_space<vmem_shared>>
      %dma_start3A_69 = arith.constant 0 : i32
      %dma_start3A_70 = tpu.memref_slice %arg8[%mul3A_2, %dma_start3A_69] : memref<10240x128xf32, #tpu.memory_space<hbm>> -> memref<640x128xf32, #tpu.memory_space<hbm>>
      tpu.enqueue_dma source(%dma_start3A_70 : memref<640x128xf32, #tpu.memory_space<hbm>>) target(%dma_start3A_68 : memref<640x128xf32, #tpu.memory_space<vmem_shared>>) target_semaphore(%run_scoped3A : memref<!tpu.dma_semaphore, #tpu.memory_space<semaphore_mem>>)
      %dma_wait3A_71 = arith.constant 0 : i32
      %dma_wait3A_72 = tpu.memref_slice %arg12[%mul3A_2, %dma_wait3A_71] : memref<10240x128xf32, #tpu.memory_space<vmem_shared>> -> memref<640x128xf32, #tpu.memory_space<vmem_shared>>
      %dma_wait3A_73 = arith.constant 0 : i32
      %dma_wait3A_74 = tpu.memref_slice %arg8[%mul3A_2, %dma_wait3A_73] : memref<10240x128xf32, #tpu.memory_space<hbm>> -> memref<640x128xf32, #tpu.memory_space<hbm>>
      tpu.wait_dma2 semaphore(%run_scoped3A : memref<!tpu.dma_semaphore, #tpu.memory_space<semaphore_mem>>) src(%dma_wait3A_74 : memref<640x128xf32, #tpu.memory_space<hbm>>) dst(%dma_wait3A_72 : memref<640x128xf32, #tpu.memory_space<vmem_shared>>)
      tpu.yield
    }) : () -> ()
    "tpu.region"() ({
      %run_scoped3A = tpu.sem_alloc : memref<!tpu.dma_semaphore, #tpu.memory_space<semaphore_mem>>
      %dma_start3A_67 = arith.constant 0 : i32
      %dma_start3A_68 = tpu.memref_slice %arg13[%mul3A_2, %dma_start3A_67] : memref<10240x16xf32, #tpu.memory_space<vmem_shared>> -> memref<640x16xf32, #tpu.memory_space<vmem_shared>>
      %dma_start3A_69 = arith.constant 0 : i32
      %dma_start3A_70 = tpu.memref_slice %arg9[%mul3A_2, %dma_start3A_69] : memref<10240x16xf32, #tpu.memory_space<hbm>> -> memref<640x16xf32, #tpu.memory_space<hbm>>
      tpu.enqueue_dma source(%dma_start3A_70 : memref<640x16xf32, #tpu.memory_space<hbm>>) target(%dma_start3A_68 : memref<640x16xf32, #tpu.memory_space<vmem_shared>>) target_semaphore(%run_scoped3A : memref<!tpu.dma_semaphore, #tpu.memory_space<semaphore_mem>>)
      %dma_wait3A_71 = arith.constant 0 : i32
      %dma_wait3A_72 = tpu.memref_slice %arg13[%mul3A_2, %dma_wait3A_71] : memref<10240x16xf32, #tpu.memory_space<vmem_shared>> -> memref<640x16xf32, #tpu.memory_space<vmem_shared>>
      %dma_wait3A_73 = arith.constant 0 : i32
      %dma_wait3A_74 = tpu.memref_slice %arg9[%mul3A_2, %dma_wait3A_73] : memref<10240x16xf32, #tpu.memory_space<hbm>> -> memref<640x16xf32, #tpu.memory_space<hbm>>
      tpu.wait_dma2 semaphore(%run_scoped3A : memref<!tpu.dma_semaphore, #tpu.memory_space<semaphore_mem>>) src(%dma_wait3A_74 : memref<640x16xf32, #tpu.memory_space<hbm>>) dst(%dma_wait3A_72 : memref<640x16xf32, #tpu.memory_space<vmem_shared>>)
      tpu.yield
    }) : () -> ()
    "tpu.region"() ({
      %run_scoped3A = tpu.sem_alloc : memref<!tpu.dma_semaphore, #tpu.memory_space<semaphore_mem>>
      tpu.enqueue_dma source(%arg7 : memref<16xf32, #tpu.memory_space<hbm>>) target(%arg27 : memref<16xf32, #tpu.memory_space<vmem>>) target_semaphore(%run_scoped3A : memref<!tpu.dma_semaphore, #tpu.memory_space<semaphore_mem>>)
      tpu.wait_dma2 semaphore(%run_scoped3A : memref<!tpu.dma_semaphore, #tpu.memory_space<semaphore_mem>>) src(%arg7 : memref<16xf32, #tpu.memory_space<hbm>>) dst(%arg27 : memref<16xf32, #tpu.memory_space<vmem>>)
      tpu.yield
    }) : () -> ()
    "tpu.region"() ({
      %run_scoped3A = tpu.sem_alloc : memref<!tpu.dma_semaphore, #tpu.memory_space<semaphore_mem>>
      %dma_start3A_67 = arith.constant 0 : i32
      %dma_start3A_68 = arith.constant 0 : i32
      %dma_start3A_69 = tpu.memref_slice %arg3[%add3A, %dma_start3A_67, %dma_start3A_68] : memref<32x250x40xi32, #tpu.memory_space<hbm>> -> memref<1x250x40xi32, #tpu.memory_space<hbm>>
      %dma_start3A_70 = tpu.memref_squeeze %dma_start3A_69 : memref<1x250x40xi32, #tpu.memory_space<hbm>> -> memref<250x40xi32, #tpu.memory_space<hbm>>
      %dma_start3A_71 = arith.constant 0 : i32
      %dma_start3A_72 = arith.constant 0 : i32
      %dma_start3A_73 = tpu.memref_slice %arg3[%add3A, %dma_start3A_71, %dma_start3A_72] : memref<32x250x40xi32, #tpu.memory_space<hbm>> -> memref<1x250x40xi32, #tpu.memory_space<hbm>>
      %dma_start3A_74 = tpu.memref_squeeze %dma_start3A_73 : memref<1x250x40xi32, #tpu.memory_space<hbm>> -> memref<250x40xi32, #tpu.memory_space<hbm>>
      tpu.enqueue_dma source(%dma_start3A_74 : memref<250x40xi32, #tpu.memory_space<hbm>>) target(%arg16 : memref<250x40xi32, #tpu.memory_space<vmem>>) target_semaphore(%run_scoped3A : memref<!tpu.dma_semaphore, #tpu.memory_space<semaphore_mem>>)
      %dma_wait3A_75 = arith.constant 0 : i32
      %dma_wait3A_76 = arith.constant 0 : i32
      %dma_wait3A_77 = tpu.memref_slice %arg3[%add3A, %dma_wait3A_75, %dma_wait3A_76] : memref<32x250x40xi32, #tpu.memory_space<hbm>> -> memref<1x250x40xi32, #tpu.memory_space<hbm>>
      %dma_wait3A_78 = tpu.memref_squeeze %dma_wait3A_77 : memref<1x250x40xi32, #tpu.memory_space<hbm>> -> memref<250x40xi32, #tpu.memory_space<hbm>>
      %dma_wait3A_79 = arith.constant 0 : i32
      %dma_wait3A_80 = arith.constant 0 : i32
      %dma_wait3A_81 = tpu.memref_slice %arg3[%add3A, %dma_wait3A_79, %dma_wait3A_80] : memref<32x250x40xi32, #tpu.memory_space<hbm>> -> memref<1x250x40xi32, #tpu.memory_space<hbm>>
      %dma_wait3A_82 = tpu.memref_squeeze %dma_wait3A_81 : memref<1x250x40xi32, #tpu.memory_space<hbm>> -> memref<250x40xi32, #tpu.memory_space<hbm>>
      tpu.wait_dma2 semaphore(%run_scoped3A : memref<!tpu.dma_semaphore, #tpu.memory_space<semaphore_mem>>) src(%dma_wait3A_82 : memref<250x40xi32, #tpu.memory_space<hbm>>) dst(%arg16 : memref<250x40xi32, #tpu.memory_space<vmem>>)
      tpu.yield
    }) : () -> ()
    "tpu.region"() ({
      %run_scoped3A = tpu.sem_alloc : memref<!tpu.dma_semaphore, #tpu.memory_space<semaphore_mem>>
      %dma_start3A_67 = arith.constant 0 : i32
      %dma_start3A_68 = tpu.memref_slice %arg2[%mul3A_4, %dma_start3A_67] : memref<8000x40xi32, #tpu.memory_space<hbm>> -> memref<1x40xi32, #tpu.memory_space<hbm>>
      %dma_start3A_69 = tpu.memref_squeeze %dma_start3A_68 : memref<1x40xi32, #tpu.memory_space<hbm>> -> memref<40xi32, #tpu.memory_space<hbm>>
      %dma_start3A_70 = arith.constant 0 : i32
      %dma_start3A_71 = tpu.memref_slice %arg2[%mul3A_4, %dma_start3A_70] : memref<8000x40xi32, #tpu.memory_space<hbm>> -> memref<1x40xi32, #tpu.memory_space<hbm>>
      %dma_start3A_72 = tpu.memref_squeeze %dma_start3A_71 : memref<1x40xi32, #tpu.memory_space<hbm>> -> memref<40xi32, #tpu.memory_space<hbm>>
      tpu.enqueue_dma source(%dma_start3A_72 : memref<40xi32, #tpu.memory_space<hbm>>) target(%arg14 : memref<40xi32, #tpu.memory_space<vmem>>) target_semaphore(%run_scoped3A : memref<!tpu.dma_semaphore, #tpu.memory_space<semaphore_mem>>)
      %dma_wait3A_73 = arith.constant 0 : i32
      %dma_wait3A_74 = tpu.memref_slice %arg2[%mul3A_4, %dma_wait3A_73] : memref<8000x40xi32, #tpu.memory_space<hbm>> -> memref<1x40xi32, #tpu.memory_space<hbm>>
      %dma_wait3A_75 = tpu.memref_squeeze %dma_wait3A_74 : memref<1x40xi32, #tpu.memory_space<hbm>> -> memref<40xi32, #tpu.memory_space<hbm>>
      %dma_wait3A_76 = arith.constant 0 : i32
      %dma_wait3A_77 = tpu.memref_slice %arg2[%mul3A_4, %dma_wait3A_76] : memref<8000x40xi32, #tpu.memory_space<hbm>> -> memref<1x40xi32, #tpu.memory_space<hbm>>
      %dma_wait3A_78 = tpu.memref_squeeze %dma_wait3A_77 : memref<1x40xi32, #tpu.memory_space<hbm>> -> memref<40xi32, #tpu.memory_space<hbm>>
      tpu.wait_dma2 semaphore(%run_scoped3A : memref<!tpu.dma_semaphore, #tpu.memory_space<semaphore_mem>>) src(%dma_wait3A_78 : memref<40xi32, #tpu.memory_space<hbm>>) dst(%arg14 : memref<40xi32, #tpu.memory_space<vmem>>)
      tpu.yield
    }) : () -> ()
    %add3A_5 = arith.constant 1 : i32
    %add3A_6 = arith.addi %mul3A_4, %add3A_5 : i32
    "tpu.region"() ({
      %run_scoped3A = tpu.sem_alloc : memref<!tpu.dma_semaphore, #tpu.memory_space<semaphore_mem>>
      %dma_start3A_67 = arith.constant 0 : i32
      %dma_start3A_68 = tpu.memref_slice %arg2[%add3A_6, %dma_start3A_67] : memref<8000x40xi32, #tpu.memory_space<hbm>> -> memref<1x40xi32, #tpu.memory_space<hbm>>
      %dma_start3A_69 = tpu.memref_squeeze %dma_start3A_68 : memref<1x40xi32, #tpu.memory_space<hbm>> -> memref<40xi32, #tpu.memory_space<hbm>>
      %dma_start3A_70 = arith.constant 0 : i32
      %dma_start3A_71 = tpu.memref_slice %arg2[%add3A_6, %dma_start3A_70] : memref<8000x40xi32, #tpu.memory_space<hbm>> -> memref<1x40xi32, #tpu.memory_space<hbm>>
      %dma_start3A_72 = tpu.memref_squeeze %dma_start3A_71 : memref<1x40xi32, #tpu.memory_space<hbm>> -> memref<40xi32, #tpu.memory_space<hbm>>
      tpu.enqueue_dma source(%dma_start3A_72 : memref<40xi32, #tpu.memory_space<hbm>>) target(%arg15 : memref<40xi32, #tpu.memory_space<vmem>>) target_semaphore(%run_scoped3A : memref<!tpu.dma_semaphore, #tpu.memory_space<semaphore_mem>>)
      %dma_wait3A_73 = arith.constant 0 : i32
      %dma_wait3A_74 = tpu.memref_slice %arg2[%add3A_6, %dma_wait3A_73] : memref<8000x40xi32, #tpu.memory_space<hbm>> -> memref<1x40xi32, #tpu.memory_space<hbm>>
      %dma_wait3A_75 = tpu.memref_squeeze %dma_wait3A_74 : memref<1x40xi32, #tpu.memory_space<hbm>> -> memref<40xi32, #tpu.memory_space<hbm>>
      %dma_wait3A_76 = arith.constant 0 : i32
      %dma_wait3A_77 = tpu.memref_slice %arg2[%add3A_6, %dma_wait3A_76] : memref<8000x40xi32, #tpu.memory_space<hbm>> -> memref<1x40xi32, #tpu.memory_space<hbm>>
      %dma_wait3A_78 = tpu.memref_squeeze %dma_wait3A_77 : memref<1x40xi32, #tpu.memory_space<hbm>> -> memref<40xi32, #tpu.memory_space<hbm>>
      tpu.wait_dma2 semaphore(%run_scoped3A : memref<!tpu.dma_semaphore, #tpu.memory_space<semaphore_mem>>) src(%dma_wait3A_78 : memref<40xi32, #tpu.memory_space<hbm>>) dst(%arg15 : memref<40xi32, #tpu.memory_space<vmem>>)
      tpu.yield
    }) : () -> ()
    %barrier3A = arith.constant 0 : index
    tpu.barrier barrier_id(%barrier3A)
    %get3A = arith.constant 0 : index
    %get3A_7 = tpu.vector_load %arg27[%get3A] {strides = array<i32>} : memref<16xf32, #tpu.memory_space<vmem>>, vector<16xf32>,
    %get3A_8 = vector.shape_cast %get3A_7 : vector<16xf32> to vector<16xf32>
    %dma_start3A = arith.constant 0 : i32
    %dma_start3A_9 = arith.constant 0 : i32
    %dma_start3A_10 = tpu.memref_slice %arg4[%dma_start3A, %dma_start3A_9] : memref<10000x128xf32, #tpu.memory_space<hbm>> -> memref<10000x128xf32, #tpu.memory_space<hbm>>
    tpu.enqueue_indirect_dma source(%dma_start3A_10 : memref<10000x128xf32, #tpu.memory_space<hbm>>) target(%arg17 : memref<40x128xf32, #tpu.memory_space<vmem>>) offsets(%arg14 : memref<40xi32, #tpu.memory_space<vmem>>) semaphore(%arg28 : memref<!tpu.dma_semaphore, #tpu.memory_space<semaphore_mem>>)
    %dma_start3A_11 = arith.constant 0 : i32
    %dma_start3A_12 = arith.constant 0 : i32
    %dma_start3A_13 = tpu.memref_slice %arg5[%dma_start3A_11, %dma_start3A_12] : memref<10000x16xf32, #tpu.memory_space<hbm>> -> memref<10000x16xf32, #tpu.memory_space<hbm>>
    tpu.enqueue_indirect_dma source(%dma_start3A_13 : memref<10000x16xf32, #tpu.memory_space<hbm>>) target(%arg19 : memref<40x16xf32, #tpu.memory_space<vmem>>) offsets(%arg14 : memref<40xi32, #tpu.memory_space<vmem>>) semaphore(%arg28 : memref<!tpu.dma_semaphore, #tpu.memory_space<semaphore_mem>>)
    %dma_start3A_14 = arith.constant 0 : i32
    %dma_start3A_15 = arith.constant 0 : i32
    %dma_start3A_16 = tpu.memref_slice %arg16[%dma_start3A_14, %dma_start3A_15] : memref<250x40xi32, #tpu.memory_space<vmem>> -> memref<1x40xi32, #tpu.memory_space<vmem>>
    %dma_start3A_17 = tpu.memref_squeeze %dma_start3A_16 : memref<1x40xi32, #tpu.memory_space<vmem>> -> memref<40xi32, #tpu.memory_space<vmem>>
    %dma_start3A_18 = arith.constant 0 : i32
    %dma_start3A_19 = arith.constant 0 : i32
    %dma_start3A_20 = tpu.memref_slice %arg6[%dma_start3A_18, %dma_start3A_19] : memref<10000x16xf32, #tpu.memory_space<hbm>> -> memref<10000x16xf32, #tpu.memory_space<hbm>>
    tpu.enqueue_indirect_dma source(%dma_start3A_20 : memref<10000x16xf32, #tpu.memory_space<hbm>>) target(%arg21 : memref<40x16xf32, #tpu.memory_space<vmem>>) offsets(%dma_start3A_17 : memref<40xi32, #tpu.memory_space<vmem>>) semaphore(%arg28 : memref<!tpu.dma_semaphore, #tpu.memory_space<semaphore_mem>>)
    %dma_start3A_21 = arith.constant 0 : i32
    %dma_start3A_22 = arith.constant 0 : i32
    %dma_start3A_23 = tpu.memref_slice %arg4[%dma_start3A_21, %dma_start3A_22] : memref<10000x128xf32, #tpu.memory_space<hbm>> -> memref<10000x128xf32, #tpu.memory_space<hbm>>
    tpu.enqueue_indirect_dma source(%dma_start3A_23 : memref<10000x128xf32, #tpu.memory_space<hbm>>) target(%arg18 : memref<40x128xf32, #tpu.memory_space<vmem>>) offsets(%arg15 : memref<40xi32, #tpu.memory_space<vmem>>) semaphore(%arg29 : memref<!tpu.dma_semaphore, #tpu.memory_space<semaphore_mem>>)
    %dma_start3A_24 = arith.constant 0 : i32
    %dma_start3A_25 = arith.constant 0 : i32
    %dma_start3A_26 = tpu.memref_slice %arg5[%dma_start3A_24, %dma_start3A_25] : memref<10000x16xf32, #tpu.memory_space<hbm>> -> memref<10000x16xf32, #tpu.memory_space<hbm>>
    tpu.enqueue_indirect_dma source(%dma_start3A_26 : memref<10000x16xf32, #tpu.memory_space<hbm>>) target(%arg20 : memref<40x16xf32, #tpu.memory_space<vmem>>) offsets(%arg15 : memref<40xi32, #tpu.memory_space<vmem>>) semaphore(%arg29 : memref<!tpu.dma_semaphore, #tpu.memory_space<semaphore_mem>>)
    %dma_start3A_27 = arith.constant 1 : i32
    %dma_start3A_28 = arith.constant 0 : i32
    %dma_start3A_29 = tpu.memref_slice %arg16[%dma_start3A_27, %dma_start3A_28] : memref<250x40xi32, #tpu.memory_space<vmem>> -> memref<1x40xi32, #tpu.memory_space<vmem>>
    %dma_start3A_30 = tpu.memref_squeeze %dma_start3A_29 : memref<1x40xi32, #tpu.memory_space<vmem>> -> memref<40xi32, #tpu.memory_space<vmem>>
    %dma_start3A_31 = arith.constant 0 : i32
    %dma_start3A_32 = arith.constant 0 : i32
    %dma_start3A_33 = tpu.memref_slice %arg6[%dma_start3A_31, %dma_start3A_32] : memref<10000x16xf32, #tpu.memory_space<hbm>> -> memref<10000x16xf32, #tpu.memory_space<hbm>>
    tpu.enqueue_indirect_dma source(%dma_start3A_33 : memref<10000x16xf32, #tpu.memory_space<hbm>>) target(%arg22 : memref<40x16xf32, #tpu.memory_space<vmem>>) offsets(%dma_start3A_30 : memref<40xi32, #tpu.memory_space<vmem>>) semaphore(%arg29 : memref<!tpu.dma_semaphore, #tpu.memory_space<semaphore_mem>>)
    %scan3A = arith.constant 0 : i32
    %scan3A_34 = arith.constant 0 : i32
    %scan3A_35 = arith.constant 125 : i32
    %scan3A_36 = arith.addi %scan3A_34, %scan3A_35 : i32
    %scan3A_37 = arith.constant 1 : i32
    scf.for %scan3A_67 = %scan3A_34 to %scan3A_36 step %scan3A_37  : i32 {
      %mul3A_68 = arith.constant 2 : i32
      %mul3A_69 = arith.muli %mul3A_68, %scan3A_67 : i32
      %dma_wait3A_70 = arith.constant 0 : i32
      %dma_wait3A_71 = arith.constant 0 : i32
      %dma_wait3A_72 = tpu.memref_slice %arg4[%dma_wait3A_70, %dma_wait3A_71] : memref<10000x128xf32, #tpu.memory_space<hbm>> -> memref<10000x128xf32, #tpu.memory_space<hbm>>
      tpu.wait_indirect_dma semaphore(%arg28 : memref<!tpu.dma_semaphore, #tpu.memory_space<semaphore_mem>>) src(%dma_wait3A_72 : memref<10000x128xf32, #tpu.memory_space<hbm>>) dst(%arg17 : memref<40x128xf32, #tpu.memory_space<vmem>>)
      %dma_wait3A_73 = arith.constant 0 : i32
      %dma_wait3A_74 = arith.constant 0 : i32
      %dma_wait3A_75 = tpu.memref_slice %arg5[%dma_wait3A_73, %dma_wait3A_74] : memref<10000x16xf32, #tpu.memory_space<hbm>> -> memref<10000x16xf32, #tpu.memory_space<hbm>>
      tpu.wait_indirect_dma semaphore(%arg28 : memref<!tpu.dma_semaphore, #tpu.memory_space<semaphore_mem>>) src(%dma_wait3A_75 : memref<10000x16xf32, #tpu.memory_space<hbm>>) dst(%arg19 : memref<40x16xf32, #tpu.memory_space<vmem>>)
      %dma_wait3A_76 = arith.constant 0 : i32
      %dma_wait3A_77 = arith.constant 0 : i32
      %dma_wait3A_78 = tpu.memref_slice %arg16[%dma_wait3A_76, %dma_wait3A_77] : memref<250x40xi32, #tpu.memory_space<vmem>> -> memref<1x40xi32, #tpu.memory_space<vmem>>
      %dma_wait3A_79 = tpu.memref_squeeze %dma_wait3A_78 : memref<1x40xi32, #tpu.memory_space<vmem>> -> memref<40xi32, #tpu.memory_space<vmem>>
      %dma_wait3A_80 = arith.constant 0 : i32
      %dma_wait3A_81 = arith.constant 0 : i32
      %dma_wait3A_82 = tpu.memref_slice %arg6[%dma_wait3A_80, %dma_wait3A_81] : memref<10000x16xf32, #tpu.memory_space<hbm>> -> memref<10000x16xf32, #tpu.memory_space<hbm>>
      tpu.wait_indirect_dma semaphore(%arg28 : memref<!tpu.dma_semaphore, #tpu.memory_space<semaphore_mem>>) src(%dma_wait3A_82 : memref<10000x16xf32, #tpu.memory_space<hbm>>) dst(%arg21 : memref<40x16xf32, #tpu.memory_space<vmem>>)
      %gt3A = arith.constant 0 : i32
      %gt3A_83 = arith.cmpi sgt, %scan3A_67, %gt3A : i32
      %convert_element_type3A = arith.extui %gt3A_83 : i1 to i32
      %cond3A = arith.constant 0 : i32
      %cond3A_84 = arith.cmpi ne, %convert_element_type3A, %cond3A : i32
      scf.if %cond3A_84 {
        %dma_wait3A_161 = arith.constant 0 : i32
        %dma_wait3A_162 = arith.constant 0 : i32
        %dma_wait3A_163 = tpu.memref_slice %arg16[%dma_wait3A_161, %dma_wait3A_162] : memref<250x40xi32, #tpu.memory_space<vmem>> -> memref<1x40xi32, #tpu.memory_space<vmem>>
        %dma_wait3A_164 = tpu.memref_squeeze %dma_wait3A_163 : memref<1x40xi32, #tpu.memory_space<vmem>> -> memref<40xi32, #tpu.memory_space<vmem>>
        %dma_wait3A_165 = arith.constant 0 : i32
        %dma_wait3A_166 = arith.constant 0 : i32
        %dma_wait3A_167 = tpu.memref_slice %arg12[%dma_wait3A_165, %dma_wait3A_166] : memref<10240x128xf32, #tpu.memory_space<vmem_shared>> -> memref<10240x128xf32, #tpu.memory_space<vmem_shared>>
        tpu.wait_indirect_dma semaphore(%arg30 : memref<!tpu.dma_semaphore, #tpu.memory_space<semaphore_mem>>) src(%arg23 : memref<40x128xf32, #tpu.memory_space<vmem>>) dst(%dma_wait3A_167 : memref<10240x128xf32, #tpu.memory_space<vmem_shared>>)
        %dma_wait3A_168 = arith.constant 0 : i32
        %dma_wait3A_169 = arith.constant 0 : i32
        %dma_wait3A_170 = tpu.memref_slice %arg16[%dma_wait3A_168, %dma_wait3A_169] : memref<250x40xi32, #tpu.memory_space<vmem>> -> memref<1x40xi32, #tpu.memory_space<vmem>>
        %dma_wait3A_171 = tpu.memref_squeeze %dma_wait3A_170 : memref<1x40xi32, #tpu.memory_space<vmem>> -> memref<40xi32, #tpu.memory_space<vmem>>
        %dma_wait3A_172 = arith.constant 0 : i32
        %dma_wait3A_173 = arith.constant 0 : i32
        %dma_wait3A_174 = tpu.memref_slice %arg13[%dma_wait3A_172, %dma_wait3A_173] : memref<10240x16xf32, #tpu.memory_space<vmem_shared>> -> memref<10240x16xf32, #tpu.memory_space<vmem_shared>>
        tpu.wait_indirect_dma semaphore(%arg30 : memref<!tpu.dma_semaphore, #tpu.memory_space<semaphore_mem>>) src(%arg25 : memref<40x16xf32, #tpu.memory_space<vmem>>) dst(%dma_wait3A_174 : memref<10240x16xf32, #tpu.memory_space<vmem_shared>>)
      } else {
      }
      %add3A_85 = arith.constant 2 : i32
      %add3A_86 = arith.addi %mul3A_69, %add3A_85 : i32
      %lt3A = arith.constant 250 : i32
      %lt3A_87 = arith.cmpi slt, %add3A_86, %lt3A : i32
      %convert_element_type3A_88 = arith.extui %lt3A_87 : i1 to i32
      %cond3A_89 = arith.constant 0 : i32
      %cond3A_90 = arith.cmpi ne, %convert_element_type3A_88, %cond3A_89 : i32
      scf.if %cond3A_90 {
        %add3A_161 = arith.addi %mul3A_4, %mul3A_69 : i32
        %add3A_162 = arith.constant 2 : i32
        %add3A_163 = arith.addi %add3A_161, %add3A_162 : i32
        %dma_start3A_164 = arith.constant 0 : i32
        %dma_start3A_165 = tpu.memref_slice %arg2[%add3A_163, %dma_start3A_164] : memref<8000x40xi32, #tpu.memory_space<hbm>> -> memref<1x40xi32, #tpu.memory_space<hbm>>
        %dma_start3A_166 = tpu.memref_squeeze %dma_start3A_165 : memref<1x40xi32, #tpu.memory_space<hbm>> -> memref<40xi32, #tpu.memory_space<hbm>>
        %dma_start3A_167 = arith.constant 0 : i32
        %dma_start3A_168 = tpu.memref_slice %arg2[%add3A_163, %dma_start3A_167] : memref<8000x40xi32, #tpu.memory_space<hbm>> -> memref<1x40xi32, #tpu.memory_space<hbm>>
        %dma_start3A_169 = tpu.memref_squeeze %dma_start3A_168 : memref<1x40xi32, #tpu.memory_space<hbm>> -> memref<40xi32, #tpu.memory_space<hbm>>
        tpu.enqueue_dma source(%dma_start3A_169 : memref<40xi32, #tpu.memory_space<hbm>>) target(%arg14 : memref<40xi32, #tpu.memory_space<vmem>>) target_semaphore(%arg32 : memref<!tpu.dma_semaphore, #tpu.memory_space<semaphore_mem>>)
      } else {
      }
      %parallel_loop3A = arith.constant 0 : i32
      %parallel_loop3A_91 = arith.constant 40 : i32
      %parallel_loop3A_92 = arith.constant 1 : i32
      scf.for %parallel_loop3A_161 = %parallel_loop3A to %parallel_loop3A_91 step %parallel_loop3A_92  : i32 {
        %parallel_loop3A_162 = arith.index_cast %parallel_loop3A_161 : i32 to index
        %parallel_loop3A_163 = arith.constant 0 : index
        %parallel_loop3A_164 = tpu.vector_load %arg19[%parallel_loop3A_162, %parallel_loop3A_163] {strides = array<i32>} : memref<40x16xf32, #tpu.memory_space<vmem>>, vector<1x16xf32>,
        %parallel_loop3A_165 = vector.shape_cast %parallel_loop3A_164 : vector<1x16xf32> to vector<16xf32>
        %parallel_loop3A_166 = arith.index_cast %parallel_loop3A_161 : i32 to index
        %parallel_loop3A_167 = arith.constant 0 : index
        %parallel_loop3A_168 = tpu.vector_load %arg21[%parallel_loop3A_166, %parallel_loop3A_167] {strides = array<i32>} : memref<40x16xf32, #tpu.memory_space<vmem>>, vector<1x16xf32>,
        %parallel_loop3A_169 = vector.shape_cast %parallel_loop3A_168 : vector<1x16xf32> to vector<16xf32>
        %parallel_loop3A_170 = arith.addf %parallel_loop3A_165, %parallel_loop3A_169 : vector<16xf32>
        %parallel_loop3A_171 = arith.constant 0.000000e+00 : f32
        %parallel_loop3A_172 = vector.broadcast %parallel_loop3A_171 : f32 to vector<16xf32>
        %parallel_loop3A_173 = arith.cmpf ogt, %parallel_loop3A_170, %parallel_loop3A_172 : vector<16xf32>
        %parallel_loop3A_174 = arith.constant 2.000000e-01 : f32
        %parallel_loop3A_175 = vector.broadcast %parallel_loop3A_174 : f32 to vector<16xf32>
        %parallel_loop3A_176 = arith.mulf %parallel_loop3A_175, %parallel_loop3A_170 : vector<16xf32>
        %parallel_loop3A_177 = arith.select %parallel_loop3A_173, %parallel_loop3A_170, %parallel_loop3A_176 : vector<16xi1>, vector<16xf32>
        %parallel_loop3A_178 = arith.subf %parallel_loop3A_177, %get3A_8 : vector<16xf32>
        %parallel_loop3A_179 = math.exp %parallel_loop3A_178 : vector<16xf32>
        %parallel_loop3A_180 = arith.index_cast %parallel_loop3A_161 : i32 to index
        %parallel_loop3A_181 = arith.constant 0 : index
        %parallel_loop3A_182 = tpu.vector_load %arg25[%parallel_loop3A_180, %parallel_loop3A_181] {strides = array<i32>} : memref<40x16xf32, #tpu.memory_space<vmem>>, vector<1x16xf32>,
        %parallel_loop3A_183 = vector.shape_cast %parallel_loop3A_182 : vector<1x16xf32> to vector<16xf32>
        %parallel_loop3A_184 = vector.shape_cast %parallel_loop3A_179 : vector<16xf32> to vector<1x16xf32>
        tpu.vector_store %arg25[%parallel_loop3A_180, %parallel_loop3A_181], %parallel_loop3A_184 {strides = array<i32>} : memref<40x16xf32, #tpu.memory_space<vmem>>, vector<1x16xf32>,
        %parallel_loop3A_185 = arith.index_cast %parallel_loop3A_161 : i32 to index
        %parallel_loop3A_186 = arith.constant 0 : index
        %parallel_loop3A_187 = tpu.vector_load %arg17[%parallel_loop3A_185, %parallel_loop3A_186] {strides = array<i32>} : memref<40x128xf32, #tpu.memory_space<vmem>>, vector<1x16xf32>,
        %parallel_loop3A_188 = vector.shape_cast %parallel_loop3A_187 : vector<1x16xf32> to vector<16xf32>
        %parallel_loop3A_189 = arith.mulf %parallel_loop3A_188, %parallel_loop3A_179 : vector<16xf32>
        %parallel_loop3A_190 = arith.index_cast %parallel_loop3A_161 : i32 to index
        %parallel_loop3A_191 = arith.constant 0 : index
        %parallel_loop3A_192 = tpu.vector_load %arg23[%parallel_loop3A_190, %parallel_loop3A_191] {strides = array<i32>} : memref<40x128xf32, #tpu.memory_space<vmem>>, vector<1x16xf32>,
        %parallel_loop3A_193 = vector.shape_cast %parallel_loop3A_192 : vector<1x16xf32> to vector<16xf32>
        %parallel_loop3A_194 = vector.shape_cast %parallel_loop3A_189 : vector<16xf32> to vector<1x16xf32>
        tpu.vector_store %arg23[%parallel_loop3A_190, %parallel_loop3A_191], %parallel_loop3A_194 {strides = array<i32>} : memref<40x128xf32, #tpu.memory_space<vmem>>, vector<1x16xf32>,
        %parallel_loop3A_195 = arith.index_cast %parallel_loop3A_161 : i32 to index
        %parallel_loop3A_196 = arith.constant 16 : index
        %parallel_loop3A_197 = tpu.vector_load %arg17[%parallel_loop3A_195, %parallel_loop3A_196] {strides = array<i32>} : memref<40x128xf32, #tpu.memory_space<vmem>>, vector<1x16xf32>,
        %parallel_loop3A_198 = vector.shape_cast %parallel_loop3A_197 : vector<1x16xf32> to vector<16xf32>
        %parallel_loop3A_199 = arith.mulf %parallel_loop3A_198, %parallel_loop3A_179 : vector<16xf32>
        %parallel_loop3A_200 = arith.index_cast %parallel_loop3A_161 : i32 to index
        %parallel_loop3A_201 = arith.constant 16 : index
        %parallel_loop3A_202 = tpu.vector_load %arg23[%parallel_loop3A_200, %parallel_loop3A_201] {strides = array<i32>} : memref<40x128xf32, #tpu.memory_space<vmem>>, vector<1x16xf32>,
        %parallel_loop3A_203 = vector.shape_cast %parallel_loop3A_202 : vector<1x16xf32> to vector<16xf32>
        %parallel_loop3A_204 = vector.shape_cast %parallel_loop3A_199 : vector<16xf32> to vector<1x16xf32>
        tpu.vector_store %arg23[%parallel_loop3A_200, %parallel_loop3A_201], %parallel_loop3A_204 {strides = array<i32>} : memref<40x128xf32, #tpu.memory_space<vmem>>, vector<1x16xf32>,
        %parallel_loop3A_205 = arith.index_cast %parallel_loop3A_161 : i32 to index
        %parallel_loop3A_206 = arith.constant 32 : index
        %parallel_loop3A_207 = tpu.vector_load %arg17[%parallel_loop3A_205, %parallel_loop3A_206] {strides = array<i32>} : memref<40x128xf32, #tpu.memory_space<vmem>>, vector<1x16xf32>,
        %parallel_loop3A_208 = vector.shape_cast %parallel_loop3A_207 : vector<1x16xf32> to vector<16xf32>
        %parallel_loop3A_209 = arith.mulf %parallel_loop3A_208, %parallel_loop3A_179 : vector<16xf32>
        %parallel_loop3A_210 = arith.index_cast %parallel_loop3A_161 : i32 to index
        %parallel_loop3A_211 = arith.constant 32 : index
        %parallel_loop3A_212 = tpu.vector_load %arg23[%parallel_loop3A_210, %parallel_loop3A_211] {strides = array<i32>} : memref<40x128xf32, #tpu.memory_space<vmem>>, vector<1x16xf32>,
        %parallel_loop3A_213 = vector.shape_cast %parallel_loop3A_212 : vector<1x16xf32> to vector<16xf32>
        %parallel_loop3A_214 = vector.shape_cast %parallel_loop3A_209 : vector<16xf32> to vector<1x16xf32>
        tpu.vector_store %arg23[%parallel_loop3A_210, %parallel_loop3A_211], %parallel_loop3A_214 {strides = array<i32>} : memref<40x128xf32, #tpu.memory_space<vmem>>, vector<1x16xf32>,
        %parallel_loop3A_215 = arith.index_cast %parallel_loop3A_161 : i32 to index
        %parallel_loop3A_216 = arith.constant 48 : index
        %parallel_loop3A_217 = tpu.vector_load %arg17[%parallel_loop3A_215, %parallel_loop3A_216] {strides = array<i32>} : memref<40x128xf32, #tpu.memory_space<vmem>>, vector<1x16xf32>,
        %parallel_loop3A_218 = vector.shape_cast %parallel_loop3A_217 : vector<1x16xf32> to vector<16xf32>
        %parallel_loop3A_219 = arith.mulf %parallel_loop3A_218, %parallel_loop3A_179 : vector<16xf32>
        %parallel_loop3A_220 = arith.index_cast %parallel_loop3A_161 : i32 to index
        %parallel_loop3A_221 = arith.constant 48 : index
        %parallel_loop3A_222 = tpu.vector_load %arg23[%parallel_loop3A_220, %parallel_loop3A_221] {strides = array<i32>} : memref<40x128xf32, #tpu.memory_space<vmem>>, vector<1x16xf32>,
        %parallel_loop3A_223 = vector.shape_cast %parallel_loop3A_222 : vector<1x16xf32> to vector<16xf32>
        %parallel_loop3A_224 = vector.shape_cast %parallel_loop3A_219 : vector<16xf32> to vector<1x16xf32>
        tpu.vector_store %arg23[%parallel_loop3A_220, %parallel_loop3A_221], %parallel_loop3A_224 {strides = array<i32>} : memref<40x128xf32, #tpu.memory_space<vmem>>, vector<1x16xf32>,
        %parallel_loop3A_225 = arith.index_cast %parallel_loop3A_161 : i32 to index
        %parallel_loop3A_226 = arith.constant 64 : index
        %parallel_loop3A_227 = tpu.vector_load %arg17[%parallel_loop3A_225, %parallel_loop3A_226] {strides = array<i32>} : memref<40x128xf32, #tpu.memory_space<vmem>>, vector<1x16xf32>,
        %parallel_loop3A_228 = vector.shape_cast %parallel_loop3A_227 : vector<1x16xf32> to vector<16xf32>
        %parallel_loop3A_229 = arith.mulf %parallel_loop3A_228, %parallel_loop3A_179 : vector<16xf32>
        %parallel_loop3A_230 = arith.index_cast %parallel_loop3A_161 : i32 to index
        %parallel_loop3A_231 = arith.constant 64 : index
        %parallel_loop3A_232 = tpu.vector_load %arg23[%parallel_loop3A_230, %parallel_loop3A_231] {strides = array<i32>} : memref<40x128xf32, #tpu.memory_space<vmem>>, vector<1x16xf32>,
        %parallel_loop3A_233 = vector.shape_cast %parallel_loop3A_232 : vector<1x16xf32> to vector<16xf32>
        %parallel_loop3A_234 = vector.shape_cast %parallel_loop3A_229 : vector<16xf32> to vector<1x16xf32>
        tpu.vector_store %arg23[%parallel_loop3A_230, %parallel_loop3A_231], %parallel_loop3A_234 {strides = array<i32>} : memref<40x128xf32, #tpu.memory_space<vmem>>, vector<1x16xf32>,
        %parallel_loop3A_235 = arith.index_cast %parallel_loop3A_161 : i32 to index
        %parallel_loop3A_236 = arith.constant 80 : index
        %parallel_loop3A_237 = tpu.vector_load %arg17[%parallel_loop3A_235, %parallel_loop3A_236] {strides = array<i32>} : memref<40x128xf32, #tpu.memory_space<vmem>>, vector<1x16xf32>,
        %parallel_loop3A_238 = vector.shape_cast %parallel_loop3A_237 : vector<1x16xf32> to vector<16xf32>
        %parallel_loop3A_239 = arith.mulf %parallel_loop3A_238, %parallel_loop3A_179 : vector<16xf32>
        %parallel_loop3A_240 = arith.index_cast %parallel_loop3A_161 : i32 to index
        %parallel_loop3A_241 = arith.constant 80 : index
        %parallel_loop3A_242 = tpu.vector_load %arg23[%parallel_loop3A_240, %parallel_loop3A_241] {strides = array<i32>} : memref<40x128xf32, #tpu.memory_space<vmem>>, vector<1x16xf32>,
        %parallel_loop3A_243 = vector.shape_cast %parallel_loop3A_242 : vector<1x16xf32> to vector<16xf32>
        %parallel_loop3A_244 = vector.shape_cast %parallel_loop3A_239 : vector<16xf32> to vector<1x16xf32>
        tpu.vector_store %arg23[%parallel_loop3A_240, %parallel_loop3A_241], %parallel_loop3A_244 {strides = array<i32>} : memref<40x128xf32, #tpu.memory_space<vmem>>, vector<1x16xf32>,
        %parallel_loop3A_245 = arith.index_cast %parallel_loop3A_161 : i32 to index
        %parallel_loop3A_246 = arith.constant 96 : index
        %parallel_loop3A_247 = tpu.vector_load %arg17[%parallel_loop3A_245, %parallel_loop3A_246] {strides = array<i32>} : memref<40x128xf32, #tpu.memory_space<vmem>>, vector<1x16xf32>,
        %parallel_loop3A_248 = vector.shape_cast %parallel_loop3A_247 : vector<1x16xf32> to vector<16xf32>
        %parallel_loop3A_249 = arith.mulf %parallel_loop3A_248, %parallel_loop3A_179 : vector<16xf32>
        %parallel_loop3A_250 = arith.index_cast %parallel_loop3A_161 : i32 to index
        %parallel_loop3A_251 = arith.constant 96 : index
        %parallel_loop3A_252 = tpu.vector_load %arg23[%parallel_loop3A_250, %parallel_loop3A_251] {strides = array<i32>} : memref<40x128xf32, #tpu.memory_space<vmem>>, vector<1x16xf32>,
        %parallel_loop3A_253 = vector.shape_cast %parallel_loop3A_252 : vector<1x16xf32> to vector<16xf32>
        %parallel_loop3A_254 = vector.shape_cast %parallel_loop3A_249 : vector<16xf32> to vector<1x16xf32>
        tpu.vector_store %arg23[%parallel_loop3A_250, %parallel_loop3A_251], %parallel_loop3A_254 {strides = array<i32>} : memref<40x128xf32, #tpu.memory_space<vmem>>, vector<1x16xf32>,
        %parallel_loop3A_255 = arith.index_cast %parallel_loop3A_161 : i32 to index
        %parallel_loop3A_256 = arith.constant 112 : index
        %parallel_loop3A_257 = tpu.vector_load %arg17[%parallel_loop3A_255, %parallel_loop3A_256] {strides = array<i32>} : memref<40x128xf32, #tpu.memory_space<vmem>>, vector<1x16xf32>,
        %parallel_loop3A_258 = vector.shape_cast %parallel_loop3A_257 : vector<1x16xf32> to vector<16xf32>
        %parallel_loop3A_259 = arith.mulf %parallel_loop3A_258, %parallel_loop3A_179 : vector<16xf32>
        %parallel_loop3A_260 = arith.index_cast %parallel_loop3A_161 : i32 to index
        %parallel_loop3A_261 = arith.constant 112 : index
        %parallel_loop3A_262 = tpu.vector_load %arg23[%parallel_loop3A_260, %parallel_loop3A_261] {strides = array<i32>} : memref<40x128xf32, #tpu.memory_space<vmem>>, vector<1x16xf32>,
        %parallel_loop3A_263 = vector.shape_cast %parallel_loop3A_262 : vector<1x16xf32> to vector<16xf32>
        %parallel_loop3A_264 = vector.shape_cast %parallel_loop3A_259 : vector<16xf32> to vector<1x16xf32>
        tpu.vector_store %arg23[%parallel_loop3A_260, %parallel_loop3A_261], %parallel_loop3A_264 {strides = array<i32>} : memref<40x128xf32, #tpu.memory_space<vmem>>, vector<1x16xf32>,
      } {sc.loop_unroll_factor = 8 : i64, sc.parallel_access}
      %dma_start3A_93 = arith.constant 0 : i32
      %dma_start3A_94 = tpu.memref_slice %arg16[%mul3A_69, %dma_start3A_93] : memref<250x40xi32, #tpu.memory_space<vmem>> -> memref<1x40xi32, #tpu.memory_space<vmem>>
      %dma_start3A_95 = tpu.memref_squeeze %dma_start3A_94 : memref<1x40xi32, #tpu.memory_space<vmem>> -> memref<40xi32, #tpu.memory_space<vmem>>
      %dma_start3A_96 = arith.constant 0 : i32
      %dma_start3A_97 = arith.constant 0 : i32
      %dma_start3A_98 = tpu.memref_slice %arg12[%dma_start3A_96, %dma_start3A_97] : memref<10240x128xf32, #tpu.memory_space<vmem_shared>> -> memref<10240x128xf32, #tpu.memory_space<vmem_shared>>
      tpu.enqueue_indirect_dma source(%arg23 : memref<40x128xf32, #tpu.memory_space<vmem>>) target(%dma_start3A_98 : memref<10240x128xf32, #tpu.memory_space<vmem_shared>>) offsets(%dma_start3A_95 : memref<40xi32, #tpu.memory_space<vmem>>) semaphore(%arg30 : memref<!tpu.dma_semaphore, #tpu.memory_space<semaphore_mem>>) {add = true}
      %dma_start3A_99 = arith.constant 0 : i32
      %dma_start3A_100 = tpu.memref_slice %arg16[%mul3A_69, %dma_start3A_99] : memref<250x40xi32, #tpu.memory_space<vmem>> -> memref<1x40xi32, #tpu.memory_space<vmem>>
      %dma_start3A_101 = tpu.memref_squeeze %dma_start3A_100 : memref<1x40xi32, #tpu.memory_space<vmem>> -> memref<40xi32, #tpu.memory_space<vmem>>
      %dma_start3A_102 = arith.constant 0 : i32
      %dma_start3A_103 = arith.constant 0 : i32
      %dma_start3A_104 = tpu.memref_slice %arg13[%dma_start3A_102, %dma_start3A_103] : memref<10240x16xf32, #tpu.memory_space<vmem_shared>> -> memref<10240x16xf32, #tpu.memory_space<vmem_shared>>
      tpu.enqueue_indirect_dma source(%arg25 : memref<40x16xf32, #tpu.memory_space<vmem>>) target(%dma_start3A_104 : memref<10240x16xf32, #tpu.memory_space<vmem_shared>>) offsets(%dma_start3A_101 : memref<40xi32, #tpu.memory_space<vmem>>) semaphore(%arg30 : memref<!tpu.dma_semaphore, #tpu.memory_space<semaphore_mem>>) {add = true}
      %add3A_105 = arith.constant 2 : i32
      %add3A_106 = arith.addi %mul3A_69, %add3A_105 : i32
      %lt3A_107 = arith.constant 250 : i32
      %lt3A_108 = arith.cmpi slt, %add3A_106, %lt3A_107 : i32
      %convert_element_type3A_109 = arith.extui %lt3A_108 : i1 to i32
      %cond3A_110 = arith.constant 0 : i32
      %cond3A_111 = arith.cmpi ne, %convert_element_type3A_109, %cond3A_110 : i32
      scf.if %cond3A_111 {
        %dma_wait3A_161 = arith.constant 0 : i32
        %dma_wait3A_162 = tpu.memref_slice %arg2[%mul3A_4, %dma_wait3A_161] : memref<8000x40xi32, #tpu.memory_space<hbm>> -> memref<1x40xi32, #tpu.memory_space<hbm>>
        %dma_wait3A_163 = tpu.memref_squeeze %dma_wait3A_162 : memref<1x40xi32, #tpu.memory_space<hbm>> -> memref<40xi32, #tpu.memory_space<hbm>>
        %dma_wait3A_164 = arith.constant 0 : i32
        %dma_wait3A_165 = tpu.memref_slice %arg2[%mul3A_4, %dma_wait3A_164] : memref<8000x40xi32, #tpu.memory_space<hbm>> -> memref<1x40xi32, #tpu.memory_space<hbm>>
        %dma_wait3A_166 = tpu.memref_squeeze %dma_wait3A_165 : memref<1x40xi32, #tpu.memory_space<hbm>> -> memref<40xi32, #tpu.memory_space<hbm>>
        tpu.wait_dma2 semaphore(%arg32 : memref<!tpu.dma_semaphore, #tpu.memory_space<semaphore_mem>>) src(%dma_wait3A_166 : memref<40xi32, #tpu.memory_space<hbm>>) dst(%arg14 : memref<40xi32, #tpu.memory_space<vmem>>)
        %add3A_167 = arith.constant 2 : i32
        %add3A_168 = arith.addi %mul3A_69, %add3A_167 : i32
        %dma_start3A_169 = arith.constant 0 : i32
        %dma_start3A_170 = arith.constant 0 : i32
        %dma_start3A_171 = tpu.memref_slice %arg4[%dma_start3A_169, %dma_start3A_170] : memref<10000x128xf32, #tpu.memory_space<hbm>> -> memref<10000x128xf32, #tpu.memory_space<hbm>>
        tpu.enqueue_indirect_dma source(%dma_start3A_171 : memref<10000x128xf32, #tpu.memory_space<hbm>>) target(%arg17 : memref<40x128xf32, #tpu.memory_space<vmem>>) offsets(%arg14 : memref<40xi32, #tpu.memory_space<vmem>>) semaphore(%arg28 : memref<!tpu.dma_semaphore, #tpu.memory_space<semaphore_mem>>)
        %dma_start3A_172 = arith.constant 0 : i32
        %dma_start3A_173 = arith.constant 0 : i32
        %dma_start3A_174 = tpu.memref_slice %arg5[%dma_start3A_172, %dma_start3A_173] : memref<10000x16xf32, #tpu.memory_space<hbm>> -> memref<10000x16xf32, #tpu.memory_space<hbm>>
        tpu.enqueue_indirect_dma source(%dma_start3A_174 : memref<10000x16xf32, #tpu.memory_space<hbm>>) target(%arg19 : memref<40x16xf32, #tpu.memory_space<vmem>>) offsets(%arg14 : memref<40xi32, #tpu.memory_space<vmem>>) semaphore(%arg28 : memref<!tpu.dma_semaphore, #tpu.memory_space<semaphore_mem>>)
        %dma_start3A_175 = arith.constant 0 : i32
        %dma_start3A_176 = tpu.memref_slice %arg16[%add3A_168, %dma_start3A_175] : memref<250x40xi32, #tpu.memory_space<vmem>> -> memref<1x40xi32, #tpu.memory_space<vmem>>
        %dma_start3A_177 = tpu.memref_squeeze %dma_start3A_176 : memref<1x40xi32, #tpu.memory_space<vmem>> -> memref<40xi32, #tpu.memory_space<vmem>>
        %dma_start3A_178 = arith.constant 0 : i32
        %dma_start3A_179 = arith.constant 0 : i32
        %dma_start3A_180 = tpu.memref_slice %arg6[%dma_start3A_178, %dma_start3A_179] : memref<10000x16xf32, #tpu.memory_space<hbm>> -> memref<10000x16xf32, #tpu.memory_space<hbm>>
        tpu.enqueue_indirect_dma source(%dma_start3A_180 : memref<10000x16xf32, #tpu.memory_space<hbm>>) target(%arg21 : memref<40x16xf32, #tpu.memory_space<vmem>>) offsets(%dma_start3A_177 : memref<40xi32, #tpu.memory_space<vmem>>) semaphore(%arg28 : memref<!tpu.dma_semaphore, #tpu.memory_space<semaphore_mem>>)
      } else {
      }
      %add3A_112 = arith.constant 1 : i32
      %add3A_113 = arith.addi %mul3A_69, %add3A_112 : i32
      %dma_wait3A_114 = arith.constant 0 : i32
      %dma_wait3A_115 = arith.constant 0 : i32
      %dma_wait3A_116 = tpu.memref_slice %arg4[%dma_wait3A_114, %dma_wait3A_115] : memref<10000x128xf32, #tpu.memory_space<hbm>> -> memref<10000x128xf32, #tpu.memory_space<hbm>>
      tpu.wait_indirect_dma semaphore(%arg29 : memref<!tpu.dma_semaphore, #tpu.memory_space<semaphore_mem>>) src(%dma_wait3A_116 : memref<10000x128xf32, #tpu.memory_space<hbm>>) dst(%arg18 : memref<40x128xf32, #tpu.memory_space<vmem>>)
      %dma_wait3A_117 = arith.constant 0 : i32
      %dma_wait3A_118 = arith.constant 0 : i32
      %dma_wait3A_119 = tpu.memref_slice %arg5[%dma_wait3A_117, %dma_wait3A_118] : memref<10000x16xf32, #tpu.memory_space<hbm>> -> memref<10000x16xf32, #tpu.memory_space<hbm>>
      tpu.wait_indirect_dma semaphore(%arg29 : memref<!tpu.dma_semaphore, #tpu.memory_space<semaphore_mem>>) src(%dma_wait3A_119 : memref<10000x16xf32, #tpu.memory_space<hbm>>) dst(%arg20 : memref<40x16xf32, #tpu.memory_space<vmem>>)
      %dma_wait3A_120 = arith.constant 0 : i32
      %dma_wait3A_121 = arith.constant 0 : i32
      %dma_wait3A_122 = tpu.memref_slice %arg16[%dma_wait3A_120, %dma_wait3A_121] : memref<250x40xi32, #tpu.memory_space<vmem>> -> memref<1x40xi32, #tpu.memory_space<vmem>>
      %dma_wait3A_123 = tpu.memref_squeeze %dma_wait3A_122 : memref<1x40xi32, #tpu.memory_space<vmem>> -> memref<40xi32, #tpu.memory_space<vmem>>
      %dma_wait3A_124 = arith.constant 0 : i32
      %dma_wait3A_125 = arith.constant 0 : i32
      %dma_wait3A_126 = tpu.memref_slice %arg6[%dma_wait3A_124, %dma_wait3A_125] : memref<10000x16xf32, #tpu.memory_space<hbm>> -> memref<10000x16xf32, #tpu.memory_space<hbm>>
      tpu.wait_indirect_dma semaphore(%arg29 : memref<!tpu.dma_semaphore, #tpu.memory_space<semaphore_mem>>) src(%dma_wait3A_126 : memref<10000x16xf32, #tpu.memory_space<hbm>>) dst(%arg22 : memref<40x16xf32, #tpu.memory_space<vmem>>)
      %gt3A_127 = arith.constant 0 : i32
      %gt3A_128 = arith.cmpi sgt, %scan3A_67, %gt3A_127 : i32
      %convert_element_type3A_129 = arith.extui %gt3A_128 : i1 to i32
      %cond3A_130 = arith.constant 0 : i32
      %cond3A_131 = arith.cmpi ne, %convert_element_type3A_129, %cond3A_130 : i32
      scf.if %cond3A_131 {
        %dma_wait3A_161 = arith.constant 0 : i32
        %dma_wait3A_162 = arith.constant 0 : i32
        %dma_wait3A_163 = tpu.memref_slice %arg16[%dma_wait3A_161, %dma_wait3A_162] : memref<250x40xi32, #tpu.memory_space<vmem>> -> memref<1x40xi32, #tpu.memory_space<vmem>>
        %dma_wait3A_164 = tpu.memref_squeeze %dma_wait3A_163 : memref<1x40xi32, #tpu.memory_space<vmem>> -> memref<40xi32, #tpu.memory_space<vmem>>
        %dma_wait3A_165 = arith.constant 0 : i32
        %dma_wait3A_166 = arith.constant 0 : i32
        %dma_wait3A_167 = tpu.memref_slice %arg12[%dma_wait3A_165, %dma_wait3A_166] : memref<10240x128xf32, #tpu.memory_space<vmem_shared>> -> memref<10240x128xf32, #tpu.memory_space<vmem_shared>>
        tpu.wait_indirect_dma semaphore(%arg31 : memref<!tpu.dma_semaphore, #tpu.memory_space<semaphore_mem>>) src(%arg24 : memref<40x128xf32, #tpu.memory_space<vmem>>) dst(%dma_wait3A_167 : memref<10240x128xf32, #tpu.memory_space<vmem_shared>>)
        %dma_wait3A_168 = arith.constant 0 : i32
        %dma_wait3A_169 = arith.constant 0 : i32
        %dma_wait3A_170 = tpu.memref_slice %arg16[%dma_wait3A_168, %dma_wait3A_169] : memref<250x40xi32, #tpu.memory_space<vmem>> -> memref<1x40xi32, #tpu.memory_space<vmem>>
        %dma_wait3A_171 = tpu.memref_squeeze %dma_wait3A_170 : memref<1x40xi32, #tpu.memory_space<vmem>> -> memref<40xi32, #tpu.memory_space<vmem>>
        %dma_wait3A_172 = arith.constant 0 : i32
        %dma_wait3A_173 = arith.constant 0 : i32
        %dma_wait3A_174 = tpu.memref_slice %arg13[%dma_wait3A_172, %dma_wait3A_173] : memref<10240x16xf32, #tpu.memory_space<vmem_shared>> -> memref<10240x16xf32, #tpu.memory_space<vmem_shared>>
        tpu.wait_indirect_dma semaphore(%arg31 : memref<!tpu.dma_semaphore, #tpu.memory_space<semaphore_mem>>) src(%arg26 : memref<40x16xf32, #tpu.memory_space<vmem>>) dst(%dma_wait3A_174 : memref<10240x16xf32, #tpu.memory_space<vmem_shared>>)
      } else {
      }
      %add3A_132 = arith.constant 2 : i32
      %add3A_133 = arith.addi %add3A_113, %add3A_132 : i32
      %lt3A_134 = arith.constant 250 : i32
      %lt3A_135 = arith.cmpi slt, %add3A_133, %lt3A_134 : i32
      %convert_element_type3A_136 = arith.extui %lt3A_135 : i1 to i32
      %cond3A_137 = arith.constant 0 : i32
      %cond3A_138 = arith.cmpi ne, %convert_element_type3A_136, %cond3A_137 : i32
      scf.if %cond3A_138 {
        %add3A_161 = arith.addi %mul3A_4, %add3A_113 : i32
        %add3A_162 = arith.constant 2 : i32
        %add3A_163 = arith.addi %add3A_161, %add3A_162 : i32
        %dma_start3A_164 = arith.constant 0 : i32
        %dma_start3A_165 = tpu.memref_slice %arg2[%add3A_163, %dma_start3A_164] : memref<8000x40xi32, #tpu.memory_space<hbm>> -> memref<1x40xi32, #tpu.memory_space<hbm>>
        %dma_start3A_166 = tpu.memref_squeeze %dma_start3A_165 : memref<1x40xi32, #tpu.memory_space<hbm>> -> memref<40xi32, #tpu.memory_space<hbm>>
        %dma_start3A_167 = arith.constant 0 : i32
        %dma_start3A_168 = tpu.memref_slice %arg2[%add3A_163, %dma_start3A_167] : memref<8000x40xi32, #tpu.memory_space<hbm>> -> memref<1x40xi32, #tpu.memory_space<hbm>>
        %dma_start3A_169 = tpu.memref_squeeze %dma_start3A_168 : memref<1x40xi32, #tpu.memory_space<hbm>> -> memref<40xi32, #tpu.memory_space<hbm>>
        tpu.enqueue_dma source(%dma_start3A_169 : memref<40xi32, #tpu.memory_space<hbm>>) target(%arg15 : memref<40xi32, #tpu.memory_space<vmem>>) target_semaphore(%arg33 : memref<!tpu.dma_semaphore, #tpu.memory_space<semaphore_mem>>)
      } else {
      }
      %parallel_loop3A_139 = arith.constant 0 : i32
      %parallel_loop3A_140 = arith.constant 40 : i32
      %parallel_loop3A_141 = arith.constant 1 : i32
      scf.for %parallel_loop3A_161 = %parallel_loop3A_139 to %parallel_loop3A_140 step %parallel_loop3A_141  : i32 {
        %parallel_loop3A_162 = arith.index_cast %parallel_loop3A_161 : i32 to index
        %parallel_loop3A_163 = arith.constant 0 : index
        %parallel_loop3A_164 = tpu.vector_load %arg20[%parallel_loop3A_162, %parallel_loop3A_163] {strides = array<i32>} : memref<40x16xf32, #tpu.memory_space<vmem>>, vector<1x16xf32>,
        %parallel_loop3A_165 = vector.shape_cast %parallel_loop3A_164 : vector<1x16xf32> to vector<16xf32>
        %parallel_loop3A_166 = arith.index_cast %parallel_loop3A_161 : i32 to index
        %parallel_loop3A_167 = arith.constant 0 : index
        %parallel_loop3A_168 = tpu.vector_load %arg22[%parallel_loop3A_166, %parallel_loop3A_167] {strides = array<i32>} : memref<40x16xf32, #tpu.memory_space<vmem>>, vector<1x16xf32>,
        %parallel_loop3A_169 = vector.shape_cast %parallel_loop3A_168 : vector<1x16xf32> to vector<16xf32>
        %parallel_loop3A_170 = arith.addf %parallel_loop3A_165, %parallel_loop3A_169 : vector<16xf32>
        %parallel_loop3A_171 = arith.constant 0.000000e+00 : f32
        %parallel_loop3A_172 = vector.broadcast %parallel_loop3A_171 : f32 to vector<16xf32>
        %parallel_loop3A_173 = arith.cmpf ogt, %parallel_loop3A_170, %parallel_loop3A_172 : vector<16xf32>
        %parallel_loop3A_174 = arith.constant 2.000000e-01 : f32
        %parallel_loop3A_175 = vector.broadcast %parallel_loop3A_174 : f32 to vector<16xf32>
        %parallel_loop3A_176 = arith.mulf %parallel_loop3A_175, %parallel_loop3A_170 : vector<16xf32>
        %parallel_loop3A_177 = arith.select %parallel_loop3A_173, %parallel_loop3A_170, %parallel_loop3A_176 : vector<16xi1>, vector<16xf32>
        %parallel_loop3A_178 = arith.subf %parallel_loop3A_177, %get3A_8 : vector<16xf32>
        %parallel_loop3A_179 = math.exp %parallel_loop3A_178 : vector<16xf32>
        %parallel_loop3A_180 = arith.index_cast %parallel_loop3A_161 : i32 to index
        %parallel_loop3A_181 = arith.constant 0 : index
        %parallel_loop3A_182 = tpu.vector_load %arg26[%parallel_loop3A_180, %parallel_loop3A_181] {strides = array<i32>} : memref<40x16xf32, #tpu.memory_space<vmem>>, vector<1x16xf32>,
        %parallel_loop3A_183 = vector.shape_cast %parallel_loop3A_182 : vector<1x16xf32> to vector<16xf32>
        %parallel_loop3A_184 = vector.shape_cast %parallel_loop3A_179 : vector<16xf32> to vector<1x16xf32>
        tpu.vector_store %arg26[%parallel_loop3A_180, %parallel_loop3A_181], %parallel_loop3A_184 {strides = array<i32>} : memref<40x16xf32, #tpu.memory_space<vmem>>, vector<1x16xf32>,
        %parallel_loop3A_185 = arith.index_cast %parallel_loop3A_161 : i32 to index
        %parallel_loop3A_186 = arith.constant 0 : index
        %parallel_loop3A_187 = tpu.vector_load %arg18[%parallel_loop3A_185, %parallel_loop3A_186] {strides = array<i32>} : memref<40x128xf32, #tpu.memory_space<vmem>>, vector<1x16xf32>,
        %parallel_loop3A_188 = vector.shape_cast %parallel_loop3A_187 : vector<1x16xf32> to vector<16xf32>
        %parallel_loop3A_189 = arith.mulf %parallel_loop3A_188, %parallel_loop3A_179 : vector<16xf32>
        %parallel_loop3A_190 = arith.index_cast %parallel_loop3A_161 : i32 to index
        %parallel_loop3A_191 = arith.constant 0 : index
        %parallel_loop3A_192 = tpu.vector_load %arg24[%parallel_loop3A_190, %parallel_loop3A_191] {strides = array<i32>} : memref<40x128xf32, #tpu.memory_space<vmem>>, vector<1x16xf32>,
        %parallel_loop3A_193 = vector.shape_cast %parallel_loop3A_192 : vector<1x16xf32> to vector<16xf32>
        %parallel_loop3A_194 = vector.shape_cast %parallel_loop3A_189 : vector<16xf32> to vector<1x16xf32>
        tpu.vector_store %arg24[%parallel_loop3A_190, %parallel_loop3A_191], %parallel_loop3A_194 {strides = array<i32>} : memref<40x128xf32, #tpu.memory_space<vmem>>, vector<1x16xf32>,
        %parallel_loop3A_195 = arith.index_cast %parallel_loop3A_161 : i32 to index
        %parallel_loop3A_196 = arith.constant 16 : index
        %parallel_loop3A_197 = tpu.vector_load %arg18[%parallel_loop3A_195, %parallel_loop3A_196] {strides = array<i32>} : memref<40x128xf32, #tpu.memory_space<vmem>>, vector<1x16xf32>,
        %parallel_loop3A_198 = vector.shape_cast %parallel_loop3A_197 : vector<1x16xf32> to vector<16xf32>
        %parallel_loop3A_199 = arith.mulf %parallel_loop3A_198, %parallel_loop3A_179 : vector<16xf32>
        %parallel_loop3A_200 = arith.index_cast %parallel_loop3A_161 : i32 to index
        %parallel_loop3A_201 = arith.constant 16 : index
        %parallel_loop3A_202 = tpu.vector_load %arg24[%parallel_loop3A_200, %parallel_loop3A_201] {strides = array<i32>} : memref<40x128xf32, #tpu.memory_space<vmem>>, vector<1x16xf32>,
        %parallel_loop3A_203 = vector.shape_cast %parallel_loop3A_202 : vector<1x16xf32> to vector<16xf32>
        %parallel_loop3A_204 = vector.shape_cast %parallel_loop3A_199 : vector<16xf32> to vector<1x16xf32>
        tpu.vector_store %arg24[%parallel_loop3A_200, %parallel_loop3A_201], %parallel_loop3A_204 {strides = array<i32>} : memref<40x128xf32, #tpu.memory_space<vmem>>, vector<1x16xf32>,
        %parallel_loop3A_205 = arith.index_cast %parallel_loop3A_161 : i32 to index
        %parallel_loop3A_206 = arith.constant 32 : index
        %parallel_loop3A_207 = tpu.vector_load %arg18[%parallel_loop3A_205, %parallel_loop3A_206] {strides = array<i32>} : memref<40x128xf32, #tpu.memory_space<vmem>>, vector<1x16xf32>,
        %parallel_loop3A_208 = vector.shape_cast %parallel_loop3A_207 : vector<1x16xf32> to vector<16xf32>
        %parallel_loop3A_209 = arith.mulf %parallel_loop3A_208, %parallel_loop3A_179 : vector<16xf32>
        %parallel_loop3A_210 = arith.index_cast %parallel_loop3A_161 : i32 to index
        %parallel_loop3A_211 = arith.constant 32 : index
        %parallel_loop3A_212 = tpu.vector_load %arg24[%parallel_loop3A_210, %parallel_loop3A_211] {strides = array<i32>} : memref<40x128xf32, #tpu.memory_space<vmem>>, vector<1x16xf32>,
        %parallel_loop3A_213 = vector.shape_cast %parallel_loop3A_212 : vector<1x16xf32> to vector<16xf32>
        %parallel_loop3A_214 = vector.shape_cast %parallel_loop3A_209 : vector<16xf32> to vector<1x16xf32>
        tpu.vector_store %arg24[%parallel_loop3A_210, %parallel_loop3A_211], %parallel_loop3A_214 {strides = array<i32>} : memref<40x128xf32, #tpu.memory_space<vmem>>, vector<1x16xf32>,
        %parallel_loop3A_215 = arith.index_cast %parallel_loop3A_161 : i32 to index
        %parallel_loop3A_216 = arith.constant 48 : index
        %parallel_loop3A_217 = tpu.vector_load %arg18[%parallel_loop3A_215, %parallel_loop3A_216] {strides = array<i32>} : memref<40x128xf32, #tpu.memory_space<vmem>>, vector<1x16xf32>,
        %parallel_loop3A_218 = vector.shape_cast %parallel_loop3A_217 : vector<1x16xf32> to vector<16xf32>
        %parallel_loop3A_219 = arith.mulf %parallel_loop3A_218, %parallel_loop3A_179 : vector<16xf32>
        %parallel_loop3A_220 = arith.index_cast %parallel_loop3A_161 : i32 to index
        %parallel_loop3A_221 = arith.constant 48 : index
        %parallel_loop3A_222 = tpu.vector_load %arg24[%parallel_loop3A_220, %parallel_loop3A_221] {strides = array<i32>} : memref<40x128xf32, #tpu.memory_space<vmem>>, vector<1x16xf32>,
        %parallel_loop3A_223 = vector.shape_cast %parallel_loop3A_222 : vector<1x16xf32> to vector<16xf32>
        %parallel_loop3A_224 = vector.shape_cast %parallel_loop3A_219 : vector<16xf32> to vector<1x16xf32>
        tpu.vector_store %arg24[%parallel_loop3A_220, %parallel_loop3A_221], %parallel_loop3A_224 {strides = array<i32>} : memref<40x128xf32, #tpu.memory_space<vmem>>, vector<1x16xf32>,
        %parallel_loop3A_225 = arith.index_cast %parallel_loop3A_161 : i32 to index
        %parallel_loop3A_226 = arith.constant 64 : index
        %parallel_loop3A_227 = tpu.vector_load %arg18[%parallel_loop3A_225, %parallel_loop3A_226] {strides = array<i32>} : memref<40x128xf32, #tpu.memory_space<vmem>>, vector<1x16xf32>,
        %parallel_loop3A_228 = vector.shape_cast %parallel_loop3A_227 : vector<1x16xf32> to vector<16xf32>
        %parallel_loop3A_229 = arith.mulf %parallel_loop3A_228, %parallel_loop3A_179 : vector<16xf32>
        %parallel_loop3A_230 = arith.index_cast %parallel_loop3A_161 : i32 to index
        %parallel_loop3A_231 = arith.constant 64 : index
        %parallel_loop3A_232 = tpu.vector_load %arg24[%parallel_loop3A_230, %parallel_loop3A_231] {strides = array<i32>} : memref<40x128xf32, #tpu.memory_space<vmem>>, vector<1x16xf32>,
        %parallel_loop3A_233 = vector.shape_cast %parallel_loop3A_232 : vector<1x16xf32> to vector<16xf32>
        %parallel_loop3A_234 = vector.shape_cast %parallel_loop3A_229 : vector<16xf32> to vector<1x16xf32>
        tpu.vector_store %arg24[%parallel_loop3A_230, %parallel_loop3A_231], %parallel_loop3A_234 {strides = array<i32>} : memref<40x128xf32, #tpu.memory_space<vmem>>, vector<1x16xf32>,
        %parallel_loop3A_235 = arith.index_cast %parallel_loop3A_161 : i32 to index
        %parallel_loop3A_236 = arith.constant 80 : index
        %parallel_loop3A_237 = tpu.vector_load %arg18[%parallel_loop3A_235, %parallel_loop3A_236] {strides = array<i32>} : memref<40x128xf32, #tpu.memory_space<vmem>>, vector<1x16xf32>,
        %parallel_loop3A_238 = vector.shape_cast %parallel_loop3A_237 : vector<1x16xf32> to vector<16xf32>
        %parallel_loop3A_239 = arith.mulf %parallel_loop3A_238, %parallel_loop3A_179 : vector<16xf32>
        %parallel_loop3A_240 = arith.index_cast %parallel_loop3A_161 : i32 to index
        %parallel_loop3A_241 = arith.constant 80 : index
        %parallel_loop3A_242 = tpu.vector_load %arg24[%parallel_loop3A_240, %parallel_loop3A_241] {strides = array<i32>} : memref<40x128xf32, #tpu.memory_space<vmem>>, vector<1x16xf32>,
        %parallel_loop3A_243 = vector.shape_cast %parallel_loop3A_242 : vector<1x16xf32> to vector<16xf32>
        %parallel_loop3A_244 = vector.shape_cast %parallel_loop3A_239 : vector<16xf32> to vector<1x16xf32>
        tpu.vector_store %arg24[%parallel_loop3A_240, %parallel_loop3A_241], %parallel_loop3A_244 {strides = array<i32>} : memref<40x128xf32, #tpu.memory_space<vmem>>, vector<1x16xf32>,
        %parallel_loop3A_245 = arith.index_cast %parallel_loop3A_161 : i32 to index
        %parallel_loop3A_246 = arith.constant 96 : index
        %parallel_loop3A_247 = tpu.vector_load %arg18[%parallel_loop3A_245, %parallel_loop3A_246] {strides = array<i32>} : memref<40x128xf32, #tpu.memory_space<vmem>>, vector<1x16xf32>,
        %parallel_loop3A_248 = vector.shape_cast %parallel_loop3A_247 : vector<1x16xf32> to vector<16xf32>
        %parallel_loop3A_249 = arith.mulf %parallel_loop3A_248, %parallel_loop3A_179 : vector<16xf32>
        %parallel_loop3A_250 = arith.index_cast %parallel_loop3A_161 : i32 to index
        %parallel_loop3A_251 = arith.constant 96 : index
        %parallel_loop3A_252 = tpu.vector_load %arg24[%parallel_loop3A_250, %parallel_loop3A_251] {strides = array<i32>} : memref<40x128xf32, #tpu.memory_space<vmem>>, vector<1x16xf32>,
        %parallel_loop3A_253 = vector.shape_cast %parallel_loop3A_252 : vector<1x16xf32> to vector<16xf32>
        %parallel_loop3A_254 = vector.shape_cast %parallel_loop3A_249 : vector<16xf32> to vector<1x16xf32>
        tpu.vector_store %arg24[%parallel_loop3A_250, %parallel_loop3A_251], %parallel_loop3A_254 {strides = array<i32>} : memref<40x128xf32, #tpu.memory_space<vmem>>, vector<1x16xf32>,
        %parallel_loop3A_255 = arith.index_cast %parallel_loop3A_161 : i32 to index
        %parallel_loop3A_256 = arith.constant 112 : index
        %parallel_loop3A_257 = tpu.vector_load %arg18[%parallel_loop3A_255, %parallel_loop3A_256] {strides = array<i32>} : memref<40x128xf32, #tpu.memory_space<vmem>>, vector<1x16xf32>,
        %parallel_loop3A_258 = vector.shape_cast %parallel_loop3A_257 : vector<1x16xf32> to vector<16xf32>
        %parallel_loop3A_259 = arith.mulf %parallel_loop3A_258, %parallel_loop3A_179 : vector<16xf32>
        %parallel_loop3A_260 = arith.index_cast %parallel_loop3A_161 : i32 to index
        %parallel_loop3A_261 = arith.constant 112 : index
        %parallel_loop3A_262 = tpu.vector_load %arg24[%parallel_loop3A_260, %parallel_loop3A_261] {strides = array<i32>} : memref<40x128xf32, #tpu.memory_space<vmem>>, vector<1x16xf32>,
        %parallel_loop3A_263 = vector.shape_cast %parallel_loop3A_262 : vector<1x16xf32> to vector<16xf32>
        %parallel_loop3A_264 = vector.shape_cast %parallel_loop3A_259 : vector<16xf32> to vector<1x16xf32>
        tpu.vector_store %arg24[%parallel_loop3A_260, %parallel_loop3A_261], %parallel_loop3A_264 {strides = array<i32>} : memref<40x128xf32, #tpu.memory_space<vmem>>, vector<1x16xf32>,
      } {sc.loop_unroll_factor = 8 : i64, sc.parallel_access}
      %dma_start3A_142 = arith.constant 0 : i32
      %dma_start3A_143 = tpu.memref_slice %arg16[%add3A_113, %dma_start3A_142] : memref<250x40xi32, #tpu.memory_space<vmem>> -> memref<1x40xi32, #tpu.memory_space<vmem>>
      %dma_start3A_144 = tpu.memref_squeeze %dma_start3A_143 : memref<1x40xi32, #tpu.memory_space<vmem>> -> memref<40xi32, #tpu.memory_space<vmem>>
      %dma_start3A_145 = arith.constant 0 : i32
      %dma_start3A_146 = arith.constant 0 : i32
      %dma_start3A_147 = tpu.memref_slice %arg12[%dma_start3A_145, %dma_start3A_146] : memref<10240x128xf32, #tpu.memory_space<vmem_shared>> -> memref<10240x128xf32, #tpu.memory_space<vmem_shared>>
      tpu.enqueue_indirect_dma source(%arg24 : memref<40x128xf32, #tpu.memory_space<vmem>>) target(%dma_start3A_147 : memref<10240x128xf32, #tpu.memory_space<vmem_shared>>) offsets(%dma_start3A_144 : memref<40xi32, #tpu.memory_space<vmem>>) semaphore(%arg31 : memref<!tpu.dma_semaphore, #tpu.memory_space<semaphore_mem>>) {add = true}
      %dma_start3A_148 = arith.constant 0 : i32
      %dma_start3A_149 = tpu.memref_slice %arg16[%add3A_113, %dma_start3A_148] : memref<250x40xi32, #tpu.memory_space<vmem>> -> memref<1x40xi32, #tpu.memory_space<vmem>>
      %dma_start3A_150 = tpu.memref_squeeze %dma_start3A_149 : memref<1x40xi32, #tpu.memory_space<vmem>> -> memref<40xi32, #tpu.memory_space<vmem>>
      %dma_start3A_151 = arith.constant 0 : i32
      %dma_start3A_152 = arith.constant 0 : i32
      %dma_start3A_153 = tpu.memref_slice %arg13[%dma_start3A_151, %dma_start3A_152] : memref<10240x16xf32, #tpu.memory_space<vmem_shared>> -> memref<10240x16xf32, #tpu.memory_space<vmem_shared>>
      tpu.enqueue_indirect_dma source(%arg26 : memref<40x16xf32, #tpu.memory_space<vmem>>) target(%dma_start3A_153 : memref<10240x16xf32, #tpu.memory_space<vmem_shared>>) offsets(%dma_start3A_150 : memref<40xi32, #tpu.memory_space<vmem>>) semaphore(%arg31 : memref<!tpu.dma_semaphore, #tpu.memory_space<semaphore_mem>>) {add = true}
      %add3A_154 = arith.constant 2 : i32
      %add3A_155 = arith.addi %add3A_113, %add3A_154 : i32
      %lt3A_156 = arith.constant 250 : i32
      %lt3A_157 = arith.cmpi slt, %add3A_155, %lt3A_156 : i32
      %convert_element_type3A_158 = arith.extui %lt3A_157 : i1 to i32
      %cond3A_159 = arith.constant 0 : i32
      %cond3A_160 = arith.cmpi ne, %convert_element_type3A_158, %cond3A_159 : i32
      scf.if %cond3A_160 {
        %dma_wait3A_161 = arith.constant 0 : i32
        %dma_wait3A_162 = tpu.memref_slice %arg2[%mul3A_4, %dma_wait3A_161] : memref<8000x40xi32, #tpu.memory_space<hbm>> -> memref<1x40xi32, #tpu.memory_space<hbm>>
        %dma_wait3A_163 = tpu.memref_squeeze %dma_wait3A_162 : memref<1x40xi32, #tpu.memory_space<hbm>> -> memref<40xi32, #tpu.memory_space<hbm>>
        %dma_wait3A_164 = arith.constant 0 : i32
        %dma_wait3A_165 = tpu.memref_slice %arg2[%mul3A_4, %dma_wait3A_164] : memref<8000x40xi32, #tpu.memory_space<hbm>> -> memref<1x40xi32, #tpu.memory_space<hbm>>
        %dma_wait3A_166 = tpu.memref_squeeze %dma_wait3A_165 : memref<1x40xi32, #tpu.memory_space<hbm>> -> memref<40xi32, #tpu.memory_space<hbm>>
        tpu.wait_dma2 semaphore(%arg33 : memref<!tpu.dma_semaphore, #tpu.memory_space<semaphore_mem>>) src(%dma_wait3A_166 : memref<40xi32, #tpu.memory_space<hbm>>) dst(%arg15 : memref<40xi32, #tpu.memory_space<vmem>>)
        %add3A_167 = arith.constant 2 : i32
        %add3A_168 = arith.addi %add3A_113, %add3A_167 : i32
        %dma_start3A_169 = arith.constant 0 : i32
        %dma_start3A_170 = arith.constant 0 : i32
        %dma_start3A_171 = tpu.memref_slice %arg4[%dma_start3A_169, %dma_start3A_170] : memref<10000x128xf32, #tpu.memory_space<hbm>> -> memref<10000x128xf32, #tpu.memory_space<hbm>>
        tpu.enqueue_indirect_dma source(%dma_start3A_171 : memref<10000x128xf32, #tpu.memory_space<hbm>>) target(%arg18 : memref<40x128xf32, #tpu.memory_space<vmem>>) offsets(%arg15 : memref<40xi32, #tpu.memory_space<vmem>>) semaphore(%arg29 : memref<!tpu.dma_semaphore, #tpu.memory_space<semaphore_mem>>)
        %dma_start3A_172 = arith.constant 0 : i32
        %dma_start3A_173 = arith.constant 0 : i32
        %dma_start3A_174 = tpu.memref_slice %arg5[%dma_start3A_172, %dma_start3A_173] : memref<10000x16xf32, #tpu.memory_space<hbm>> -> memref<10000x16xf32, #tpu.memory_space<hbm>>
        tpu.enqueue_indirect_dma source(%dma_start3A_174 : memref<10000x16xf32, #tpu.memory_space<hbm>>) target(%arg20 : memref<40x16xf32, #tpu.memory_space<vmem>>) offsets(%arg15 : memref<40xi32, #tpu.memory_space<vmem>>) semaphore(%arg29 : memref<!tpu.dma_semaphore, #tpu.memory_space<semaphore_mem>>)
        %dma_start3A_175 = arith.constant 0 : i32
        %dma_start3A_176 = tpu.memref_slice %arg16[%add3A_168, %dma_start3A_175] : memref<250x40xi32, #tpu.memory_space<vmem>> -> memref<1x40xi32, #tpu.memory_space<vmem>>
        %dma_start3A_177 = tpu.memref_squeeze %dma_start3A_176 : memref<1x40xi32, #tpu.memory_space<vmem>> -> memref<40xi32, #tpu.memory_space<vmem>>
        %dma_start3A_178 = arith.constant 0 : i32
        %dma_start3A_179 = arith.constant 0 : i32
        %dma_start3A_180 = tpu.memref_slice %arg6[%dma_start3A_178, %dma_start3A_179] : memref<10000x16xf32, #tpu.memory_space<hbm>> -> memref<10000x16xf32, #tpu.memory_space<hbm>>
        tpu.enqueue_indirect_dma source(%dma_start3A_180 : memref<10000x16xf32, #tpu.memory_space<hbm>>) target(%arg22 : memref<40x16xf32, #tpu.memory_space<vmem>>) offsets(%dma_start3A_177 : memref<40xi32, #tpu.memory_space<vmem>>) semaphore(%arg29 : memref<!tpu.dma_semaphore, #tpu.memory_space<semaphore_mem>>)
      } else {
      }
    }
    %scan3A_38 = arith.constant 125 : i32
    %dma_wait3A = arith.constant 0 : i32
    %dma_wait3A_39 = arith.constant 0 : i32
    %dma_wait3A_40 = tpu.memref_slice %arg16[%dma_wait3A, %dma_wait3A_39] : memref<250x40xi32, #tpu.memory_space<vmem>> -> memref<1x40xi32, #tpu.memory_space<vmem>>
    %dma_wait3A_41 = tpu.memref_squeeze %dma_wait3A_40 : memref<1x40xi32, #tpu.memory_space<vmem>> -> memref<40xi32, #tpu.memory_space<vmem>>
    %dma_wait3A_42 = arith.constant 0 : i32
    %dma_wait3A_43 = arith.constant 0 : i32
    %dma_wait3A_44 = tpu.memref_slice %arg12[%dma_wait3A_42, %dma_wait3A_43] : memref<10240x128xf32, #tpu.memory_space<vmem_shared>> -> memref<10240x128xf32, #tpu.memory_space<vmem_shared>>
    tpu.wait_indirect_dma semaphore(%arg30 : memref<!tpu.dma_semaphore, #tpu.memory_space<semaphore_mem>>) src(%arg23 : memref<40x128xf32, #tpu.memory_space<vmem>>) dst(%dma_wait3A_44 : memref<10240x128xf32, #tpu.memory_space<vmem_shared>>)
    %dma_wait3A_45 = arith.constant 0 : i32
    %dma_wait3A_46 = arith.constant 0 : i32
    %dma_wait3A_47 = tpu.memref_slice %arg16[%dma_wait3A_45, %dma_wait3A_46] : memref<250x40xi32, #tpu.memory_space<vmem>> -> memref<1x40xi32, #tpu.memory_space<vmem>>
    %dma_wait3A_48 = tpu.memref_squeeze %dma_wait3A_47 : memref<1x40xi32, #tpu.memory_space<vmem>> -> memref<40xi32, #tpu.memory_space<vmem>>
    %dma_wait3A_49 = arith.constant 0 : i32
    %dma_wait3A_50 = arith.constant 0 : i32
    %dma_wait3A_51 = tpu.memref_slice %arg13[%dma_wait3A_49, %dma_wait3A_50] : memref<10240x16xf32, #tpu.memory_space<vmem_shared>> -> memref<10240x16xf32, #tpu.memory_space<vmem_shared>>
    tpu.wait_indirect_dma semaphore(%arg30 : memref<!tpu.dma_semaphore, #tpu.memory_space<semaphore_mem>>) src(%arg25 : memref<40x16xf32, #tpu.memory_space<vmem>>) dst(%dma_wait3A_51 : memref<10240x16xf32, #tpu.memory_space<vmem_shared>>)
    %dma_wait3A_52 = arith.constant 0 : i32
    %dma_wait3A_53 = arith.constant 0 : i32
    %dma_wait3A_54 = tpu.memref_slice %arg16[%dma_wait3A_52, %dma_wait3A_53] : memref<250x40xi32, #tpu.memory_space<vmem>> -> memref<1x40xi32, #tpu.memory_space<vmem>>
    %dma_wait3A_55 = tpu.memref_squeeze %dma_wait3A_54 : memref<1x40xi32, #tpu.memory_space<vmem>> -> memref<40xi32, #tpu.memory_space<vmem>>
    %dma_wait3A_56 = arith.constant 0 : i32
    %dma_wait3A_57 = arith.constant 0 : i32
    %dma_wait3A_58 = tpu.memref_slice %arg12[%dma_wait3A_56, %dma_wait3A_57] : memref<10240x128xf32, #tpu.memory_space<vmem_shared>> -> memref<10240x128xf32, #tpu.memory_space<vmem_shared>>
    tpu.wait_indirect_dma semaphore(%arg31 : memref<!tpu.dma_semaphore, #tpu.memory_space<semaphore_mem>>) src(%arg24 : memref<40x128xf32, #tpu.memory_space<vmem>>) dst(%dma_wait3A_58 : memref<10240x128xf32, #tpu.memory_space<vmem_shared>>)
    %dma_wait3A_59 = arith.constant 0 : i32
    %dma_wait3A_60 = arith.constant 0 : i32
    %dma_wait3A_61 = tpu.memref_slice %arg16[%dma_wait3A_59, %dma_wait3A_60] : memref<250x40xi32, #tpu.memory_space<vmem>> -> memref<1x40xi32, #tpu.memory_space<vmem>>
    %dma_wait3A_62 = tpu.memref_squeeze %dma_wait3A_61 : memref<1x40xi32, #tpu.memory_space<vmem>> -> memref<40xi32, #tpu.memory_space<vmem>>
    %dma_wait3A_63 = arith.constant 0 : i32
    %dma_wait3A_64 = arith.constant 0 : i32
    %dma_wait3A_65 = tpu.memref_slice %arg13[%dma_wait3A_63, %dma_wait3A_64] : memref<10240x16xf32, #tpu.memory_space<vmem_shared>> -> memref<10240x16xf32, #tpu.memory_space<vmem_shared>>
    tpu.wait_indirect_dma semaphore(%arg31 : memref<!tpu.dma_semaphore, #tpu.memory_space<semaphore_mem>>) src(%arg26 : memref<40x16xf32, #tpu.memory_space<vmem>>) dst(%dma_wait3A_65 : memref<10240x16xf32, #tpu.memory_space<vmem_shared>>)
    %barrier3A_66 = arith.constant 0 : index
    tpu.barrier barrier_id(%barrier3A_66)
    "tpu.region"() ({
      %run_scoped3A = tpu.sem_alloc : memref<!tpu.dma_semaphore, #tpu.memory_space<semaphore_mem>>
      %dma_start3A_67 = arith.constant 0 : i32
      %dma_start3A_68 = tpu.memref_slice %arg10[%arg0, %mul3A_2, %dma_start3A_67] : memref<2x10240x128xf32, #tpu.memory_space<hbm>> -> memref<1x640x128xf32, #tpu.memory_space<hbm>>
      %dma_start3A_69 = tpu.memref_squeeze %dma_start3A_68 : memref<1x640x128xf32, #tpu.memory_space<hbm>> -> memref<640x128xf32, #tpu.memory_space<hbm>>
      %dma_start3A_70 = arith.constant 0 : i32
      %dma_start3A_71 = tpu.memref_slice %arg12[%mul3A_2, %dma_start3A_70] : memref<10240x128xf32, #tpu.memory_space<vmem_shared>> -> memref<640x128xf32, #tpu.memory_space<vmem_shared>>
      tpu.enqueue_dma source(%dma_start3A_71 : memref<640x128xf32, #tpu.memory_space<vmem_shared>>) target(%dma_start3A_69 : memref<640x128xf32, #tpu.memory_space<hbm>>) target_semaphore(%run_scoped3A : memref<!tpu.dma_semaphore, #tpu.memory_space<semaphore_mem>>)
      %dma_wait3A_72 = arith.constant 0 : i32
      %dma_wait3A_73 = tpu.memref_slice %arg10[%arg0, %mul3A_2, %dma_wait3A_72] : memref<2x10240x128xf32, #tpu.memory_space<hbm>> -> memref<1x640x128xf32, #tpu.memory_space<hbm>>
      %dma_wait3A_74 = tpu.memref_squeeze %dma_wait3A_73 : memref<1x640x128xf32, #tpu.memory_space<hbm>> -> memref<640x128xf32, #tpu.memory_space<hbm>>
      %dma_wait3A_75 = arith.constant 0 : i32
      %dma_wait3A_76 = tpu.memref_slice %arg12[%mul3A_2, %dma_wait3A_75] : memref<10240x128xf32, #tpu.memory_space<vmem_shared>> -> memref<640x128xf32, #tpu.memory_space<vmem_shared>>
      tpu.wait_dma2 semaphore(%run_scoped3A : memref<!tpu.dma_semaphore, #tpu.memory_space<semaphore_mem>>) src(%dma_wait3A_76 : memref<640x128xf32, #tpu.memory_space<vmem_shared>>) dst(%dma_wait3A_74 : memref<640x128xf32, #tpu.memory_space<hbm>>)
      tpu.yield
    }) : () -> ()
    "tpu.region"() ({
      %run_scoped3A = tpu.sem_alloc : memref<!tpu.dma_semaphore, #tpu.memory_space<semaphore_mem>>
      %dma_start3A_67 = arith.constant 0 : i32
      %dma_start3A_68 = tpu.memref_slice %arg11[%arg0, %mul3A_2, %dma_start3A_67] : memref<2x10240x16xf32, #tpu.memory_space<hbm>> -> memref<1x640x16xf32, #tpu.memory_space<hbm>>
      %dma_start3A_69 = tpu.memref_squeeze %dma_start3A_68 : memref<1x640x16xf32, #tpu.memory_space<hbm>> -> memref<640x16xf32, #tpu.memory_space<hbm>>
      %dma_start3A_70 = arith.constant 0 : i32
      %dma_start3A_71 = tpu.memref_slice %arg13[%mul3A_2, %dma_start3A_70] : memref<10240x16xf32, #tpu.memory_space<vmem_shared>> -> memref<640x16xf32, #tpu.memory_space<vmem_shared>>
      tpu.enqueue_dma source(%dma_start3A_71 : memref<640x16xf32, #tpu.memory_space<vmem_shared>>) target(%dma_start3A_69 : memref<640x16xf32, #tpu.memory_space<hbm>>) target_semaphore(%run_scoped3A : memref<!tpu.dma_semaphore, #tpu.memory_space<semaphore_mem>>)
      %dma_wait3A_72 = arith.constant 0 : i32
      %dma_wait3A_73 = tpu.memref_slice %arg11[%arg0, %mul3A_2, %dma_wait3A_72] : memref<2x10240x16xf32, #tpu.memory_space<hbm>> -> memref<1x640x16xf32, #tpu.memory_space<hbm>>
      %dma_wait3A_74 = tpu.memref_squeeze %dma_wait3A_73 : memref<1x640x16xf32, #tpu.memory_space<hbm>> -> memref<640x16xf32, #tpu.memory_space<hbm>>
      %dma_wait3A_75 = arith.constant 0 : i32
      %dma_wait3A_76 = tpu.memref_slice %arg13[%mul3A_2, %dma_wait3A_75] : memref<10240x16xf32, #tpu.memory_space<vmem_shared>> -> memref<640x16xf32, #tpu.memory_space<vmem_shared>>
      tpu.wait_dma2 semaphore(%run_scoped3A : memref<!tpu.dma_semaphore, #tpu.memory_space<semaphore_mem>>) src(%dma_wait3A_76 : memref<640x16xf32, #tpu.memory_space<vmem_shared>>) dst(%dma_wait3A_74 : memref<640x16xf32, #tpu.memory_space<hbm>>)
      tpu.yield
    }) : () -> ()
    return
  }
}

module attributes {stable_mosaic.version = 14 : i64} {
  func.func @_proj_body(%arg0: memref<10000x128xf32, #tpu.memory_space<vmem>>, %arg1: memref<128x128xf32, #tpu.memory_space<vmem>>, %arg2: memref<1x128xf32, #tpu.memory_space<vmem>>, %arg3: memref<1x128xf32, #tpu.memory_space<vmem>>, %arg4: memref<10000x128xf32, #tpu.memory_space<vmem>>, %arg5: memref<10000x16xf32, #tpu.memory_space<vmem>>, %arg6: memref<10000x16xf32, #tpu.memory_space<vmem>>, %arg7: memref<1x16xf32, #tpu.memory_space<vmem>>) attributes {dimension_semantics = [], scalar_prefetch = 0 : i64, scratch_operands = 0 : i64, tpu.core_type = #tpu.core_type<tc>} {
    %get3A = arith.constant 0 : index
    %get3A_0 = arith.constant 0 : index
    %get3A_1 = vector.load %arg0[%get3A, %get3A_0] : memref<10000x128xf32, #tpu.memory_space<vmem>>, vector<10000x128xf32>
    %get3A_2 = arith.constant 0 : index
    %get3A_3 = arith.constant 0 : index
    %get3A_4 = vector.load %arg1[%get3A_2, %get3A_3] : memref<128x128xf32, #tpu.memory_space<vmem>>, vector<128x128xf32>
    %dot_general3A = arith.constant dense<0.000000e+00> : vector<10000x128xf32>
    %dot_general3A_5 = tpu.matmul %get3A_1, %get3A_4, %dot_general3A {dimension_numbers = #tpu.dot_dimension_numbers<[1], [0], [0], [1], [0, 0, 1, 1], [], []>, transpose_lhs_hint = false} : vector<10000x128xf32>, vector<128x128xf32>, vector<10000x128xf32> -> vector<10000x128xf32>
    %swap3A = arith.constant 0 : index
    %swap3A_6 = arith.constant 0 : index
    %swap3A_7 = vector.load %arg4[%swap3A, %swap3A_6] : memref<10000x128xf32, #tpu.memory_space<vmem>>, vector<10000x128xf32>
    tpu.vector_store %arg4[%swap3A, %swap3A_6], %dot_general3A_5 {strides = array<i32>} : memref<10000x128xf32, #tpu.memory_space<vmem>>, vector<10000x128xf32>,
    %iota3A = tpu.iota {dimensions = array<i32: 0>} : vector<128x16xi32>
    %iota3A_8 = tpu.iota {dimensions = array<i32: 1>} : vector<128x16xi32>
    %jit3A = arith.constant 16 : i32
    %eq3A = arith.constant 0 : i32
    %eq3A_9 = arith.cmpi eq, %jit3A, %eq3A : i32
    %jit3A_10 = arith.constant 1 : i32
    %select_n3A = arith.select %eq3A_9, %jit3A_10, %jit3A : i32
    %rem3A = vector.broadcast %select_n3A : i32 to vector<128x16xi32>
    %rem3A_11 = arith.remsi %iota3A, %rem3A : vector<128x16xi32>
    %ne3A = arith.constant 0 : i32
    %ne3A_12 = vector.broadcast %ne3A : i32 to vector<128x16xi32>
    %ne3A_13 = arith.cmpi ne, %rem3A_11, %ne3A_12 : vector<128x16xi32>
    %lt3A = arith.constant 0 : i32
    %lt3A_14 = vector.broadcast %lt3A : i32 to vector<128x16xi32>
    %lt3A_15 = arith.cmpi slt, %rem3A_11, %lt3A_14 : vector<128x16xi32>
    %lt3A_16 = arith.constant 0 : i32
    %lt3A_17 = arith.cmpi slt, %select_n3A, %lt3A_16 : i32
    %ne3A_18 = vector.broadcast %lt3A_17 : i1 to vector<128x16xi1>
    %ne3A_19 = vector.broadcast %ne3A_18 : vector<128x16xi1> to vector<128x16xi1>
    %ne3A_20 = arith.xori %lt3A_15, %ne3A_19 : vector<128x16xi1>
    %and3A = arith.andi %ne3A_20, %ne3A_13 : vector<128x16xi1>
    %add3A = vector.broadcast %select_n3A : i32 to vector<128x16xi32>
    %add3A_21 = arith.addi %rem3A_11, %add3A : vector<128x16xi32>
    %select_n3A_22 = arith.select %and3A, %add3A_21, %rem3A_11 : vector<128x16xi1>, vector<128x16xi32>
    %eq3A_23 = arith.cmpi eq, %select_n3A_22, %iota3A_8 : vector<128x16xi32>
    %convert_element_type3A = arith.extui %eq3A_23 : vector<128x16xi1> to vector<128x16xi32>
    %convert_element_type3A_24 = arith.sitofp %convert_element_type3A : vector<128x16xi32> to vector<128x16xf32>
    %get3A_25 = arith.constant 0 : index
    %get3A_26 = arith.constant 0 : index
    %get3A_27 = vector.load %arg2[%get3A_25, %get3A_26] : memref<1x128xf32, #tpu.memory_space<vmem>>, vector<1x128xf32>
    %mul3A = vector.broadcast %get3A_27 : vector<1x128xf32> to vector<10000x128xf32>
    %mul3A_28 = arith.mulf %dot_general3A_5, %mul3A : vector<10000x128xf32>
    %dot_general3A_29 = arith.constant dense<0.000000e+00> : vector<10000x16xf32>
    %dot_general3A_30 = tpu.matmul %mul3A_28, %convert_element_type3A_24, %dot_general3A_29 {dimension_numbers = #tpu.dot_dimension_numbers<[1], [0], [0], [1], [0, 0, 1, 1], [], []>, transpose_lhs_hint = false} : vector<10000x128xf32>, vector<128x16xf32>, vector<10000x16xf32> -> vector<10000x16xf32>
    %get3A_31 = arith.constant 0 : index
    %get3A_32 = arith.constant 0 : index
    %get3A_33 = vector.load %arg3[%get3A_31, %get3A_32] : memref<1x128xf32, #tpu.memory_space<vmem>>, vector<1x128xf32>
    %mul3A_34 = vector.broadcast %get3A_33 : vector<1x128xf32> to vector<10000x128xf32>
    %mul3A_35 = arith.mulf %dot_general3A_5, %mul3A_34 : vector<10000x128xf32>
    %dot_general3A_36 = arith.constant dense<0.000000e+00> : vector<10000x16xf32>
    %dot_general3A_37 = tpu.matmul %mul3A_35, %convert_element_type3A_24, %dot_general3A_36 {dimension_numbers = #tpu.dot_dimension_numbers<[1], [0], [0], [1], [0, 0, 1, 1], [], []>, transpose_lhs_hint = false} : vector<10000x128xf32>, vector<128x16xf32>, vector<10000x16xf32> -> vector<10000x16xf32>
    %swap3A_38 = arith.constant 0 : index
    %swap3A_39 = arith.constant 0 : index
    %swap3A_40 = vector.load %arg5[%swap3A_38, %swap3A_39] : memref<10000x16xf32, #tpu.memory_space<vmem>>, vector<10000x16xf32>
    tpu.vector_store %arg5[%swap3A_38, %swap3A_39], %dot_general3A_30 {strides = array<i32>} : memref<10000x16xf32, #tpu.memory_space<vmem>>, vector<10000x16xf32>,
    %swap3A_41 = arith.constant 0 : index
    %swap3A_42 = arith.constant 0 : index
    %swap3A_43 = vector.load %arg6[%swap3A_41, %swap3A_42] : memref<10000x16xf32, #tpu.memory_space<vmem>>, vector<10000x16xf32>
    tpu.vector_store %arg6[%swap3A_41, %swap3A_42], %dot_general3A_37 {strides = array<i32>} : memref<10000x16xf32, #tpu.memory_space<vmem>>, vector<10000x16xf32>,
    %reduce_max3A = arith.constant dense<0xFF800000> : vector<16xf32>
    %reduce_max3A_44 = vector.multi_reduction <maximumf>, %dot_general3A_30, %reduce_max3A [0] : vector<10000x16xf32> to vector<16xf32>
    %broadcast_in_dim3A = vector.shape_cast %reduce_max3A_44 : vector<16xf32> to vector<1x16xf32>
    %reduce_max3A_45 = arith.constant dense<0xFF800000> : vector<16xf32>
    %reduce_max3A_46 = vector.multi_reduction <maximumf>, %dot_general3A_37, %reduce_max3A_45 [0] : vector<10000x16xf32> to vector<16xf32>
    %broadcast_in_dim3A_47 = vector.shape_cast %reduce_max3A_46 : vector<16xf32> to vector<1x16xf32>
    %add3A_48 = arith.addf %broadcast_in_dim3A, %broadcast_in_dim3A_47 : vector<1x16xf32>
    %gt3A = arith.constant 0.000000e+00 : f32
    %gt3A_49 = vector.broadcast %gt3A : f32 to vector<1x16xf32>
    %gt3A_50 = arith.cmpf ogt, %add3A_48, %gt3A_49 : vector<1x16xf32>
    %mul3A_51 = arith.constant 2.000000e-01 : f32
    %mul3A_52 = vector.broadcast %mul3A_51 : f32 to vector<1x16xf32>
    %mul3A_53 = arith.mulf %mul3A_52, %add3A_48 : vector<1x16xf32>
    %select_n3A_54 = arith.select %gt3A_50, %add3A_48, %mul3A_53 : vector<1x16xi1>, vector<1x16xf32>
    %swap3A_55 = arith.constant 0 : index
    %swap3A_56 = arith.constant 0 : index
    %swap3A_57 = vector.load %arg7[%swap3A_55, %swap3A_56] : memref<1x16xf32, #tpu.memory_space<vmem>>, vector<1x16xf32>
    tpu.vector_store %arg7[%swap3A_55, %swap3A_56], %select_n3A_54 {strides = array<i32>} : memref<1x16xf32, #tpu.memory_space<vmem>>, vector<1x16xf32>,
    return
  }
}

module attributes {stable_mosaic.version = 14 : i64} {
  func.func @_epi_body(%arg0: memref<2x10240x128xf32, #tpu.memory_space<vmem>>, %arg1: memref<2x10240x16xf32, #tpu.memory_space<vmem>>, %arg2: memref<1x128xf32, #tpu.memory_space<vmem>>, %arg3: memref<1x128xf32, #tpu.memory_space<vmem>>, %arg4: memref<1x128xf32, #tpu.memory_space<vmem>>, %arg5: memref<10000x128xf32, #tpu.memory_space<vmem>>) attributes {dimension_semantics = [], scalar_prefetch = 0 : i64, scratch_operands = 0 : i64, tpu.core_type = #tpu.core_type<tc>} {
    %get3A = arith.constant 0 : index
    %get3A_0 = arith.constant 0 : index
    %get3A_1 = arith.constant 0 : index
    %get3A_2 = vector.load %arg0[%get3A, %get3A_0, %get3A_1] : memref<2x10240x128xf32, #tpu.memory_space<vmem>>, vector<1x10240x128xf32>
    %get3A_3 = vector.shape_cast %get3A_2 : vector<1x10240x128xf32> to vector<10240x128xf32>
    %slice3A = vector.extract_strided_slice %get3A_3 {offsets = [0, 0], sizes = [10000, 128], strides = [1, 1]} : vector<10240x128xf32> to vector<10000x128xf32>
    %get3A_4 = arith.constant 1 : index
    %get3A_5 = arith.constant 0 : index
    %get3A_6 = arith.constant 0 : index
    %get3A_7 = vector.load %arg0[%get3A_4, %get3A_5, %get3A_6] : memref<2x10240x128xf32, #tpu.memory_space<vmem>>, vector<1x10240x128xf32>
    %get3A_8 = vector.shape_cast %get3A_7 : vector<1x10240x128xf32> to vector<10240x128xf32>
    %slice3A_9 = vector.extract_strided_slice %get3A_8 {offsets = [0, 0], sizes = [10000, 128], strides = [1, 1]} : vector<10240x128xf32> to vector<10000x128xf32>
    %add3A = arith.addf %slice3A, %slice3A_9 : vector<10000x128xf32>
    %get3A_10 = arith.constant 0 : index
    %get3A_11 = arith.constant 0 : index
    %get3A_12 = arith.constant 0 : index
    %get3A_13 = vector.load %arg1[%get3A_10, %get3A_11, %get3A_12] : memref<2x10240x16xf32, #tpu.memory_space<vmem>>, vector<1x10240x16xf32>
    %get3A_14 = vector.shape_cast %get3A_13 : vector<1x10240x16xf32> to vector<10240x16xf32>
    %slice3A_15 = vector.extract_strided_slice %get3A_14 {offsets = [0, 0], sizes = [10000, 16], strides = [1, 1]} : vector<10240x16xf32> to vector<10000x16xf32>
    %get3A_16 = arith.constant 1 : index
    %get3A_17 = arith.constant 0 : index
    %get3A_18 = arith.constant 0 : index
    %get3A_19 = vector.load %arg1[%get3A_16, %get3A_17, %get3A_18] : memref<2x10240x16xf32, #tpu.memory_space<vmem>>, vector<1x10240x16xf32>
    %get3A_20 = vector.shape_cast %get3A_19 : vector<1x10240x16xf32> to vector<10240x16xf32>
    %slice3A_21 = vector.extract_strided_slice %get3A_20 {offsets = [0, 0], sizes = [10000, 16], strides = [1, 1]} : vector<10240x16xf32> to vector<10000x16xf32>
    %add3A_22 = arith.addf %slice3A_15, %slice3A_21 : vector<10000x16xf32>
    %add3A_23 = arith.constant 1.000000e-16 : f32
    %add3A_24 = vector.broadcast %add3A_23 : f32 to vector<10000x16xf32>
    %add3A_25 = arith.addf %add3A_22, %add3A_24 : vector<10000x16xf32>
    %iota3A = tpu.iota {dimensions = array<i32: 0>} : vector<16x128xi32>
    %iota3A_26 = tpu.iota {dimensions = array<i32: 1>} : vector<16x128xi32>
    %jit3A = arith.constant 16 : i32
    %eq3A = arith.constant 0 : i32
    %eq3A_27 = arith.cmpi eq, %jit3A, %eq3A : i32
    %jit3A_28 = arith.constant 1 : i32
    %select_n3A = arith.select %eq3A_27, %jit3A_28, %jit3A : i32
    %rem3A = vector.broadcast %select_n3A : i32 to vector<16x128xi32>
    %rem3A_29 = arith.remsi %iota3A_26, %rem3A : vector<16x128xi32>
    %ne3A = arith.constant 0 : i32
    %ne3A_30 = vector.broadcast %ne3A : i32 to vector<16x128xi32>
    %ne3A_31 = arith.cmpi ne, %rem3A_29, %ne3A_30 : vector<16x128xi32>
    %lt3A = arith.constant 0 : i32
    %lt3A_32 = vector.broadcast %lt3A : i32 to vector<16x128xi32>
    %lt3A_33 = arith.cmpi slt, %rem3A_29, %lt3A_32 : vector<16x128xi32>
    %lt3A_34 = arith.constant 0 : i32
    %lt3A_35 = arith.cmpi slt, %select_n3A, %lt3A_34 : i32
    %ne3A_36 = vector.broadcast %lt3A_35 : i1 to vector<16x128xi1>
    %ne3A_37 = vector.broadcast %ne3A_36 : vector<16x128xi1> to vector<16x128xi1>
    %ne3A_38 = arith.xori %lt3A_33, %ne3A_37 : vector<16x128xi1>
    %and3A = arith.andi %ne3A_38, %ne3A_31 : vector<16x128xi1>
    %add3A_39 = vector.broadcast %select_n3A : i32 to vector<16x128xi32>
    %add3A_40 = arith.addi %rem3A_29, %add3A_39 : vector<16x128xi32>
    %select_n3A_41 = arith.select %and3A, %add3A_40, %rem3A_29 : vector<16x128xi1>, vector<16x128xi32>
    %eq3A_42 = arith.cmpi eq, %select_n3A_41, %iota3A : vector<16x128xi32>
    %convert_element_type3A = arith.extui %eq3A_42 : vector<16x128xi1> to vector<16x128xi32>
    %convert_element_type3A_43 = arith.sitofp %convert_element_type3A : vector<16x128xi32> to vector<16x128xf32>
    %dot_general3A = arith.constant dense<0.000000e+00> : vector<10000x128xf32>
    %dot_general3A_44 = tpu.matmul %add3A_25, %convert_element_type3A_43, %dot_general3A {dimension_numbers = #tpu.dot_dimension_numbers<[1], [0], [0], [1], [0, 0, 1, 1], [], []>, transpose_lhs_hint = false} : vector<10000x16xf32>, vector<16x128xf32>, vector<10000x128xf32> -> vector<10000x128xf32>
    %iota3A_45 = tpu.iota {dimensions = array<i32: 0>} : vector<128x128xi32>
    %iota3A_46 = tpu.iota {dimensions = array<i32: 1>} : vector<128x128xi32>
    %jit3A_47 = arith.constant 16 : i32
    %eq3A_48 = arith.constant 0 : i32
    %eq3A_49 = arith.cmpi eq, %jit3A_47, %eq3A_48 : i32
    %jit3A_50 = arith.constant 1 : i32
    %select_n3A_51 = arith.select %eq3A_49, %jit3A_50, %jit3A_47 : i32
    %rem3A_52 = vector.broadcast %select_n3A_51 : i32 to vector<128x128xi32>
    %rem3A_53 = arith.remsi %iota3A_45, %rem3A_52 : vector<128x128xi32>
    %ne3A_54 = arith.constant 0 : i32
    %ne3A_55 = vector.broadcast %ne3A_54 : i32 to vector<128x128xi32>
    %ne3A_56 = arith.cmpi ne, %rem3A_53, %ne3A_55 : vector<128x128xi32>
    %lt3A_57 = arith.constant 0 : i32
    %lt3A_58 = vector.broadcast %lt3A_57 : i32 to vector<128x128xi32>
    %lt3A_59 = arith.cmpi slt, %rem3A_53, %lt3A_58 : vector<128x128xi32>
    %lt3A_60 = arith.constant 0 : i32
    %lt3A_61 = arith.cmpi slt, %select_n3A_51, %lt3A_60 : i32
    %ne3A_62 = vector.broadcast %lt3A_61 : i1 to vector<128x128xi1>
    %ne3A_63 = vector.broadcast %ne3A_62 : vector<128x128xi1> to vector<128x128xi1>
    %ne3A_64 = arith.xori %lt3A_59, %ne3A_63 : vector<128x128xi1>
    %and3A_65 = arith.andi %ne3A_64, %ne3A_56 : vector<128x128xi1>
    %add3A_66 = vector.broadcast %select_n3A_51 : i32 to vector<128x128xi32>
    %add3A_67 = arith.addi %rem3A_53, %add3A_66 : vector<128x128xi32>
    %select_n3A_68 = arith.select %and3A_65, %add3A_67, %rem3A_53 : vector<128x128xi1>, vector<128x128xi32>
    %mul3A = arith.constant 8 : i32
    %mul3A_69 = vector.broadcast %mul3A : i32 to vector<128x128xi32>
    %mul3A_70 = arith.muli %select_n3A_68, %mul3A_69 : vector<128x128xi32>
    %jit3A_71 = arith.constant 16 : i32
    %div3A = vector.broadcast %jit3A_71 : i32 to vector<128x128xi32>
    %div3A_72 = arith.divsi %iota3A_45, %div3A : vector<128x128xi32>
    %sign3A = arith.constant 0 : i32
    %sign3A_73 = vector.broadcast %sign3A : i32 to vector<128x128xi32>
    %sign3A_74 = arith.cmpi sgt, %iota3A_45, %sign3A_73 : vector<128x128xi32>
    %sign3A_75 = arith.extui %sign3A_74 : vector<128x128xi1> to vector<128x128xi32>
    %sign3A_76 = arith.constant 0 : i32
    %sign3A_77 = vector.broadcast %sign3A_76 : i32 to vector<128x128xi32>
    %sign3A_78 = arith.cmpi slt, %iota3A_45, %sign3A_77 : vector<128x128xi32>
    %sign3A_79 = arith.extui %sign3A_78 : vector<128x128xi1> to vector<128x128xi32>
    %sign3A_80 = arith.subi %sign3A_75, %sign3A_79 : vector<128x128xi32>
    %sign3A_81 = arith.constant 0 : i32
    %sign3A_82 = arith.cmpi sgt, %jit3A_71, %sign3A_81 : i32
    %sign3A_83 = arith.extui %sign3A_82 : i1 to i32
    %sign3A_84 = arith.constant 0 : i32
    %sign3A_85 = arith.cmpi slt, %jit3A_71, %sign3A_84 : i32
    %sign3A_86 = arith.extui %sign3A_85 : i1 to i32
    %sign3A_87 = arith.subi %sign3A_83, %sign3A_86 : i32
    %ne3A_88 = vector.broadcast %sign3A_87 : i32 to vector<128x128xi32>
    %ne3A_89 = arith.cmpi ne, %sign3A_80, %ne3A_88 : vector<128x128xi32>
    %rem3A_90 = vector.broadcast %jit3A_71 : i32 to vector<128x128xi32>
    %rem3A_91 = arith.remsi %iota3A_45, %rem3A_90 : vector<128x128xi32>
    %ne3A_92 = arith.constant 0 : i32
    %ne3A_93 = vector.broadcast %ne3A_92 : i32 to vector<128x128xi32>
    %ne3A_94 = arith.cmpi ne, %rem3A_91, %ne3A_93 : vector<128x128xi32>
    %and3A_95 = arith.andi %ne3A_89, %ne3A_94 : vector<128x128xi1>
    %sub3A = arith.constant 1 : i32
    %sub3A_96 = vector.broadcast %sub3A : i32 to vector<128x128xi32>
    %sub3A_97 = arith.subi %div3A_72, %sub3A_96 : vector<128x128xi32>
    %select_n3A_98 = arith.select %and3A_95, %sub3A_97, %div3A_72 : vector<128x128xi1>, vector<128x128xi32>
    %add3A_99 = arith.addi %mul3A_70, %select_n3A_98 : vector<128x128xi32>
    %eq3A_100 = arith.cmpi eq, %iota3A_46, %add3A_99 : vector<128x128xi32>
    %convert_element_type3A_101 = arith.extui %eq3A_100 : vector<128x128xi1> to vector<128x128xi32>
    %convert_element_type3A_102 = arith.sitofp %convert_element_type3A_101 : vector<128x128xi32> to vector<128x128xf32>
    %div3A_103 = arith.divf %add3A, %dot_general3A_44 : vector<10000x128xf32>
    %dot_general3A_104 = arith.constant dense<0.000000e+00> : vector<10000x128xf32>
    %dot_general3A_105 = tpu.matmul %div3A_103, %convert_element_type3A_102, %dot_general3A_104 {dimension_numbers = #tpu.dot_dimension_numbers<[1], [0], [0], [1], [0, 0, 1, 1], [], []>, transpose_lhs_hint = false} : vector<10000x128xf32>, vector<128x128xf32>, vector<10000x128xf32> -> vector<10000x128xf32>
    %get3A_106 = arith.constant 0 : index
    %get3A_107 = arith.constant 0 : index
    %get3A_108 = vector.load %arg3[%get3A_106, %get3A_107] : memref<1x128xf32, #tpu.memory_space<vmem>>, vector<1x128xf32>
    %sqrt3A = arith.constant 1.000010e+00 : f32
    %sqrt3A_109 = math.sqrt %sqrt3A : f32
    %div3A_110 = arith.constant 1.000000e+00 : f32
    %div3A_111 = arith.divf %div3A_110, %sqrt3A_109 : f32
    %mul3A_112 = vector.broadcast %div3A_111 : f32 to vector<1x128xf32>
    %mul3A_113 = arith.mulf %get3A_108, %mul3A_112 : vector<1x128xf32>
    %get3A_114 = arith.constant 0 : index
    %get3A_115 = arith.constant 0 : index
    %get3A_116 = vector.load %arg2[%get3A_114, %get3A_115] : memref<1x128xf32, #tpu.memory_space<vmem>>, vector<1x128xf32>
    %add3A_117 = vector.broadcast %get3A_116 : vector<1x128xf32> to vector<10000x128xf32>
    %add3A_118 = arith.addf %dot_general3A_105, %add3A_117 : vector<10000x128xf32>
    %mul3A_119 = vector.broadcast %mul3A_113 : vector<1x128xf32> to vector<10000x128xf32>
    %mul3A_120 = arith.mulf %add3A_118, %mul3A_119 : vector<10000x128xf32>
    %get3A_121 = arith.constant 0 : index
    %get3A_122 = arith.constant 0 : index
    %get3A_123 = vector.load %arg4[%get3A_121, %get3A_122] : memref<1x128xf32, #tpu.memory_space<vmem>>, vector<1x128xf32>
    %add3A_124 = vector.broadcast %get3A_123 : vector<1x128xf32> to vector<10000x128xf32>
    %add3A_125 = arith.addf %mul3A_120, %add3A_124 : vector<10000x128xf32>
    %max3A = arith.constant 0.000000e+00 : f32
    %max3A_126 = vector.broadcast %max3A : f32 to vector<10000x128xf32>
    %max3A_127 = arith.maximumf %add3A_125, %max3A_126 : vector<10000x128xf32>
    %swap3A = arith.constant 0 : index
    %swap3A_128 = arith.constant 0 : index
    %swap3A_129 = vector.load %arg5[%swap3A, %swap3A_128] : memref<10000x128xf32, #tpu.memory_space<vmem>>, vector<10000x128xf32>
    tpu.vector_store %arg5[%swap3A, %swap3A_128], %max3A_127 {strides = array<i32>} : memref<10000x128xf32, #tpu.memory_space<vmem>>, vector<10000x128xf32>,
    return
  }
}

</mosaic_0001>

<sc_bundles>
// kernel: kernel.5.cloned.1.call-start
scs
__scs_entry_jumppad:
0x0: {  	(pc) =	sbr.rel $0x88, $3  }
0x1: {  	(tag) =	ssettag $0x0;
	lr =	simm.s32 $0x1  }
0x2: {  	[smem:$0x3F99] =	sst lr;
	_ =	strace $0xD0000000  }
0x3: {  	_ = 	snop  }
0x4: {  	_ = 	snop  }
0x5: {  	_ = 	snop  }
0x6: {  	_ = 	snop  }
0x7: {  	_ = 	snop  }
__scs_overlays_trampoline_lowered:
0x8: {  	[smem:$0x3FA8] =	sst s0  }
0x9: {  	[smem:$0x3FA9] =	sst s1  }
0xa: {  	[smem:$0x3FAA] =	sst s2  }
0xb: {  	[smem:$0x3FAB] =	sst s3  }
0xc: {  	[smem:$0x3FAC] =	sst s4  }
0xd: {  	[smem:$0x3FAD] =	sst s5  }
0xe: {  	[smem:$0x3FAE] =	sst s6  }
0xf: {  	[smem:$0x3FAF] =	sst s7  }
0x10: {  	[smem:$0x3FB0] =	sst s8  }
0x11: {  	[smem:$0x3FB1] =	sst s9;
	s0 =	simm.s32 @!p0 $0x0  }
0x12: {  	s1 =	sld [smem:$0x3F97];
	s0 =	simm.s32 @p0 $0x1  }
0x13: {  	[smem:$0x3FB2] =	sst s0;
	s0 =	simm.s32 @!p1 $0x0  }
0x14: {  	s2 =	sld [smem:$0x3F96];
	s0 =	simm.s32 @p1 $0x1  }
0x15: {  	[smem:$0x3FB3] =	sst s0;
	s0 =	simm.s32 @!p2 $0x0  }
0x16: {  	s3 =	sld [smem:$0x3FDB];
	s0 =	simm.s32 @p2 $0x1  }
0x17: {  	s4 =	simm.s32 $0x1BF5;
	[smem:$0x3FB5] =	sst s0  }
0x18: {  	s0 =	sld [smem:$0x3F98];
	_ =	swait.ge [sflag:s4], $0x0  }
0x19: {  	s7 =	sld [smem:$0x3F99]  }
0x1a: {  	s8 =	sadd.s32 $0xFFFFE003, lr  }
0x1b: {  	s9 =	sadd.s32 $0xFFFFFEF7, lr;
	s5 =	simm.s32 $0xFFFFFFFF;
	p2 =	slt.u32 s8, $0xFFFFF086  }
0x1c: {  	p1 =	slt.u32 s9, $0xF7A;
	s5 =	simm.s32 @!p2 $0x0  }
0x1d: {  	s5 =	simm.s32 @p1 $0x1;
	p0 =	seq.s32 s7, s2  }
0x1e: {  	s7 =	smul.u32 @!p0 $0xF7A, s2;
	p2 =	seq.s32 @!p0 s5, $0x0  }
0x1f: {  	s9 =	smul.u32 $0xF7A, s1;
	s8 =	simm.s32 @!p0 $0x1BF5;
	p2 =	por !p2, p0  }
0x20: {  	[sflag:s8] =	ssyncset.s32 @!p0 $0xFFFFF086;
	s6 =	sadd.s32 @!p0 s3, s7;
	s7 =	simm.s32 @!p0 $0x108  }
0x21: {  	s3 =	sadd.s32 s3, s9;
	s6 =	sadd.s32 @!p0 $0x88, s6;
	s7 =	simm.s32 @p2 $0x1082  }
0x22: {  	[simem:s7], [sflag:s8] =	dma.local @!p0 [hbm:s6], $0xF7A  }
0x23: {  	s9 =	sor.u32 $0xD0000000, s2;
	s6 =	simm.s32 $0x108;
	_ =	swait.ge @!p0 [sflag:s8], $0x0  }
0x24: {  	s3 =	sadd.s32 $0x88, s3;
	s6 =	simm.s32 @!p1 $0x1082;
	[sflag:s4] =	ssyncset.s32 $0xFFFFF086  }
0x25: {  	[simem:s6], [sflag:s4] =	dma.local [hbm:s3], $0xF7A  }
0x26: {  	[smem:$0x3F99] =	sst s1;
	(tag) =	ssettag s2;
	_ =	strace s9  }
0x27: {  	s1 =	sld [smem:$0x3FA9]  }
0x28: {  	s2 =	sld [smem:$0x3FAA]  }
0x29: {  	s4 =	sld [smem:$0x3FAC]  }
0x2a: {  	p0 =	seq.s32 s5, $0x0;
	s5 =	sld [smem:$0x3FAD]  }
0x2b: {  	s6 =	sld [smem:$0x3FAE]  }
0x2c: {  	s7 =	sld [smem:$0x3FAF]  }
0x2d: {  	s3 =	simm.s32 $0x108;
	s8 =	sld [smem:$0x3FB0]  }
0x2e: {  	s3 =	simm.s32 @!p0 $0x1082;
	s9 =	sld [smem:$0x3FB1]  }
0x2f: {  	lr =	sadd.s32 s0, s3;
	s0 =	sld [smem:$0x3FA8]  }
0x30: {  	s3 =	sld [smem:$0x3FAB]  }
0x31: {  	[smem:$0x3FB4] =	sst s10  }
0x32: {  	s10 =	sld [smem:$0x3FB2];
	_ =	sdelay $0x3  }
0x33: {  	p0 =	seq.s32 s10, $0x1;
	s10 =	sld [smem:$0x3FB4];
	_ =	sdelay $0x3  }
0x34: {  	[smem:$0x3FB4] =	sst s10  }
0x35: {  	s10 =	sld [smem:$0x3FB3];
	_ =	sdelay $0x3  }
0x36: {  	p1 =	seq.s32 s10, $0x1;
	s10 =	sld [smem:$0x3FB4];
	_ =	sdelay $0x3  }
0x37: {  	[smem:$0x3FB4] =	sst s10  }
0x38: {  	s10 =	sld [smem:$0x3FB5]  }
0x39: {  	_ = 	snop;
	(pc) =	sbr.ind lr, $3  }
0x3a: {  	_ = 	snop  }
0x3b: {  	_ = 	snop  }
0x3c: {  	p2 =	seq.s32 s10, $0x1;
	s10 =	sld [smem:$0x3FB4]  }
0x3d: {  	_ =	shalt  }
0x3e: {  	_ =	shalt  }
0x3f: {  	_ =	shalt  }
0x40: {  	_ =	shalt  }
0x41: {  	_ =	shalt  }
0x42: {  	_ =	shalt  }
0x43: {  	_ =	shalt  }
0x44: {  	_ =	shalt  }
0x45: {  	_ =	shalt  }
0x46: {  	_ =	shalt  }
0x47: {  	_ =	shalt  }
0x48: {  	_ =	shalt  }
0x49: {  	_ =	shalt  }
0x4a: {  	_ =	shalt  }
0x4b: {  	_ =	shalt  }
0x4c: {  	_ =	shalt  }
0x4d: {  	_ =	shalt  }
0x4e: {  	_ =	shalt  }
0x4f: {  	_ =	shalt  }
0x50: {  	_ =	shalt  }
0x51: {  	_ =	shalt  }
0x52: {  	_ =	shalt  }
0x53: {  	_ =	shalt  }
0x54: {  	_ =	shalt  }
0x55: {  	_ =	shalt  }
0x56: {  	_ =	shalt  }
0x57: {  	_ =	shalt  }
0x58: {  	_ =	shalt  }
0x59: {  	_ =	shalt  }
0x5a: {  	_ =	shalt  }
0x5b: {  	_ =	shalt  }
0x5c: {  	_ =	shalt  }
0x5d: {  	_ =	shalt  }
0x5e: {  	_ =	shalt  }
0x5f: {  	_ =	shalt  }
0x60: {  	_ =	shalt  }
0x61: {  	_ =	shalt  }
0x62: {  	_ =	shalt  }
0x63: {  	_ =	shalt  }
0x64: {  	_ =	shalt  }
0x65: {  	_ =	shalt  }
0x66: {  	_ =	shalt  }
0x67: {  	_ =	shalt  }
0x68: {  	_ =	shalt  }
0x69: {  	_ =	shalt  }
0x6a: {  	_ =	shalt  }
0x6b: {  	_ =	shalt  }
0x6c: {  	_ =	shalt  }
0x6d: {  	_ =	shalt  }
0x6e: {  	_ =	shalt  }
0x6f: {  	_ =	shalt  }
0x70: {  	_ =	shalt  }
0x71: {  	_ =	shalt  }
0x72: {  	_ =	shalt  }
0x73: {  	_ =	shalt  }
0x74: {  	_ =	shalt  }
0x75: {  	_ =	shalt  }
0x76: {  	_ =	shalt  }
0x77: {  	_ =	shalt  }
0x78: {  	_ =	shalt  }
0x79: {  	_ =	shalt  }
0x7a: {  	_ =	shalt  }
0x7b: {  	_ =	shalt  }
0x7c: {  	_ =	shalt  }
0x7d: {  	_ =	shalt  }
0x7e: {  	_ =	shalt  }
0x7f: {  	_ =	shalt  }
0x80: {  	_ =	shalt  }
0x81: {  	_ =	shalt  }
0x82: {  	_ =	shalt  }
0x83: {  	_ =	shalt  }
0x84: {  	_ =	shalt  }
0x85: {  	_ =	shalt  }
0x86: {  	_ =	shalt  }
0x87: {  	_ =	shalt  }
.Lfunc_end0:
.L_simem_size_0:
called_computation_lowered:
.L_overlay_start_0:
0x88: {  	s2 =	sld [smem:$0x3FD9]  }
0x89: {  	s3 =	sld [smem:$0x3FFE];
	_ =	sdelay $0x1  }
0x8a: {  	s1 =	srdreg.scid  }
0x8b: {  	s0 =	sand.u32 $0x1, s1  }
0x8c: {  	s17 =	sshll.u32 s0, $0xA;
	s2 =	sadd.s32 s3, s2  }
0x8d: {  	s2 =	sadd.s32 s2, s17  }
0x8e: {  	[smem:$0x3FC0] =	sst s2  }
0x8f: {  	_ = 	snop  }
0x90: {  	s2 =	sld [smem:$0x3FD0];
	(tm) =	ssettm $0x1  }
0x91: {  	s18 =	sld [smem:$0x3FFB];
	_ =	sdelay $0x3  }
0x92: {  	_ =	strace s18  }
0x93: {  	s3 =	sld [smem:$0x3FFC];
	_ =	sdelay $0x3  }
0x94: {  	_ =	strace s3  }
0x95: {  	s3 =	sld [smem:$0x3FFD];
	_ =	sdelay $0x3  }
0x96: {  	_ =	strace s3  }
0x97: {  	_ =	strace $0x8FFFFFFF  }
0x98: {  	s19 =	sld [smem:$0x3FDB];
	_ =	sdelay $0x1  }
0x99: {  	s4 =	simm.s32 $_scs_section_size  }
0x9a: {  	s5 =	simm.s32 $_size__tile_overlayer_lowered;
	s6 =	simm.s32 $_tile_overlayer_lowered  }
0x9b: {  	s22 =	simm.s32 $0x1BFF;
	s21 =	sshll.u32 s6, $0x1;
	s3 =	sadd.s32 s4, s19  }
0x9c: {  	s7 =	simm.s32 $0x0;
	s20 =	sshll.u32 s5, $0x1;
	s5 =	sadd.s32 s21, s3  }
0x9d: {  	[timem:s7], [sflag:s22] =	dma.local [hbm:s5], s20  }
0x9e: {  	_ =	swait.ge [sflag:s22], s20  }
0x9f: {  	s4 =	ssub.s32 $0x0, s20;
	[sflag:s22] =	ssyncset.done $0x0  }
0xa0: {  	[sflag:s22] =	ssyncadd.s32 s4;
	_ =	sdelay $0x1  }
0xa1: {  	s23 =	simm.s32 $0x1B8B  }
0xa2: {  	_ =	swait.ge [sflag:s23], $0x1  }
0xa3: {  	[sflag:s23] =	ssyncset.done $0x0  }
0xa4: {  	s25 =	simm.s32 $0x1B8E;
	s24 =	sld [smem:$0x3FFE];
	[sflag:s23] =	ssyncadd.s32 $0xFFFFFFFF  }
0xa5: {  	s26 =	simm.s32 $execute0_lowered;
	[smem:$0x3FD2] =	sst s25  }
0xa6: {  	s5 =	sshll.u32 s26, $0x1;
	_ =	strace $0x80000046;
	[dreg:$0x1] =	wrdreg $0xFFFFFFFF  }
0xa7: {  	s28 =	simm.s32 $_size_execute0_lowered;
	s3 =	sadd.s32 s3, s5;
	[dreg:$0x0] =	wrdreg $0x0  }
0xa8: {  	s5 =	sshll.u32 s28, $0x1;
	[dreg:$0x2] =	wrdreg s3  }
0xa9: {  	[dreg:$0x3] =	wrdreg s5  }
0xaa: {  	[dreg:$0x4] =	wrdreg $0xC0  }
0xab: {  	_ =	task [dreg:s7], $0x5FFFF  }
0xac: {  	[dreg:$0x1] =	wrdreg $0xFFFFFFFF  }
0xad: {  	[dreg:$0x0] =	wrdreg $0x60  }
0xae: {  	[dreg:$0x2] =	wrdreg s24  }
0xaf: {  	[dreg:$0x3] =	wrdreg s2  }
0xb0: {  	[dreg:$0x4] =	wrdreg $0x0  }
0xb1: {  	[dreg:$0x5] =	wrdreg $0x140000  }
0xb2: {  	[dreg:$0x6] =	wrdreg $0x9  }
0xb3: {  	_ =	task.clear_ibuf [dreg:s7], $0x7FFFF;
	_ =	strace $0x90000046  }
0xb4: {  	s29 =	simm.s32 $0x9;
	_ =	strace $0x80000048  }
0xb5: {  	_ =	swait.ge [sflag:s29], $0x1  }
0xb6: {  	[sflag:s29] =	ssyncadd.s32 $0xFFFFFFFF  }
0xb7: {  	_ =	strace $0x90000048  }
0xb8: {  	_ =	sfence  }
0xb9: {  	s30 =	sld [smem:$0x0];
	_ =	sdelay $0x2  }
0xba: {  	s31 =	sshll.u32 s1, $0xD;
	s1 =	sshrl.u32 s1, $0x2  }
0xbb: {  	s3 =	sand.u32 $0x4000, s31;
	s1 =	sadd.s32 s1, s30  }
0xbc: {  	s0 =	sor.u32 s3, s0;
	s1 =	sshll.u32 s1, $0x11  }
0xbd: {  	s0 =	sor.u32 s1, s0  }
0xbe: {  	s0 =	sadd.s32 $0x8F2B, s0  }
0xbf: {  	[sflag:s0] =	ssyncadd.remote.s32 $0x1  }
0xc0: {  	_ =	sfence.sel $0xFFFF  }
0xc1: {  	[dreg:$0x0] =	wrdreg $0xFFFFFFFF;
	(pc) =	sbr.abs _section_cstart, $3  }
0xc2: {  	[dreg:$0x1] =	wrdreg $0xFFFFFFFF  }
0xc3: {  	_ =	task.clear_ibuf [dreg:s7], $0x2FFFF;
	_ =	strace $0x9FFFFFFF  }
0xc4: {  	(tm) =	ssettm $0x7FFFFFFF  }
0xc5: {  	_ =	shalt  }
tec
execute0_lowered:
.L_overlay_start_1:
0x0: {  	(tag) =	ssettag $0x1  }
0x1: {  	s1 =	rddreg [dreg:$0x0]  }
0x2: {  	s0 =	rddreg [dreg:$0x1]  }
0x3: {  	s3 =	rddreg [dreg:$0x2]  }
0x4: {  	s2 =	srdreg.scid;
	s4 =	rddreg [dreg:$0x3]  }
0x5: {  	s19 =	stileid.u32;
	s5 =	simm.s32 $0x0;
	s28 =	simm.s32 $0x28  }
0x6: {  	s30 =	simm.s32 $0x1;
	s31 =	simm.s32 $0x1C160;
	s29 =	simm.s32 $0x1EBE0  }
0x7: {  	s2 =	sand.u32 $0x1, s2;
	[smem:$0x7FF] =	sst s5;
	s12 =	smul.u32 $0x14000, s19  }
0x8: {  	s14 =	smul.u32 $0x2800, s19;
	s7 =	sadd.s32 $0x14E00, s1;
	s8 =	sadd.s32 $0x19E00, s1  }
0x9: {  	s15 =	sadd.s32 $0x14C00, s1;
	s23 =	sshll.u32 s19, $0x6;
	s6 =	sshll.u32 s2, $0x4  }
0xa: {  	_ =	strace $0x80000047;
	s10 =	smul.u32 $0x140000, s2;
	[dreg:$0x5] =	wrdreg s15  }
0xb: {  	s16 =	smul.u32 $0x28000, s2;
	s2 =	ssub.s32 $0x2, s2;
	s9 =	sor.u32 s19, s6  }
0xc: {  	s6 =	sadd.s32 $0xAE00, s1;
	s20 =	sshrl.u32 s12, $0x3;
	s17 =	sshrl.u32 s14, $0x3  }
0xd: {  	s22 =	sshrl.u32 s2, $0x1;
	s11 =	smul.u32 $0x4E2, s9;
	s15 =	sadd.s32 s20, s1  }
0xe: {  	s10 =	sadd.s32 s12, s10;
	s17 =	sadd.s32 s17, s1;
	s16 =	sadd.s32 s14, s16  }
0xf: {  	s2 =	ssub.s32 s2, s22;
	s12 =	sadd.s32 s12, s3;
	s14 =	sadd.s32 s14, s4  }
0x10: {  	s22 =	simm.s32 $0x7;
	s10 =	sshrl.u32 s10, $0x3;
	s21 =	sshrl.u32 s16, $0x3  }
0x11: {  	s15 =	sadd.s32 $0x23E00, s15;
	[dreg:$0x8] =	wrdreg s14;
	s24 =	sadd.s32 $0x1EE00, s17  }
0x12: {  	s26 =	smax.u32 s2, $0x1;
	s12 =	sshrl.u32 s12, $0x3;
	[dreg:$0x6] =	wrdreg s15  }
0x13: {  	s2 =	simm.s32 $0x2;
	s13 =	sadd.s32 s11, s1;
	[dreg:$0x9] =	wrdreg s24  }
0x14: {  	s18 =	sadd.s32 s10, s1;
	s1 =	sadd.s32 s21, s1;
	[dreg:$0xf] =	wrdreg s26  }
0x15: {  	s10 =	smul.u32 $0xFA, s9;
	s11 =	sadd.s32 s6, s11;
	[dreg:$0x10] =	wrdreg s12  }
0x16: {  	s9 =	smul.u32 $0x2710, s9;
	s15 =	sor.u32 $0x1C07, s23;
	[dreg:$0xb] =	wrdreg s11  }
0x17: {  	s23 =	simm.s32 $0x1D560;
	s13 =	sadd.s32 $0x1000, s13;
	[dreg:$0x7] =	wrdreg s15  }
0x18: {  	s25 =	sadd.s32 $0x55E00, s18;
	s9 =	sadd.s32 $0x28, s9;
	[dreg:$0xa] =	wrdreg s13  }
0x19: {  	s1 =	sadd.s32 $0x4BE00, s1;
	[dreg:$0xd] =	wrdreg s25;
	s9 =	sshrl.u32 s9, $0x3  }
0x1a: {  	s11 =	simm.s32 $0x0;
	[dreg:$0xe] =	wrdreg s1;
	s9 =	sadd.s32 s6, s9  }
0x1b: {  	s25 =	simm.s32 $0x16800;
	s1 =	simm.s32 $0x1E960;
	[dreg:$0xc] =	wrdreg s9  }
.LBB2_1:
0x1c: {  	s9 =	rddreg [dreg:$0x6]  }
0x1d: {  	[spmem:s12], [sflag:s15] =	dma.local [hbm:s9], $0x2800  }
0x1e: {  	_ =	swait.ge [sflag:s22], $0x2800  }
0x1f: {  	s19 =	rddreg [dreg:$0x8]  }
0x20: {  	[sflag:s22] =	ssyncset.done $0x0;
	s21 =	rddreg [dreg:$0x9];
	s20 =	sshrl.u32 s19, $0x3  }
0x21: {  	[sflag:s22] =	ssyncadd.s32 $0xFFFFD800;
	[dreg:$0x11] =	wrdreg s20  }
0x22: {  	[spmem:s20], [sflag:s15] =	dma.local [hbm:s21], $0x500  }
0x23: {  	_ =	swait.ge [sflag:s22], $0x500  }
0x24: {  	[sflag:s22] =	ssyncset.done $0x0  }
0x25: {  	s26 =	simm.s32 $0x1EE60;
	s24 =	rddreg [dreg:$0x5];
	[sflag:s22] =	ssyncadd.s32 $0xFFFFFB00  }
0x26: {  	[tilespmem:s26], [sflag:$0x7] =	stream.linear.gather [hbm4b:s24+s5], $0x10, $0x38;
	[tilespmem:$0x1EE70] =	vst v63  }
0x27: {  	_ =	swait.ge [sflag:s22], $0x10  }
0x28: {  	[sflag:s22] =	ssyncset.done $0x0  }
0x29: {  	s14 =	simm.s32 $0x16850;
	s13 =	rddreg [dreg:$0xa];
	[sflag:s22] =	ssyncadd.s32 $0xFFFFFFF0  }
0x2a: {  	[tilespmem:s14], [sflag:$0x7] =	stream.linear.gather [hbm4b:s13+s5], $0x2710, $0x38;
	[tilespmem:$0x1EE70] =	vst v63  }
0x2b: {  	_ =	swait.ge [sflag:s22], $0x2710  }
0x2c: {  	[sflag:s22] =	ssyncset.done $0x0  }
0x2d: {  	s15 =	rddreg [dreg:$0xb];
	[sflag:s22] =	ssyncadd.s32 $0xFFFFD8F0  }
0x2e: {  	[tilespmem:s25], [sflag:$0x7] =	stream.linear.gather [hbm4b:s15+s5], $0x28, $0x38;
	[tilespmem:$0x1EE70] =	vst v63  }
0x2f: {  	_ =	swait.ge [sflag:s22], $0x28  }
0x30: {  	[sflag:s22] =	ssyncset.done $0x0  }
0x31: {  	s13 =	simm.s32 $0x16828;
	s16 =	rddreg [dreg:$0xc];
	[sflag:s22] =	ssyncadd.s32 $0xFFFFFFD8  }
0x32: {  	[tilespmem:s13], [sflag:$0x7] =	stream.linear.gather [hbm4b:s16+s5], $0x28, $0x38;
	[tilespmem:$0x1EE70] =	vst v63  }
0x33: {  	_ =	swait.ge [sflag:s22], $0x28  }
0x34: {  	[sflag:s22] =	ssyncset.done $0x0  }
0x35: {  	[sflag:s22] =	ssyncadd.s32 $0xFFFFFFD8  }
0x36: {  	s17 =	simm.s32 $0x18F60;
	[bflag:$0x0] =	sbarrier.arrive $0xFFFF  }
0x37: {  	v0 =	vld [tilespmem:$0x1EE60];
	[tilespmem:s17], [sflag:$0x1] =	stream.indirect.gather [hbm4b:s0+s28], $0x80, s25, s28, $0xb8  }
0x38: {  	s18 =	simm.s32 $0x1B760  }
0x39: {  	[tilespmem:s18], [sflag:$0x1] =	stream.indirect.gather [hbm4b:s7+s28], $0x10, s25, s28, $0xb8;
	[tilespmem:$0x1EE70] =	vst v63  }
0x3a: {  	s19 =	simm.s32 $0x1BC60  }
0x3b: {  	[tilespmem:s19], [sflag:$0x1] =	stream.indirect.gather [hbm4b:s8+s28], $0x10, s14, s28, $0xb8;
	[tilespmem:$0x1EE70] =	vst v63  }
0x3c: {  	s20 =	simm.s32 $0x1A360  }
0x3d: {  	[tilespmem:s20], [sflag:$0x2] =	stream.indirect.gather [hbm4b:s0+s28], $0x80, s13, s28, $0xb8;
	[tilespmem:$0x1EE70] =	vst v63  }
0x3e: {  	s21 =	simm.s32 $0x1B9E0  }
0x3f: {  	[tilespmem:s21], [sflag:$0x2] =	stream.indirect.gather [hbm4b:s7+s28], $0x10, s13, s28, $0xb8;
	[tilespmem:$0x1EE70] =	vst v63  }
0x40: {  	s24 =	simm.s32 $0x16878;
	s26 =	simm.s32 $0x1BEE0;
	s14 =	simm.s32 $0x0  }
0x41: {  	[tilespmem:s26], [sflag:$0x2] =	stream.indirect.gather [hbm4b:s8+s28], $0x10, s24, s28, $0xb8;
	[tilespmem:$0x1EE70] =	vst v63  }
.LBB2_2:
0x42: {  	_ =	swait.ge [sflag:s30], $0x1400  }
0x43: {  	[sflag:s30] =	ssyncset.done $0x0  }
0x44: {  	[sflag:s30] =	ssyncadd.s32 $0xFFFFEC00  }
0x45: {  	_ =	swait.ge [sflag:s30], $0x280  }
0x46: {  	[sflag:s30] =	ssyncset.done $0x0  }
0x47: {  	[sflag:s30] =	ssyncadd.s32 $0xFFFFFD80  }
0x48: {  	_ =	swait.ge [sflag:s30], $0x280  }
0x49: {  	p1 =	seq.s32 s14, $0x0;
	[sflag:s30] =	ssyncset.done $0x0  }
0x4a: {  	s9 =	simm.s32 @!p1 $0x3;
	[sflag:s30] =	ssyncadd.s32 $0xFFFFFD80  }
0x4b: {  	_ =	swait.ge @!p1 [sflag:s9], $0x1400  }
0x4c: {  	[sflag:s9] =	ssyncset.done @!p1 $0x0  }
0x4d: {  	[sflag:s9] =	ssyncadd.s32 @!p1 $0xFFFFEC00  }
0x4e: {  	p0 =	seq.s32 @!p1 s14, $0x7C;
	_ =	swait.ge @!p1 [sflag:s9], $0x280  }
0x4f: {  	s16 =	sshll.u32 s14, $0x1;
	p2 =	por p1, !p0;
	[sflag:s9] =	ssyncset.done @!p1 $0x0  }
0x50: {  	[sflag:s9] =	ssyncadd.s32 @!p1 $0xFFFFFD80;
	s9 =	sadd.s32 @p2 s10, s16  }
0x51: {  	s9 =	smul.u32 @p2 $0x28, s9;
	_ =	sdelay $0x1  }
0x52: {  	s9 =	sshrl.u32 @p2 s9, $0x3  }
0x53: {  	s9 =	sadd.s32 @p2 s6, s9  }
0x54: {  	s17 =	simm.s32 $0x1B7A0;
	s9 =	sadd.s32 @p2 $0xA, s9  }
0x55: {  	[tilespmem:s25], [sflag:$0x5] =	stream.linear.gather @p2 [hbm4b:s9+s5], $0x28, $0x38;
	[tilespmem:$0x1EE70] =	vst v63  }
0x56: {  	s12 =	simm.s32 $0x1BCA0;
	v1 =	vld [tilespmem:s17+$0x30]  }
0x57: {  	v2 =	vld [tilespmem:s12+$0x30];
	_ =	sdelay $0x1  }
0x58: {  	v4 =	vld [tilespmem:s17+$0xFFFFFFD0]  }
0x59: {  	v5 =	vld [tilespmem:s17+$0xFFFFFFE0]  }
0x5a: {  	v7 =	vld [tilespmem:s12+$0xFFFFFFE0]  }
0x5b: {  	v8 =	vld [tilespmem:s17+$0xFFFFFFF0];
	v1 =	vadd.f32 v2, v1  }
0x5c: {  	v2 =	vld [tilespmem:s12+$0xFFFFFFD0]  }
0x5d: {  	v9 =	vld [tilespmem:s17+$0x0];
	v6 =	vmul.f32 $2.000000030e-01, v1  }
0x5e: {  	v10 =	vld [tilespmem:s12+$0x0];
	vm0 =	vgt.f32 v1, $0.0e+00  }
0x5f: {  	v11 =	vld [tilespmem:s17+$0x10];
	v1 =	vsel vm0, v1, v6  }
0x60: {  	v6 =	vld [tilespmem:s12+$0xFFFFFFF0];
	v1 =	vsub.f32 v1, v0  }
0x61: {  	v2 =	vadd.f32 v2, v4;
	v4 =	vld [tilespmem:s12+$0x10]  }
0x62: {  	v1 =	vmul.f32 $1.442695020e+00, v1  }
0x63: {  	v3 =	vld [tilespmem:s12+$0xFFFFFFC0];
	v9 =	vadd.f32 v10, v9  }
0x64: {  	(erf) = vpow2.f32 v1;
	v1 =	vadd.f32 v7, v5;
	v5 =	vld [tilespmem:s17+$0xFFFFFFC0]  }
0x65: {  	vm8 =	vgt.f32 v9, $0.0e+00;
	v7 =	vmul.f32 $2.000000030e-01, v2;
	v6 =	vadd.f32 v6, v8  }
0x66: {  	v12 =	vld [tilespmem:s17+$0x20];
	vm6 =	vgt.f32 v2, $0.0e+00;
	v4 =	vadd.f32 v4, v11;
	vm1 =	vgt.f32 v1, $0.0e+00  }
0x67: {  	v8 =	vmul.f32 $2.000000030e-01, v1;
	v2 =	vsel vm6, v2, v7;
	v7 =	vld [tilespmem:s12+$0x20];
	vm7 =	vgt.f32 v6, $0.0e+00  }
0x68: {  	v10 =	vmul.f32 $2.000000030e-01, v6;
	v2 =	vsub.f32 v2, v0;
	vm9 =	vgt.f32 v4, $0.0e+00  }
0x69: {  	v1 =	vsel vm1, v1, v8;
	v8 =	vmul.f32 $2.000000030e-01, v9;
	v3 =	vadd.f32 v3, v5  }
0x6a: {  	v2 =	vmul.f32 $1.442695020e+00, v2;
	v1 =	vsub.f32 v1, v0;
	v5 =	vsel vm7, v6, v10  }
0x6b: {  	v6 =	vmul.f32 $2.000000030e-01, v4;
	v8 =	vsel vm8, v9, v8;
	v10 =	vmul.f32 $2.000000030e-01, v3  }
0x6c: {  	v5 =	vsub.f32 v5, v0;
	v7 =	vadd.f32 v7, v12;
	vm10 =	vgt.f32 v3, $0.0e+00  }
0x6d: {  	s18 =	simm.s32 $0x1E9A0;
	s20 =	simm.s32 $0x19160;
	v4 =	vsel vm9, v4, v6;
	v1 =	vmul.f32 $1.442695020e+00, v1;
	v9 =	vpop (erf);
	v3 =	vsel vm10, v3, v10  }
0x6e: {  	v5 =	vmul.f32 $1.442695020e+00, v5;
	v6 =	vmul.f32 $2.000000030e-01, v7;
	[tilespmem:s18+$0x30] =	vst v9;
	v3 =	vsub.f32 v3, v0  }
0x6f: {  	vm11 =	vgt.f32 v7, $0.0e+00;
	(erf) = vpow2.f32 v2;
	v2 =	vsub.f32 v8, v0;
	v10 =	vld [tilespmem:s20+$0x180]  }
0x70: {  	(erf) = vpow2.f32 v1;
	v1 =	vsub.f32 v4, v0;
	v3 =	vmul.f32 $1.442695020e+00, v3  }
0x71: {  	v4 =	vsel vm11, v7, v6;
	(erf) = vpow2.f32 v5;
	v2 =	vmul.f32 $1.442695020e+00, v2  }
0x72: {  	s21 =	simm.s32 $0x1BD20;
	v4 =	vsub.f32 v4, v0;
	(erf) = vpow2.f32 v3  }
0x73: {  	s19 =	simm.s32 $0x1B820;
	v18 =	vld [tilespmem:s21+$0xFFFFFFC0];
	v1 =	vmul.f32 $1.442695020e+00, v1;
	(erf) = vpow2.f32 v2  }
0x74: {  	v19 =	vld [tilespmem:s19+$0xFFFFFFD0];
	v4 =	vmul.f32 $1.442695020e+00, v4;
	v3 =	vmul.f32 v9, v10  }
0x75: {  	s15 =	simm.s32 $0x1C360;
	v21 =	vld [tilespmem:s21+$0xFFFFFFD0];
	(erf) = vpow2.f32 v1  }
0x76: {  	v22 =	vld [tilespmem:s21+$0xFFFFFFE0];
	(erf) = vpow2.f32 v4;
	[tilespmem:s15+$0x180] =	vst v3  }
0x77: {  	v1 =	vld [tilespmem:s20+$0x190]  }
0x78: {  	v24 =	vld [tilespmem:s19+$0xFFFFFFF0];
	v15 =	vpop (erf)  }
0x79: {  	v25 =	vld [tilespmem:s21+$0xFFFFFFF0];
	[tilespmem:s18+$0xFFFFFFD0] =	vst v15;
	v13 =	vpop (erf)  }
0x7a: {  	v2 =	vld [tilespmem:s20+$0xFFFFFE80];
	[tilespmem:s18+$0xFFFFFFE0] =	vst v13;
	v12 =	vpop (erf)  }
0x7b: {  	v26 =	vld [tilespmem:s21+$0x0];
	[tilespmem:s18+$0xFFFFFFF0] =	vst v12;
	v20 =	vpop (erf)  }
0x7c: {  	v4 =	vld [tilespmem:s20+$0xFFFFFF80];
	v1 =	vmul.f32 v9, v1;
	[tilespmem:s18+$0xFFFFFFC0] =	vst v20;
	v16 =	vpop (erf)  }
0x7d: {  	v3 =	vld [tilespmem:s20+$0xFFFFFF00];
	[tilespmem:s18+$0x0] =	vst v16  }
0x7e: {  	v5 =	vld [tilespmem:s20+$0xFFFFFE00];
	v14 =	vpop (erf);
	[tilespmem:s15+$0x190] =	vst v1  }
0x7f: {  	v2 =	vmul.f32 v15, v2;
	v8 =	vpop (erf);
	[tilespmem:s18+$0x10] =	vst v14;
	v1 =	vld [tilespmem:s20+$0x1A0]  }
0x80: {  	v6 =	vld [tilespmem:s20+$0x0];
	[tilespmem:s18+$0x20] =	vst v8  }
0x81: {  	[tilespmem:s15+$0xFFFFFE80] =	vst v2;
	v2 =	vmul.f32 v12, v4;
	v4 =	vld [tilespmem:s20+$0x100]  }
0x82: {  	v3 =	vmul.f32 v13, v3;
	v7 =	vld [tilespmem:s20+$0x80]  }
0x83: {  	v10 =	vld [tilespmem:s20+$0xFFFFFE90];
	[tilespmem:s15+$0xFFFFFF80] =	vst v2;
	v5 =	vmul.f32 v20, v5  }
0x84: {  	[tilespmem:s15+$0xFFFFFF00] =	vst v3;
	v2 =	vld [tilespmem:s20+$0xFFFFFF90];
	v1 =	vmul.f32 v9, v1  }
0x85: {  	v3 =	vld [tilespmem:s20+$0xFFFFFF10];
	[tilespmem:s15+$0xFFFFFE00] =	vst v5;
	v5 =	vmul.f32 v16, v6  }
0x86: {  	v6 =	vld [tilespmem:s20+$0xFFFFFE10];
	[tilespmem:s15+$0x1A0] =	vst v1;
	v1 =	vmul.f32 v8, v4  }
0x87: {  	v7 =	vmul.f32 v14, v7;
	[tilespmem:s15+$0x0] =	vst v5;
	v4 =	vld [tilespmem:s20+$0x1B0]  }
0x88: {  	v5 =	vmul.f32 v15, v10;
	v10 =	vld [tilespmem:s20+$0x10];
	[tilespmem:s15+$0x100] =	vst v1  }
0x89: {  	[tilespmem:s15+$0x80] =	vst v7;
	v1 =	vmul.f32 v12, v2;
	v2 =	vld [tilespmem:s20+$0x110]  }
0x8a: {  	v3 =	vmul.f32 v13, v3;
	v7 =	vld [tilespmem:s20+$0x90];
	[tilespmem:s15+$0xFFFFFE90] =	vst v5  }
0x8b: {  	v5 =	vmul.f32 v20, v6;
	v6 =	vld [tilespmem:s20+$0xFFFFFEA0];
	[tilespmem:s15+$0xFFFFFF90] =	vst v1  }
0x8c: {  	[tilespmem:s15+$0xFFFFFF10] =	vst v3;
	v1 =	vmul.f32 v4, v9;
	v4 =	vld [tilespmem:s20+$0xFFFFFFA0]  }
0x8d: {  	v3 =	vld [tilespmem:s20+$0xFFFFFF20];
	[tilespmem:s15+$0xFFFFFE10] =	vst v5;
	v5 =	vmul.f32 v16, v10  }
0x8e: {  	v10 =	vld [tilespmem:s20+$0xFFFFFE20];
	[tilespmem:s15+$0x1B0] =	vst v1;
	v1 =	vmul.f32 v8, v2  }
0x8f: {  	v7 =	vmul.f32 v14, v7;
	[tilespmem:s15+$0x10] =	vst v5;
	v2 =	vld [tilespmem:s20+$0x1C0]  }
0x90: {  	v5 =	vmul.f32 v15, v6;
	v6 =	vld [tilespmem:s20+$0x20];
	[tilespmem:s15+$0x110] =	vst v1  }
0x91: {  	[tilespmem:s15+$0x90] =	vst v7;
	v1 =	vmul.f32 v12, v4;
	v4 =	vld [tilespmem:s20+$0x120]  }
0x92: {  	v28 =	vld [tilespmem:s19+$0x20];
	v3 =	vmul.f32 v13, v3;
	[tilespmem:s15+$0xFFFFFEA0] =	vst v5  }
0x93: {  	v5 =	vmul.f32 v20, v10;
	v10 =	vld [tilespmem:s20+$0xFFFFFEB0];
	[tilespmem:s15+$0xFFFFFFA0] =	vst v1  }
0x94: {  	[tilespmem:s15+$0xFFFFFF20] =	vst v3;
	v1 =	vmul.f32 v2, v9;
	v2 =	vld [tilespmem:s20+$0xFFFFFFB0]  }
0x95: {  	v7 =	vld [tilespmem:s20+$0xA0];
	[tilespmem:s15+$0xFFFFFE20] =	vst v5;
	v5 =	vmul.f32 v16, v6  }
0x96: {  	v6 =	vld [tilespmem:s20+$0xFFFFFE30];
	[tilespmem:s15+$0x1C0] =	vst v1;
	v1 =	vmul.f32 v8, v4  }
0x97: {  	[tilespmem:s15+$0x20] =	vst v5;
	v4 =	vld [tilespmem:s20+$0x1D0]  }
0x98: {  	v19 =	vadd.f32 v21, v19;
	v3 =	vld [tilespmem:s20+$0xFFFFFF30];
	v5 =	vmul.f32 v10, v15;
	[tilespmem:s15+$0x120] =	vst v1  }
0x99: {  	s26 =	simm.s32 $0x1B8A0;
	v1 =	vmul.f32 v2, v12;
	v2 =	vld [tilespmem:s20+$0x130]  }
0x9a: {  	v33 =	vld [tilespmem:s26+$0x30];
	v27 =	vmul.f32 $2.000000030e-01, v19;
	[tilespmem:s15+$0xFFFFFEB0] =	vst v5  }
0x9b: {  	v7 =	vmul.f32 v14, v7;
	v5 =	vmul.f32 v6, v20;
	v6 =	vld [tilespmem:s20+$0xFFFFFEC0]  }
0x9c: {  	v21 =	vld [tilespmem:s19+$0x10];
	vm13 =	vgt.f32 v19, $0.0e+00;
	[tilespmem:s15+$0xFFFFFFB0] =	vst v1;
	v1 =	vmul.f32 v4, v9  }
0x9d: {  	v19 =	vsel vm13, v19, v27;
	v27 =	vld [tilespmem:s21+$0x20];
	[tilespmem:s15+$0xA0] =	vst v7;
	v3 =	vmul.f32 v3, v13  }
0x9e: {  	v10 =	vld [tilespmem:s20+$0x30];
	[tilespmem:s15+$0x1D0] =	vst v1;
	v1 =	vmul.f32 v2, v8  }
0x9f: {  	v7 =	vld [tilespmem:s20+$0xB0];
	[tilespmem:s15+$0xFFFFFF30] =	vst v3  }
0xa0: {  	v11 =	vld [tilespmem:s19+$0x30];
	[tilespmem:s15+$0x130] =	vst v1;
	v1 =	vmul.f32 v6, v15  }
0xa1: {  	v3 =	vld [tilespmem:s20+$0xFFFFFF40]  }
0xa2: {  	[tilespmem:s15+$0xFFFFFEC0] =	vst v1;
	v1 =	vld [tilespmem:s21+$0x30]  }
0xa3: {  	[tilespmem:s15+$0xFFFFFE30] =	vst v5;
	v4 =	vld [tilespmem:s20+$0xFFFFFFC0];
	v5 =	vmul.f32 v10, v16  }
0xa4: {  	v7 =	vmul.f32 v7, v14;
	v10 =	vld [tilespmem:s20+$0xFFFFFE40]  }
0xa5: {  	[tilespmem:s15+$0x30] =	vst v5;
	v2 =	vld [tilespmem:s20+$0x1E0]  }
0xa6: {  	[tilespmem:s15+$0xB0] =	vst v7;
	v5 =	vld [tilespmem:s20+$0x40]  }
0xa7: {  	v3 =	vmul.f32 v3, v13;
	v7 =	vld [tilespmem:s20+$0xC0];
	v1 =	vadd.f32 v1, v11  }
0xa8: {  	v11 =	vld [tilespmem:s19+$0xFFFFFFE0]  }
0xa9: {  	v19 =	vsub.f32 v19, v0;
	[tilespmem:s15+$0xFFFFFF40] =	vst v3;
	v6 =	vld [tilespmem:s20+$0x140];
	v23 =	vmul.f32 $2.000000030e-01, v1  }
0xaa: {  	v3 =	vld [tilespmem:s20+$0xFFFFFF50];
	vm12 =	vgt.f32 v1, $0.0e+00  }
0xab: {  	v19 =	vmul.f32 $1.442695020e+00, v19;
	v17 =	vld [tilespmem:s20+$0xFFFFFED0];
	v1 =	vsel vm12, v1, v23  }
0xac: {  	v4 =	vmul.f32 v4, v12;
	v2 =	vmul.f32 v2, v9;
	v23 =	vld [tilespmem:s19+$0x0];
	v1 =	vsub.f32 v1, v0  }
0xad: {  	v10 =	vmul.f32 v10, v20;
	v5 =	vmul.f32 v5, v16;
	v11 =	vadd.f32 v22, v11;
	v22 =	vld [tilespmem:s21+$0x10]  }
0xae: {  	v36 =	vld [tilespmem:s26+$0xFFFFFFD0];
	v7 =	vmul.f32 v7, v14;
	[tilespmem:s15+$0x1E0] =	vst v2;
	v2 =	vadd.f32 v27, v28;
	v1 =	vmul.f32 $1.442695020e+00, v1  }
0xaf: {  	v38 =	vld [tilespmem:s26+$0xFFFFFFF0];
	v6 =	vmul.f32 v6, v8;
	v3 =	vmul.f32 v3, v13  }
0xb0: {  	v53 =	vld [tilespmem:s26+$0x10];
	[tilespmem:s15+$0xFFFFFFC0] =	vst v4;
	v17 =	vmul.f32 v17, v15;
	vm7 =	vgt.f32 v2, $0.0e+00;
	(erf) = vpow2.f32 v1  }
0xb1: {  	[tilespmem:s15+$0xFFFFFE40] =	vst v10;
	vm14 =	vgt.f32 v11, $0.0e+00;
	v1 =	vadd.f32 v25, v24;
	v24 =	vld [tilespmem:s19+$0xFFFFFFC0];
	v25 =	vmul.f32 $2.000000030e-01, v11  }
0xb2: {  	v4 =	vld [tilespmem:s20+$0xFFFFFE50];
	[tilespmem:s15+$0x40] =	vst v5;
	v23 =	vadd.f32 v26, v23;
	v21 =	vadd.f32 v22, v21;
	(erf) = vpow2.f32 v19  }
0xb3: {  	[tilespmem:s15+$0xC0] =	vst v7;
	v7 =	vld [tilespmem:s20+$0x50];
	vm15 =	vgt.f32 v1, $0.0e+00;
	v26 =	vmul.f32 $2.000000030e-01, v1;
	v11 =	vsel vm14, v11, v25  }
0xb4: {  	[tilespmem:s15+$0x140] =	vst v6;
	v6 =	vld [tilespmem:s20+$0xD0];
	vm4 =	vgt.f32 v23, $0.0e+00;
	v22 =	vmul.f32 $2.000000030e-01, v23;
	v25 =	vsub.f32 v11, v0  }
0xb5: {  	[tilespmem:s15+$0xFFFFFED0] =	vst v17;
	vm5 =	vgt.f32 v21, $0.0e+00;
	v11 =	vld [tilespmem:s20+$0x1F0];
	v1 =	vsel vm15, v1, v26;
	v26 =	vmul.f32 $2.000000030e-01, v21  }
0xb6: {  	v17 =	vld [tilespmem:s20+$0xFFFFFEE0];
	s19 =	simm.s32 $0x1BDA0;
	v10 =	vsel vm4, v23, v22;
	v23 =	vmul.f32 $2.000000030e-01, v2;
	v18 =	vadd.f32 v18, v24  }
0xb7: {  	v34 =	vld [tilespmem:s19+$0x30];
	v1 =	vsub.f32 v1, v0;
	v24 =	vsub.f32 v10, v0;
	v25 =	vmul.f32 $1.442695020e+00, v25  }
0xb8: {  	v37 =	vld [tilespmem:s19+$0xFFFFFFD0];
	v21 =	vsel vm5, v21, v26;
	v2 =	vsel vm7, v2, v23;
	v22 =	vmul.f32 $2.000000030e-01, v18  }
0xb9: {  	s24 =	simm.s32 $0x1EA20;
	v26 =	vld [tilespmem:s20+$0xFFFFFFD0];
	vm6 =	vgt.f32 v18, $0.0e+00;
	v21 =	vsub.f32 v21, v0;
	v1 =	vmul.f32 $1.442695020e+00, v1;
	v10 =	vpop (erf)  }
0xba: {  	s17 =	simm.s32 $0x19560;
	v51 =	vld [tilespmem:s19+$0xFFFFFFE0];
	(erf) = vpow2.f32 v25;
	v9 =	vmul.f32 v11, v9;
	v18 =	vsel vm6, v18, v22;
	[tilespmem:s24+$0x30] =	vst v10  }
0xbb: {  	v11 =	vmul.f32 v17, v15;
	v22 =	vmul.f32 $1.442695020e+00, v24;
	v5 =	vsub.f32 v18, v0;
	v24 =	vld [tilespmem:s17+$0x180]  }
0xbc: {  	v52 =	vld [tilespmem:s19+$0x0];
	v2 =	vsub.f32 v2, v0;
	v21 =	vmul.f32 $1.442695020e+00, v21;
	(erf) = vpow2.f32 v1  }
0xbd: {  	v23 =	vld [tilespmem:s20+$0x150];
	v1 =	vmul.f32 v4, v20;
	v5 =	vmul.f32 $1.442695020e+00, v5  }
0xbe: {  	[tilespmem:s15+$0xFFFFFF50] =	vst v3;
	v54 =	vld [tilespmem:s19+$0x10];
	v2 =	vmul.f32 $1.442695020e+00, v2;
	v3 =	vmul.f32 v26, v12  }
0xbf: {  	v17 =	vld [tilespmem:s26+$0xFFFFFFE0];
	[tilespmem:s15+$0xFFFFFE50] =	vst v1;
	v1 =	vmul.f32 v7, v16;
	(erf) = vpow2.f32 v5  }
0xc0: {  	v18 =	vld [tilespmem:s20+$0xFFFFFF60];
	[tilespmem:s15+$0xFFFFFFD0] =	vst v3;
	(erf) = vpow2.f32 v22;
	v4 =	vmul.f32 v10, v24  }
0xc1: {  	s18 =	simm.s32 $0x1C760;
	v19 =	vld [tilespmem:s20+$0xFFFFFE60];
	v3 =	vmul.f32 v6, v14;
	[tilespmem:s15+$0x50] =	vst v1;
	(erf) = vpow2.f32 v21  }
0xc2: {  	v22 =	vld [tilespmem:s20+$0x60];
	(erf) = vpow2.f32 v2;
	v2 =	vmul.f32 v23, v8;
	[tilespmem:s18+$0x180] =	vst v4  }
0xc3: {  	v4 =	vld [tilespmem:s17+$0x190]  }
0xc4: {  	[tilespmem:s15+$0xD0] =	vst v3;
	v1 =	vpop (erf);
	v21 =	vld [tilespmem:s20+$0xFFFFFFE0]  }
0xc5: {  	[tilespmem:s24+$0xFFFFFFD0] =	vst v1;
	v23 =	vld [tilespmem:s20+$0xE0]  }
0xc6: {  	v25 =	vld [tilespmem:s17+$0xFFFFFE80];
	[tilespmem:s15+$0x150] =	vst v2;
	v2 =	vpop (erf)  }
0xc7: {  	v24 =	vld [tilespmem:s20+$0x160];
	[tilespmem:s24+$0xFFFFFFE0] =	vst v2;
	v3 =	vpop (erf)  }
0xc8: {  	v26 =	vld [tilespmem:s17+$0xFFFFFF00];
	[tilespmem:s24+$0xFFFFFFF0] =	vst v3;
	v6 =	vpop (erf);
	v4 =	vmul.f32 v10, v4  }
0xc9: {  	[tilespmem:s24+$0xFFFFFFC0] =	vst v6;
	v27 =	vld [tilespmem:s17+$0xFFFFFF80]  }
0xca: {  	v7 =	vpop (erf);
	v28 =	vld [tilespmem:s17+$0xFFFFFE00];
	[tilespmem:s18+$0x190] =	vst v4  }
0xcb: {  	v5 =	vpop (erf);
	[tilespmem:s24+$0x0] =	vst v7;
	v29 =	vld [tilespmem:s17+$0x1A0]  }
0xcc: {  	v25 =	vmul.f32 v1, v25;
	v30 =	vld [tilespmem:s17+$0x0];
	[tilespmem:s24+$0x10] =	vst v5;
	v4 =	vpop (erf)  }
0xcd: {  	v31 =	vld [tilespmem:s17+$0x80];
	v26 =	vmul.f32 v2, v26;
	[tilespmem:s24+$0x20] =	vst v4  }
0xce: {  	[tilespmem:s18+$0xFFFFFE80] =	vst v25;
	v25 =	vmul.f32 v3, v27;
	v27 =	vld [tilespmem:s17+$0x100]  }
0xcf: {  	v32 =	vld [tilespmem:s17+$0xFFFFFE90];
	v28 =	vmul.f32 v6, v28;
	[tilespmem:s18+$0xFFFFFF00] =	vst v26  }
0xd0: {  	v26 =	vld [tilespmem:s17+$0xFFFFFF10];
	[tilespmem:s18+$0xFFFFFF80] =	vst v25;
	v25 =	vmul.f32 v10, v29  }
0xd1: {  	[tilespmem:s18+$0xFFFFFE00] =	vst v28;
	v28 =	vld [tilespmem:s17+$0xFFFFFF90];
	v29 =	vmul.f32 v7, v30  }
0xd2: {  	v31 =	vmul.f32 v5, v31;
	v30 =	vld [tilespmem:s17+$0xFFFFFE10];
	[tilespmem:s18+$0x1A0] =	vst v25  }
0xd3: {  	[tilespmem:s18+$0x0] =	vst v29;
	v25 =	vmul.f32 v4, v27;
	v27 =	vld [tilespmem:s17+$0x1B0]  }
0xd4: {  	v29 =	vmul.f32 v1, v32;
	[tilespmem:s18+$0x80] =	vst v31;
	v46 =	vld [tilespmem:s17+$0x10]  }
0xd5: {  	v31 =	vld [tilespmem:s17+$0x90];
	v26 =	vmul.f32 v2, v26;
	[tilespmem:s18+$0x100] =	vst v25  }
0xd6: {  	[tilespmem:s18+$0xFFFFFE90] =	vst v29;
	v25 =	vmul.f32 v3, v28;
	v28 =	vld [tilespmem:s17+$0x110]  }
0xd7: {  	v29 =	vmul.f32 v6, v30;
	v30 =	vld [tilespmem:s17+$0xFFFFFEA0];
	[tilespmem:s18+$0xFFFFFF10] =	vst v26  }
0xd8: {  	v26 =	vld [tilespmem:s17+$0xFFFFFF20];
	[tilespmem:s18+$0xFFFFFF90] =	vst v25;
	v25 =	vmul.f32 v27, v10  }
0xd9: {  	[tilespmem:s18+$0xFFFFFE10] =	vst v29;
	v27 =	vld [tilespmem:s17+$0xFFFFFFA0];
	v29 =	vmul.f32 v7, v46  }
0xda: {  	v31 =	vmul.f32 v5, v31;
	v47 =	vld [tilespmem:s17+$0xFFFFFE20];
	[tilespmem:s18+$0x1B0] =	vst v25  }
0xdb: {  	[tilespmem:s18+$0x10] =	vst v29;
	v25 =	vmul.f32 v4, v28;
	v28 =	vld [tilespmem:s17+$0x1C0]  }
0xdc: {  	[tilespmem:s18+$0x90] =	vst v31;
	v29 =	vmul.f32 v1, v30;
	v30 =	vld [tilespmem:s17+$0x20]  }
0xdd: {  	v31 =	vld [tilespmem:s17+$0xA0];
	v26 =	vmul.f32 v2, v26;
	[tilespmem:s18+$0x110] =	vst v25  }
0xde: {  	[tilespmem:s18+$0xFFFFFEA0] =	vst v29;
	v25 =	vmul.f32 v3, v27;
	v27 =	vld [tilespmem:s17+$0x120]  }
0xdf: {  	v29 =	vmul.f32 v6, v47;
	v48 =	vld [tilespmem:s17+$0xFFFFFEB0];
	[tilespmem:s18+$0xFFFFFF20] =	vst v26  }
0xe0: {  	v26 =	vld [tilespmem:s17+$0xFFFFFF30];
	[tilespmem:s18+$0xFFFFFFA0] =	vst v25;
	v25 =	vmul.f32 v28, v10  }
0xe1: {  	[tilespmem:s18+$0xFFFFFE20] =	vst v29;
	v28 =	vld [tilespmem:s17+$0xFFFFFFB0];
	v29 =	vmul.f32 v7, v30  }
0xe2: {  	v31 =	vmul.f32 v5, v31;
	v30 =	vld [tilespmem:s17+$0xFFFFFE30];
	[tilespmem:s18+$0x1C0] =	vst v25  }
0xe3: {  	[tilespmem:s18+$0x20] =	vst v29;
	v25 =	vmul.f32 v4, v27;
	v27 =	vld [tilespmem:s17+$0x1D0]  }
0xe4: {  	v40 =	vmul.f32 v22, v16;
	v22 =	vld [tilespmem:s19+$0xFFFFFFF0];
	[tilespmem:s18+$0xA0] =	vst v31;
	v29 =	vmul.f32 v48, v1  }
0xe5: {  	v49 =	vld [tilespmem:s17+$0x30];
	v26 =	vmul.f32 v26, v2;
	[tilespmem:s18+$0x120] =	vst v25  }
0xe6: {  	[tilespmem:s18+$0xFFFFFEB0] =	vst v29;
	v25 =	vmul.f32 v28, v3;
	v28 =	vld [tilespmem:s17+$0x130]  }
0xe7: {  	v31 =	vld [tilespmem:s17+$0xB0];
	[tilespmem:s18+$0xFFFFFF30] =	vst v26  }
0xe8: {  	v29 =	vmul.f32 v30, v6;
	v30 =	vld [tilespmem:s17+$0xFFFFFEC0];
	[tilespmem:s18+$0xFFFFFFB0] =	vst v25;
	v25 =	vmul.f32 v27, v10  }
0xe9: {  	[tilespmem:s15+$0x1F0] =	vst v9;
	v26 =	vld [tilespmem:s17+$0xFFFFFF40]  }
0xea: {  	v18 =	vmul.f32 v18, v13;
	v27 =	vld [tilespmem:s17+$0xFFFFFFC0];
	[tilespmem:s18+$0x1D0] =	vst v25  }
0xeb: {  	v33 =	vadd.f32 v34, v33;
	[tilespmem:s18+$0xFFFFFE30] =	vst v29;
	v29 =	vmul.f32 v49, v7;
	v25 =	vmul.f32 v28, v4;
	v28 =	vld [tilespmem:s17+$0x1E0]  }
0xec: {  	v36 =	vadd.f32 v37, v36;
	[tilespmem:s15+$0xFFFFFF60] =	vst v18;
	v42 =	vmul.f32 v24, v8;
	v24 =	vld [tilespmem:s26+$0x0];
	v31 =	vmul.f32 v31, v5  }
0xed: {  	v39 =	vmul.f32 $2.000000030e-01, v33;
	v50 =	vld [tilespmem:s17+$0xFFFFFE40];
	[tilespmem:s18+$0x30] =	vst v29  }
0xee: {  	vm8 =	vgt.f32 v33, $0.0e+00;
	vm9 =	vgt.f32 v36, $0.0e+00;
	[tilespmem:s18+$0xB0] =	vst v31;
	v29 =	vmul.f32 v30, v1;
	v30 =	vld [tilespmem:s17+$0x40]  }
0xef: {  	v41 =	vmul.f32 v23, v14;
	v22 =	vadd.f32 v22, v38;
	v31 =	vld [tilespmem:s17+$0xC0];
	v26 =	vmul.f32 v26, v2;
	[tilespmem:s18+$0x130] =	vst v25  }
0xf0: {  	[tilespmem:s18+$0xFFFFFEC0] =	vst v29;
	v23 =	vmul.f32 v27, v3;
	v27 =	vsel vm8, v33, v39;
	v25 =	vld [tilespmem:s17+$0x140];
	v28 =	vmul.f32 v28, v10  }
0xf1: {  	v17 =	vadd.f32 v51, v17;
	v21 =	vmul.f32 v21, v12;
	v29 =	vld [tilespmem:s17+$0xFFFFFED0];
	[tilespmem:s18+$0xFFFFFF40] =	vst v26;
	v27 =	vsub.f32 v27, v0  }
0xf2: {  	v19 =	vmul.f32 v19, v20;
	v55 =	vadd.f32 v52, v24;
	v24 =	vmul.f32 $2.000000030e-01, v22;
	v26 =	vld [tilespmem:s17+$0xFFFFFF50];
	[tilespmem:s18+$0x1E0] =	vst v28  }
0xf3: {  	vm10 =	vgt.f32 v17, $0.0e+00;
	[tilespmem:s15+$0xFFFFFFE0] =	vst v21;
	v32 =	vmul.f32 v50, v6;
	v27 =	vmul.f32 $1.442695020e+00, v27;
	v28 =	vld [tilespmem:s17+$0x1F0]  }
0xf4: {  	v35 =	vld [tilespmem:s19+$0xFFFFFFC0];
	vm11 =	vgt.f32 v22, $0.0e+00;
	[tilespmem:s18+$0xFFFFFFC0] =	vst v23;
	v23 =	vmul.f32 $2.000000030e-01, v36;
	v30 =	vmul.f32 v30, v7  }
0xf5: {  	v34 =	vld [tilespmem:s20+$0xFFFFFFF0];
	[tilespmem:s15+$0xE0] =	vst v41;
	vm12 =	vgt.f32 v55, $0.0e+00;
	v31 =	vmul.f32 v31, v5;
	(erf) = vpow2.f32 v27  }
0xf6: {  	v23 =	vsel vm9, v36, v23;
	v27 =	vld [tilespmem:s26+$0xFFFFFFC0];
	[tilespmem:s18+$0x40] =	vst v30;
	v30 =	vmul.f32 $2.000000030e-01, v17;
	v25 =	vmul.f32 v25, v4  }
0xf7: {  	[tilespmem:s18+$0xFFFFFE40] =	vst v32;
	v23 =	vsub.f32 v23, v0;
	v29 =	vmul.f32 v29, v1;
	v9 =	vmul.f32 v26, v2;
	v26 =	vld [tilespmem:s26+$0x20]  }
0xf8: {  	v17 =	vsel vm10, v17, v30;
	[tilespmem:s18+$0x140] =	vst v25;
	v25 =	vadd.f32 v54, v53;
	v10 =	vmul.f32 v28, v10;
	v28 =	vld [tilespmem:s19+$0x20]  }
0xf9: {  	v32 =	vld [tilespmem:s20+$0xFFFFFF70];
	v57 =	vmul.f32 $1.442695020e+00, v23;
	v17 =	vsub.f32 v17, v0;
	[tilespmem:s18+$0xFFFFFF50] =	vst v9;
	v9 =	vsel vm11, v22, v24  }
0xfa: {  	v56 =	vld [tilespmem:s17+$0xFFFFFE50];
	[tilespmem:s18+$0xFFFFFED0] =	vst v29;
	v29 =	vmul.f32 $2.000000030e-01, v55;
	v22 =	vmul.f32 $2.000000030e-01, v25;
	v9 =	vsub.f32 v9, v0  }
0xfb: {  	[tilespmem:s15+$0xFFFFFEE0] =	vst v11;
	v36 =	vld [tilespmem:s20+$0xF0];
	(erf) = vpow2.f32 v57;
	v27 =	vadd.f32 v35, v27;
	v17 =	vmul.f32 $1.442695020e+00, v17  }
0xfc: {  	[tilespmem:s15+$0xFFFFFE60] =	vst v19;
	v30 =	vld [tilespmem:s17+$0x50];
	vm13 =	vgt.f32 v25, $0.0e+00;
	v11 =	vsel vm12, v55, v29;
	v9 =	vmul.f32 $1.442695020e+00, v9  }
0xfd: {  	[tilespmem:s18+$0xC0] =	vst v31;
	v31 =	vld [tilespmem:s17+$0xFFFFFFD0];
	(erf) = vpow2.f32 v17;
	v19 =	vadd.f32 v28, v26;
	v28 =	vmul.f32 $2.000000030e-01, v27  }
0xfe: {  	s21 =	simm.s32 $0x1EAA0;
	v58 =	vld [tilespmem:s17+$0xD0];
	vm14 =	vgt.f32 v27, $0.0e+00;
	[tilespmem:s18+$0x1F0] =	vst v10;
	(erf) = vpow2.f32 v9;
	v26 =	vsel vm13, v25, v22;
	v22 =	vpop (erf)  }
0xff: {  	v23 =	vld [tilespmem:s20+$0xFFFFFE70];
	s26 =	simm.s32 $0x19960;
	v9 =	vmul.f32 v56, v6;
	[tilespmem:s21+$0x30] =	vst v22;
	v10 =	vmul.f32 $2.000000030e-01, v19;
	v27 =	vsel vm14, v27, v28  }
0x100: {  	v11 =	vsub.f32 v11, v0;
	vm15 =	vgt.f32 v19, $0.0e+00;
	v18 =	vsub.f32 v27, v0;
	v27 =	vld [tilespmem:s26+$0x180]  }
0x101: {  	v59 =	vld [tilespmem:s17+$0x150];
	[tilespmem:s18+$0xFFFFFE50] =	vst v9;
	v9 =	vmul.f32 v30, v7;
	v29 =	vsub.f32 v26, v0;
	v10 =	vsel vm15, v19, v10  }
0x102: {  	[tilespmem:s15+$0x60] =	vst v40;
	v24 =	vld [tilespmem:s17+$0xFFFFFEE0];
	v18 =	vmul.f32 $1.442695020e+00, v18;
	v10 =	vsub.f32 v10, v0  }
0x103: {  	v35 =	vld [tilespmem:s20+$0x70];
	v11 =	vmul.f32 $1.442695020e+00, v11;
	v21 =	vmul.f32 $1.442695020e+00, v29  }
0x104: {  	[tilespmem:s15+$0x160] =	vst v42;
	v25 =	vld [tilespmem:s17+$0xFFFFFF60];
	(erf) = vpow2.f32 v18;
	v10 =	vmul.f32 $1.442695020e+00, v10  }
0x105: {  	v26 =	vld [tilespmem:s20+$0xFFFFFEF0];
	[tilespmem:s18+$0x50] =	vst v9;
	v9 =	vpop (erf);
	v18 =	vmul.f32 v22, v27;
	(erf) = vpow2.f32 v11  }
0x106: {  	v17 =	vmul.f32 v31, v3;
	v28 =	vld [tilespmem:s20+$0x170];
	s20 =	simm.s32 $0x1CB60;
	[tilespmem:s21+$0xFFFFFFD0] =	vst v9;
	(erf) = vpow2.f32 v21  }
0x107: {  	v60 =	vld [tilespmem:s26+$0xFFFFFE80];
	[tilespmem:s20+$0x180] =	vst v18;
	(erf) = vpow2.f32 v10;
	v10 =	vmul.f32 v59, v4  }
0x108: {  	[tilespmem:s18+$0xFFFFFFD0] =	vst v17;
	v11 =	vmul.f32 v58, v5;
	v17 =	vld [tilespmem:s26+$0x190]  }
0x109: {  	v30 =	vld [tilespmem:s17+$0xFFFFFFE0]  }
0x10a: {  	v33 =	vld [tilespmem:s17+$0x60];
	[tilespmem:s18+$0xD0] =	vst v11  }
0x10b: {  	v27 =	vld [tilespmem:s17+$0xFFFFFE60];
	[tilespmem:s18+$0x150] =	vst v10;
	v10 =	vpop (erf)  }
0x10c: {  	v29 =	vld [tilespmem:s17+$0xE0];
	[tilespmem:s21+$0xFFFFFFE0] =	vst v10;
	v11 =	vpop (erf)  }
0x10d: {  	v37 =	vmul.f32 v9, v60;
	v61 =	vld [tilespmem:s26+$0xFFFFFF00];
	[tilespmem:s21+$0xFFFFFFF0] =	vst v11;
	v18 =	vmul.f32 v22, v17;
	v21 =	vpop (erf)  }
0x10e: {  	[tilespmem:s21+$0xFFFFFFC0] =	vst v21;
	v62 =	vld [tilespmem:s26+$0xFFFFFF80]  }
0x10f: {  	[tilespmem:s20+$0xFFFFFE80] =	vst v37;
	v63 =	vld [tilespmem:s26+$0xFFFFFE00]  }
0x110: {  	v49 =	vld [tilespmem:s26+$0xFFFFFE90];
	v17 =	vpop (erf);
	[tilespmem:s20+$0x190] =	vst v18  }
0x111: {  	[tilespmem:s21+$0x0] =	vst v17;
	v45 =	vld [tilespmem:s26+$0x1A0];
	v18 =	vpop (erf)  }
0x112: {  	v46 =	vld [tilespmem:s26+$0x0];
	v19 =	vpop (erf);
	[tilespmem:s21+$0x10] =	vst v18;
	v38 =	vmul.f32 v10, v61  }
0x113: {  	v43 =	vld [tilespmem:s26+$0x80];
	[tilespmem:s21+$0x20] =	vst v19;
	v47 =	vmul.f32 v11, v62  }
0x114: {  	v48 =	vld [tilespmem:s26+$0x100];
	v40 =	vmul.f32 v21, v63;
	[tilespmem:s20+$0xFFFFFF00] =	vst v38  }
0x115: {  	v38 =	vmul.f32 v9, v49;
	[tilespmem:s20+$0xFFFFFF80] =	vst v47;
	v50 =	vld [tilespmem:s26+$0xFFFFFF10]  }
0x116: {  	v41 =	vmul.f32 v22, v45;
	[tilespmem:s20+$0xFFFFFE00] =	vst v40;
	v51 =	vld [tilespmem:s26+$0xFFFFFF90]  }
0x117: {  	v42 =	vmul.f32 v17, v46;
	[tilespmem:s20+$0xFFFFFE90] =	vst v38;
	v52 =	vld [tilespmem:s26+$0xFFFFFE10]  }
0x118: {  	[tilespmem:s20+$0x1A0] =	vst v41;
	v58 =	vld [tilespmem:s26+$0xFFFFFEA0];
	v43 =	vmul.f32 v18, v43  }
0x119: {  	[tilespmem:s20+$0x0] =	vst v42;
	v53 =	vld [tilespmem:s26+$0x1B0];
	v39 =	vmul.f32 v19, v48  }
0x11a: {  	v54 =	vld [tilespmem:s26+$0x10];
	[tilespmem:s20+$0x80] =	vst v43;
	v37 =	vmul.f32 v10, v50  }
0x11b: {  	[tilespmem:s20+$0x100] =	vst v39;
	v55 =	vld [tilespmem:s26+$0x90];
	v56 =	vmul.f32 v11, v51  }
0x11c: {  	v57 =	vld [tilespmem:s26+$0x110];
	v41 =	vmul.f32 v21, v52;
	[tilespmem:s20+$0xFFFFFF10] =	vst v37  }
0x11d: {  	v37 =	vmul.f32 v9, v58;
	[tilespmem:s20+$0xFFFFFF90] =	vst v56;
	v59 =	vld [tilespmem:s26+$0xFFFFFF20]  }
0x11e: {  	v42 =	vmul.f32 v53, v22;
	[tilespmem:s20+$0xFFFFFE10] =	vst v41;
	v60 =	vld [tilespmem:s26+$0xFFFFFFA0]  }
0x11f: {  	v43 =	vmul.f32 v17, v54;
	[tilespmem:s20+$0xFFFFFEA0] =	vst v37;
	v61 =	vld [tilespmem:s26+$0xFFFFFE20]  }
0x120: {  	[tilespmem:s20+$0x1B0] =	vst v42;
	v48 =	vld [tilespmem:s26+$0xFFFFFEB0];
	v39 =	vmul.f32 v18, v55  }
0x121: {  	[tilespmem:s20+$0x10] =	vst v43;
	v62 =	vld [tilespmem:s26+$0x1C0];
	v40 =	vmul.f32 v19, v57  }
0x122: {  	v63 =	vld [tilespmem:s26+$0x20];
	[tilespmem:s20+$0x90] =	vst v39;
	v38 =	vmul.f32 v10, v59  }
0x123: {  	[tilespmem:s20+$0x110] =	vst v40;
	v45 =	vld [tilespmem:s26+$0xA0];
	v46 =	vmul.f32 v11, v60  }
0x124: {  	v47 =	vld [tilespmem:s26+$0x120];
	v42 =	vmul.f32 v21, v61;
	[tilespmem:s20+$0xFFFFFF20] =	vst v38  }
0x125: {  	v15 =	vmul.f32 v26, v15;
	v26 =	vmul.f32 v48, v9;
	[tilespmem:s20+$0xFFFFFFA0] =	vst v46;
	v49 =	vld [tilespmem:s26+$0xFFFFFF30]  }
0x126: {  	v43 =	vmul.f32 v62, v22;
	[tilespmem:s20+$0xFFFFFE20] =	vst v42;
	v50 =	vld [tilespmem:s26+$0xFFFFFFB0]  }
0x127: {  	v39 =	vmul.f32 v17, v63;
	[tilespmem:s20+$0xFFFFFEB0] =	vst v26;
	v51 =	vld [tilespmem:s26+$0xFFFFFE30]  }
0x128: {  	[tilespmem:s20+$0x1C0] =	vst v43;
	v57 =	vld [tilespmem:s26+$0xFFFFFEC0];
	v40 =	vmul.f32 v18, v45  }
0x129: {  	v20 =	vmul.f32 v23, v20;
	[tilespmem:s20+$0x20] =	vst v39;
	v52 =	vld [tilespmem:s26+$0x1D0];
	v23 =	vmul.f32 v19, v47  }
0x12a: {  	v53 =	vld [tilespmem:s26+$0x30];
	[tilespmem:s20+$0xA0] =	vst v40  }
0x12b: {  	v13 =	vmul.f32 v32, v13;
	v54 =	vmul.f32 v49, v10;
	[tilespmem:s20+$0x120] =	vst v23;
	v55 =	vld [tilespmem:s26+$0xB0]  }
0x12c: {  	v23 =	vmul.f32 v34, v12;
	v26 =	vmul.f32 v50, v11;
	v56 =	vld [tilespmem:s26+$0x130]  }
0x12d: {  	v31 =	vld [tilespmem:s17+$0x160];
	v12 =	vmul.f32 v35, v16;
	v16 =	vmul.f32 v51, v21;
	[tilespmem:s20+$0xFFFFFF30] =	vst v54  }
0x12e: {  	v14 =	vmul.f32 v36, v14;
	[tilespmem:s20+$0xFFFFFFB0] =	vst v26;
	v58 =	vld [tilespmem:s26+$0xFFFFFF40];
	v26 =	vmul.f32 v52, v22  }
0x12f: {  	v8 =	vmul.f32 v28, v8;
	v38 =	vmul.f32 v53, v17;
	[tilespmem:s20+$0xFFFFFE30] =	vst v16;
	v59 =	vld [tilespmem:s26+$0xFFFFFFC0]  }
0x130: {  	v28 =	vmul.f32 v29, v5;
	[tilespmem:s20+$0x1D0] =	vst v26;
	v60 =	vld [tilespmem:s26+$0xFFFFFE40];
	v37 =	vmul.f32 v55, v18  }
0x131: {  	v62 =	vmul.f32 v57, v9;
	[tilespmem:s20+$0x30] =	vst v38;
	v61 =	vld [tilespmem:s26+$0x1E0];
	v34 =	vmul.f32 v56, v19  }
0x132: {  	v16 =	vmul.f32 v25, v2;
	v25 =	vmul.f32 v30, v3;
	v30 =	vld [tilespmem:s26+$0x40];
	[tilespmem:s20+$0xB0] =	vst v37  }
0x133: {  	v26 =	vmul.f32 v27, v6;
	v35 =	vmul.f32 v58, v10;
	[tilespmem:s20+$0x130] =	vst v34;
	v32 =	vld [tilespmem:s26+$0xC0]  }
0x134: {  	[tilespmem:s20+$0xFFFFFEC0] =	vst v62;
	v27 =	vmul.f32 v33, v7;
	v63 =	vmul.f32 v59, v11;
	v33 =	vld [tilespmem:s26+$0x140]  }
0x135: {  	s13 =	simm.s32 $0x1B920;
	p0 =	por @!p1 $0x1, $0x1;
	v29 =	vmul.f32 v31, v4;
	v31 =	vld [tilespmem:s26+$0xFFFFFED0];
	[tilespmem:s20+$0xFFFFFF40] =	vst v35;
	v36 =	vmul.f32 v60, v21  }
0x136: {  	p0 =	por @p2 $0x0, $0x0;
	s9 =	simm.s32 $0x10;
	s24 =	simm.s32 $0x19960;
	v24 =	vmul.f32 v24, v1;
	v34 =	vld [tilespmem:s26+$0xFFFFFF50];
	[tilespmem:s20+$0xFFFFFFC0] =	vst v63;
	v35 =	vmul.f32 v61, v22  }
.LBB2_3:
0x137: {  	v37 =	vld [tilespmem:s13+$0x30];
	[tilespmem:s20+$0xFFFFFE40] =	vst v36;
	v30 =	vmul.f32 v30, v17;
	s19 =	sadd.s32 $0x80, s19  }
0x138: {  	s9 =	sadd.s32 $0x8, s9;
	v36 =	vld [tilespmem:s19+$0x30];
	v32 =	vmul.f32 v32, v18;
	[tilespmem:s20+$0x1E0] =	vst v35  }
0x139: {  	p2 =	slt.u32 s9, $0x20;
	[tilespmem:s20+$0x40] =	vst v30;
	v30 =	vmul.f32 v33, v19;
	v33 =	vld [tilespmem:s26+$0x1F0]  }
0x13a: {  	v35 =	vld [tilespmem:s19+$0xFFFFFFC0];
	v31 =	vmul.f32 v31, v9;
	[tilespmem:s20+$0xC0] =	vst v32  }
0x13b: {  	v32 =	vld [tilespmem:s13+$0xFFFFFFD0];
	v34 =	vmul.f32 v34, v10;
	[tilespmem:s20+$0x140] =	vst v30  }
0x13c: {  	v30 =	vld [tilespmem:s19+$0xFFFFFFD0];
	[tilespmem:s20+$0xFFFFFED0] =	vst v31  }
0x13d: {  	v31 =	vld [tilespmem:s13+$0xFFFFFFE0];
	v36 =	vadd.f32 v36, v37;
	[tilespmem:s20+$0xFFFFFF50] =	vst v34  }
0x13e: {  	v34 =	vld [tilespmem:s19+$0xFFFFFFE0];
	v22 =	vmul.f32 v33, v22;
	[tilespmem:s18+$0xFFFFFE60] =	vst v26  }
0x13f: {  	v26 =	vld [tilespmem:s13+$0xFFFFFFF0];
	v33 =	vmul.f32 $2.000000030e-01, v36;
	[tilespmem:s18+$0xFFFFFEE0] =	vst v24  }
0x140: {  	vm0 =	vgt.f32 v36, $0.0e+00;
	v24 =	vld [tilespmem:s19+$0xFFFFFFF0];
	[tilespmem:s20+$0x1F0] =	vst v22  }
0x141: {  	v22 =	vadd.f32 v30, v32;
	v30 =	vld [tilespmem:s13+$0x0];
	v32 =	vsel vm0, v36, v33;
	[tilespmem:s18+$0xFFFFFF60] =	vst v16  }
0x142: {  	v16 =	vld [tilespmem:s19+$0x0];
	v32 =	vsub.f32 v32, v0;
	[tilespmem:s18+$0xFFFFFFE0] =	vst v25  }
0x143: {  	vm0 =	vgt.f32 v22, $0.0e+00;
	v25 =	vmul.f32 $2.000000030e-01, v22;
	v31 =	vadd.f32 v34, v31;
	v33 =	vld [tilespmem:s13+$0x10];
	[tilespmem:s18+$0x60] =	vst v27  }
0x144: {  	v27 =	vld [tilespmem:s19+$0x10];
	v32 =	vmul.f32 $1.442695020e+00, v32;
	[tilespmem:s18+$0xE0] =	vst v28  }
0x145: {  	vm1 =	vgt.f32 v31, $0.0e+00;
	v28 =	vmul.f32 $2.000000030e-01, v31;
	v24 =	vadd.f32 v24, v26;
	v26 =	vld [tilespmem:s13+$0x20];
	[tilespmem:s18+$0x160] =	vst v29  }
0x146: {  	v22 =	vsel vm0, v22, v25;
	v25 =	vld [tilespmem:s19+$0x20];
	(erf) = vpow2.f32 v32;
	[tilespmem:s15+$0xFFFFFE70] =	vst v20  }
0x147: {  	v20 =	vld [tilespmem:s13+$0xFFFFFFC0];
	vm0 =	vgt.f32 v24, $0.0e+00;
	v29 =	vmul.f32 $2.000000030e-01, v24;
	v16 =	vadd.f32 v16, v30;
	[tilespmem:s15+$0xFFFFFEF0] =	vst v15  }
0x148: {  	v15 =	vsub.f32 v22, v0;
	v22 =	vsel vm1, v31, v28;
	v28 =	vld [tilespmem:s26+$0xFFFFFE50];
	[tilespmem:s15+$0xFFFFFF70] =	vst v13  }
0x149: {  	vm1 =	vgt.f32 v16, $0.0e+00;
	v13 =	vmul.f32 $2.000000030e-01, v16;
	v27 =	vadd.f32 v27, v33;
	v30 =	vld [tilespmem:s26+$0xFFFFFFD0];
	[tilespmem:s15+$0xFFFFFFF0] =	vst v23  }
0x14a: {  	v22 =	vsub.f32 v22, v0;
	v15 =	vmul.f32 $1.442695020e+00, v15;
	v23 =	vsel vm0, v24, v29;
	v24 =	vld [tilespmem:s26+$0x50];
	[tilespmem:s15+$0x70] =	vst v12  }
0x14b: {  	vm0 =	vgt.f32 v27, $0.0e+00;
	v12 =	vmul.f32 $2.000000030e-01, v27;
	v25 =	vadd.f32 v25, v26;
	v26 =	vld [tilespmem:s26+$0xD0];
	[tilespmem:s15+$0xF0] =	vst v14  }
0x14c: {  	v13 =	vsel vm1, v16, v13;
	v14 =	vadd.f32 v35, v20;
	v20 =	vsub.f32 v23, v0;
	v16 =	vld [tilespmem:s26+$0x150];
	[tilespmem:s15+$0x170] =	vst v8;
	s15 =	smov.u32 s18;
	s18 =	smov.u32 s20  }
0x14d: {  	v8 =	vsel vm0, v27, v12;
	vm0 =	vgt.f32 v25, $0.0e+00;
	v12 =	vmul.f32 $2.000000030e-01, v25;
	v23 =	vld [tilespmem:s26+$0xFFFFFEE0]  }
0x14e: {  	v13 =	vsub.f32 v13, v0;
	vm1 =	vgt.f32 v14, $0.0e+00;
	v27 =	vmul.f32 $2.000000030e-01, v14;
	v29 =	vld [tilespmem:s26+$0xFFFFFF60]  }
0x14f: {  	s21 =	sadd.s32 $0x80, s21;
	v31 =	vmul.f32 $1.442695020e+00, v22;
	v8 =	vsub.f32 v8, v0;
	v12 =	vsel vm0, v25, v12;
	v22 =	vpop (erf);
	v25 =	vld [tilespmem:s17+$0xFFFFFE70]  }
0x150: {  	v20 =	vmul.f32 $1.442695020e+00, v20;
	s26 =	sadd.s32 $0x400, s26;
	v14 =	vsel vm1, v14, v27;
	v12 =	vsub.f32 v12, v0;
	[tilespmem:s21+$0x30] =	vst v22;
	v27 =	vld [tilespmem:s17+$0xFFFFFEF0]  }
0x151: {  	v13 =	vmul.f32 $1.442695020e+00, v13;
	v8 =	vmul.f32 $1.442695020e+00, v8;
	v14 =	vsub.f32 v14, v0;
	v32 =	vld [tilespmem:s26+$0x180]  }
0x152: {  	v12 =	vmul.f32 $1.442695020e+00, v12;
	(erf) = vpow2.f32 v15;
	v33 =	vld [tilespmem:s17+$0xFFFFFF70]  }
0x153: {  	v14 =	vmul.f32 $1.442695020e+00, v14;
	(erf) = vpow2.f32 v31;
	v31 =	vld [tilespmem:s17+$0xFFFFFFF0]  }
0x154: {  	v15 =	vmul.f32 v28, v21;
	(erf) = vpow2.f32 v20;
	v28 =	vld [tilespmem:s17+$0x70]  }
0x155: {  	(erf) = vpow2.f32 v14;
	v14 =	vmul.f32 v30, v11;
	v30 =	vld [tilespmem:s17+$0xF0]  }
0x156: {  	v20 =	vmul.f32 v22, v32;
	(erf) = vpow2.f32 v13;
	[tilespmem:s20+$0xFFFFFE50] =	vst v15;
	v32 =	vld [tilespmem:s17+$0x170];
	s17 =	smov.u32 s24;
	s24 =	smov.u32 s26  }
0x157: {  	v13 =	vmul.f32 v24, v17;
	s20 =	sadd.s32 $0x400, s20;
	(erf) = vpow2.f32 v8;
	v8 =	vld [tilespmem:s17+$0xFFFFFE60];
	[tilespmem:s18+$0xFFFFFFD0] =	vst v14  }
0x158: {  	v14 =	vmul.f32 v26, v18;
	[tilespmem:s20+$0x180] =	vst v20;
	(erf) = vpow2.f32 v12;
	v12 =	vld [tilespmem:s17+$0xFFFFFFE0]  }
0x159: {  	v24 =	vmul.f32 v23, v9;
	v34 =	vld [tilespmem:s26+$0x190];
	[tilespmem:s18+$0x50] =	vst v13;
	v13 =	vmul.f32 v16, v19  }
0x15a: {  	v20 =	vmul.f32 v25, v6;
	v6 =	vmov v21;
	v16 =	vmul.f32 v29, v10;
	v29 =	vld [tilespmem:s17+$0x60];
	[tilespmem:s18+$0xD0] =	vst v14  }
0x15b: {  	v15 =	vmul.f32 v27, v1;
	v1 =	vmov v9;
	v35 =	vld [tilespmem:s17+$0xE0];
	[tilespmem:s18+$0x150] =	vst v13;
	v13 =	vmul.f32 v33, v2;
	v9 =	vpop (erf)  }
0x15c: {  	v23 =	vmul.f32 v31, v3;
	v2 =	vmov v10;
	[tilespmem:s21+$0xFFFFFFD0] =	vst v9;
	v26 =	vmul.f32 v8, v6;
	v33 =	vld [tilespmem:s17+$0x160];
	v10 =	vpop (erf)  }
0x15d: {  	v3 =	vmov v11;
	v31 =	vld [tilespmem:s26+$0xFFFFFE80];
	[tilespmem:s21+$0xFFFFFFE0] =	vst v10;
	v25 =	vmul.f32 v12, v11;
	v12 =	vmul.f32 v28, v7;
	v11 =	vpop (erf)  }
0x15e: {  	v14 =	vmul.f32 v30, v5;
	v7 =	vmov v17;
	v36 =	vld [tilespmem:s26+$0xFFFFFF00];
	[tilespmem:s21+$0xFFFFFFF0] =	vst v11;
	v28 =	vmul.f32 v22, v34;
	v21 =	vpop (erf)  }
0x15f: {  	v5 =	vmov v18;
	v8 =	vmul.f32 v32, v4;
	[tilespmem:s21+$0xFFFFFFC0] =	vst v21;
	v30 =	vld [tilespmem:s26+$0xFFFFFF80];
	v17 =	vpop (erf);
	v27 =	vmul.f32 v29, v7  }
0x160: {  	v4 =	vmov v19;
	v32 =	vld [tilespmem:s26+$0xFFFFFE00];
	[tilespmem:s20+$0x190] =	vst v28;
	v18 =	vpop (erf);
	v28 =	vmul.f32 v35, v5  }
0x161: {  	[tilespmem:s21+$0x0] =	vst v17;
	v34 =	vld [tilespmem:s26+$0x1A0];
	v19 =	vpop (erf);
	v29 =	vmul.f32 v33, v4  }
0x162: {  	v31 =	vmul.f32 v9, v31;
	v33 =	vld [tilespmem:s26+$0x0];
	[tilespmem:s21+$0x10] =	vst v18  }
0x163: {  	v35 =	vmul.f32 v10, v36;
	v36 =	vld [tilespmem:s26+$0x80];
	[tilespmem:s21+$0x20] =	vst v19  }
0x164: {  	[tilespmem:s20+$0xFFFFFE80] =	vst v31;
	v30 =	vmul.f32 v11, v30;
	v31 =	vld [tilespmem:s26+$0x100]  }
0x165: {  	v32 =	vmul.f32 v21, v32;
	v37 =	vld [tilespmem:s26+$0xFFFFFE90];
	[tilespmem:s20+$0xFFFFFF00] =	vst v35  }
0x166: {  	v35 =	vld [tilespmem:s26+$0xFFFFFF10];
	[tilespmem:s20+$0xFFFFFF80] =	vst v30;
	v30 =	vmul.f32 v22, v34  }
0x167: {  	[tilespmem:s20+$0xFFFFFE00] =	vst v32;
	v32 =	vld [tilespmem:s26+$0xFFFFFF90];
	v33 =	vmul.f32 v17, v33  }
0x168: {  	v34 =	vld [tilespmem:s26+$0xFFFFFE10];
	v36 =	vmul.f32 v18, v36;
	[tilespmem:s20+$0x1A0] =	vst v30  }
0x169: {  	[tilespmem:s20+$0x0] =	vst v33;
	v30 =	vmul.f32 v19, v31;
	v31 =	vld [tilespmem:s26+$0x1B0]  }
0x16a: {  	v33 =	vmul.f32 v9, v37;
	v37 =	vld [tilespmem:s26+$0x10];
	[tilespmem:s20+$0x80] =	vst v36  }
0x16b: {  	v35 =	vmul.f32 v10, v35;
	v36 =	vld [tilespmem:s26+$0x90];
	[tilespmem:s20+$0x100] =	vst v30  }
0x16c: {  	[tilespmem:s20+$0xFFFFFE90] =	vst v33;
	v30 =	vmul.f32 v11, v32;
	v32 =	vld [tilespmem:s26+$0x110]  }
0x16d: {  	v33 =	vmul.f32 v21, v34;
	v34 =	vld [tilespmem:s26+$0xFFFFFEA0];
	[tilespmem:s20+$0xFFFFFF10] =	vst v35  }
0x16e: {  	v35 =	vld [tilespmem:s26+$0xFFFFFF20];
	[tilespmem:s20+$0xFFFFFF90] =	vst v30;
	v30 =	vmul.f32 v31, v22  }
0x16f: {  	[tilespmem:s20+$0xFFFFFE10] =	vst v33;
	v31 =	vld [tilespmem:s26+$0xFFFFFFA0];
	v33 =	vmul.f32 v17, v37  }
0x170: {  	v37 =	vld [tilespmem:s26+$0xFFFFFE20];
	v36 =	vmul.f32 v18, v36;
	[tilespmem:s20+$0x1B0] =	vst v30  }
0x171: {  	[tilespmem:s20+$0x10] =	vst v33;
	v30 =	vmul.f32 v19, v32;
	v32 =	vld [tilespmem:s26+$0x1C0]  }
0x172: {  	v33 =	vmul.f32 v9, v34;
	v34 =	vld [tilespmem:s26+$0x20];
	[tilespmem:s20+$0x90] =	vst v36  }
0x173: {  	v35 =	vmul.f32 v10, v35;
	v36 =	vld [tilespmem:s26+$0xA0];
	[tilespmem:s20+$0x110] =	vst v30  }
0x174: {  	[tilespmem:s20+$0xFFFFFEA0] =	vst v33;
	v30 =	vmul.f32 v11, v31;
	v31 =	vld [tilespmem:s26+$0x120]  }
0x175: {  	v33 =	vmul.f32 v21, v37;
	v37 =	vld [tilespmem:s26+$0xFFFFFEB0];
	[tilespmem:s20+$0xFFFFFF20] =	vst v35  }
0x176: {  	v35 =	vld [tilespmem:s26+$0xFFFFFF30];
	[tilespmem:s20+$0xFFFFFFA0] =	vst v30;
	v30 =	vmul.f32 v32, v22  }
0x177: {  	[tilespmem:s20+$0xFFFFFE20] =	vst v33;
	v32 =	vld [tilespmem:s26+$0xFFFFFFB0];
	v33 =	vmul.f32 v17, v34  }
0x178: {  	v34 =	vld [tilespmem:s26+$0xFFFFFE30];
	v36 =	vmul.f32 v18, v36;
	[tilespmem:s20+$0x1C0] =	vst v30  }
0x179: {  	[tilespmem:s20+$0x20] =	vst v33;
	v30 =	vmul.f32 v19, v31;
	v31 =	vld [tilespmem:s26+$0x1D0]  }
0x17a: {  	v33 =	vmul.f32 v37, v9;
	v37 =	vld [tilespmem:s26+$0x30];
	[tilespmem:s20+$0xA0] =	vst v36  }
0x17b: {  	v35 =	vmul.f32 v35, v10;
	v36 =	vld [tilespmem:s26+$0xB0];
	[tilespmem:s20+$0x120] =	vst v30  }
0x17c: {  	[tilespmem:s20+$0xFFFFFEB0] =	vst v33;
	v30 =	vmul.f32 v32, v11;
	v32 =	vld [tilespmem:s26+$0x130]  }
0x17d: {  	v33 =	vmul.f32 v34, v21;
	v34 =	vld [tilespmem:s26+$0xFFFFFEC0];
	[tilespmem:s20+$0xFFFFFF30] =	vst v35  }
0x17e: {  	v35 =	vld [tilespmem:s26+$0xFFFFFF40];
	[tilespmem:s20+$0xFFFFFFB0] =	vst v30;
	v30 =	vmul.f32 v31, v22  }
0x17f: {  	[tilespmem:s20+$0xFFFFFE30] =	vst v33;
	v31 =	vld [tilespmem:s26+$0xFFFFFFC0];
	v33 =	vmul.f32 v37, v17  }
0x180: {  	v37 =	vld [tilespmem:s26+$0xFFFFFE40];
	v36 =	vmul.f32 v36, v18;
	[tilespmem:s20+$0x1D0] =	vst v30  }
0x181: {  	[tilespmem:s20+$0x30] =	vst v33;
	v33 =	vmul.f32 v32, v19;
	v38 =	vld [tilespmem:s26+$0x1E0]  }
.Ltmp0:
0x182: {  	v34 =	vmul.f32 v34, v9;
	v30 =	vld [tilespmem:s26+$0x40];
	[tilespmem:s20+$0xB0] =	vst v36;
	(pc) =	sbr.rel @p2 .LBB2_3-.Ltmp0, $4  }
0x183: {  	v35 =	vmul.f32 v35, v10;
	v32 =	vld [tilespmem:s26+$0xC0];
	[tilespmem:s20+$0x130] =	vst v33  }
0x184: {  	[tilespmem:s20+$0xFFFFFEC0] =	vst v34;
	v39 =	vmul.f32 v31, v11;
	v33 =	vld [tilespmem:s26+$0x140]  }
0x185: {  	v36 =	vmul.f32 v37, v21;
	v31 =	vld [tilespmem:s26+$0xFFFFFED0];
	[tilespmem:s20+$0xFFFFFF40] =	vst v35  }
0x186: {  	s13 =	sadd.s32 $0x80, s13;
	v34 =	vld [tilespmem:s26+$0xFFFFFF50];
	[tilespmem:s20+$0xFFFFFFC0] =	vst v39;
	v35 =	vmul.f32 v38, v22  }
0x187: {  	[tilespmem:s20+$0xFFFFFE40] =	vst v36  }
0x188: {  	[tilespmem:s18+$0xFFFFFE60] =	vst v26  }
0x189: {  	[tilespmem:s18+$0xFFFFFEE0] =	vst v24  }
0x18a: {  	[tilespmem:s18+$0xFFFFFF60] =	vst v16  }
0x18b: {  	[tilespmem:s18+$0xFFFFFFE0] =	vst v25  }
0x18c: {  	[tilespmem:s18+$0x60] =	vst v27  }
0x18d: {  	[tilespmem:s18+$0xE0] =	vst v28  }
0x18e: {  	[tilespmem:s18+$0x160] =	vst v29  }
0x18f: {  	[tilespmem:s15+$0xFFFFFE70] =	vst v20  }
0x190: {  	[tilespmem:s15+$0xFFFFFEF0] =	vst v15  }
0x191: {  	[tilespmem:s20+$0x1E0] =	vst v35  }
0x192: {  	v30 =	vmul.f32 v30, v17;
	[tilespmem:s15+$0xFFFFFF70] =	vst v13;
	v39 =	vld [tilespmem:s26+$0x1F0]  }
0x193: {  	[tilespmem:s15+$0xFFFFFFF0] =	vst v23;
	v32 =	vmul.f32 v32, v18  }
0x194: {  	[tilespmem:s20+$0x40] =	vst v30;
	v30 =	vmul.f32 v33, v19  }
0x195: {  	v31 =	vmul.f32 v31, v9;
	[tilespmem:s20+$0xC0] =	vst v32  }
0x196: {  	v16 =	vld [tilespmem:s26+$0xFFFFFE50];
	v40 =	vmul.f32 v34, v10;
	[tilespmem:s20+$0x140] =	vst v30  }
0x197: {  	[tilespmem:s20+$0xFFFFFED0] =	vst v31;
	v22 =	vmul.f32 v39, v22  }
0x198: {  	[tilespmem:s20+$0xFFFFFF50] =	vst v40  }
0x199: {  	v13 =	vld [tilespmem:s26+$0xFFFFFFD0];
	[tilespmem:s20+$0x1F0] =	vst v22  }
0x19a: {  	v15 =	vld [tilespmem:s26+$0x50]  }
0x19b: {  	v16 =	vmul.f32 v16, v21;
	[tilespmem:s15+$0xF0] =	vst v14;
	v14 =	vld [tilespmem:s26+$0xFFFFFEE0]  }
0x19c: {  	v20 =	vld [tilespmem:s26+$0xD0]  }
0x19d: {  	v22 =	vld [tilespmem:s26+$0x150];
	[tilespmem:s20+$0xFFFFFE50] =	vst v16  }
0x19e: {  	[tilespmem:s15+$0x70] =	vst v12;
	v12 =	vmul.f32 v13, v11;
	v16 =	vld [tilespmem:s26+$0xFFFFFF60]  }
0x19f: {  	[tilespmem:s15+$0x170] =	vst v8;
	v13 =	vld [tilespmem:s24+$0xFFFFFE60];
	v15 =	vmul.f32 v15, v17  }
0x1a0: {  	[tilespmem:s20+$0xFFFFFFD0] =	vst v12;
	v8 =	vmul.f32 v14, v9  }
0x1a1: {  	v12 =	vmul.f32 v20, v18;
	v20 =	vld [tilespmem:s24+$0xFFFFFFE0];
	[tilespmem:s20+$0x50] =	vst v15  }
0x1a2: {  	[tilespmem:s20+$0xFFFFFEE0] =	vst v8;
	v8 =	vld [tilespmem:s17+$0xFFFFFF70]  }
0x1a3: {  	v16 =	vmul.f32 v16, v10;
	v15 =	vmul.f32 v22, v19;
	[tilespmem:s20+$0xD0] =	vst v12;
	v22 =	vld [tilespmem:s24+$0x60]  }
0x1a4: {  	v13 =	vmul.f32 v13, v21;
	v12 =	vld [tilespmem:s24+$0xE0]  }
0x1a5: {  	[tilespmem:s20+$0xFFFFFF60] =	vst v16;
	v16 =	vld [tilespmem:s17+$0xFFFFFFF0]  }
0x1a6: {  	[tilespmem:s20+$0xFFFFFE60] =	vst v13;
	v13 =	vld [tilespmem:s17+$0xFFFFFEF0];
	v20 =	vmul.f32 v20, v11  }
0x1a7: {  	[tilespmem:s20+$0x150] =	vst v15;
	v15 =	vld [tilespmem:s17+$0xFFFFFE70];
	v2 =	vmul.f32 v8, v2  }
0x1a8: {  	v14 =	vld [tilespmem:s24+$0x160];
	[tilespmem:s20+$0xFFFFFFE0] =	vst v20;
	v22 =	vmul.f32 v22, v17  }
0x1a9: {  	v20 =	vld [tilespmem:s17+$0x70];
	v12 =	vmul.f32 v12, v18;
	[tilespmem:s18+$0xFFFFFF70] =	vst v2  }
0x1aa: {  	v3 =	vmul.f32 v16, v3;
	[tilespmem:s20+$0x60] =	vst v22;
	v22 =	vld [tilespmem:s17+$0xF0]  }
0x1ab: {  	v1 =	vmul.f32 v13, v1;
	[tilespmem:s20+$0xE0] =	vst v12;
	v12 =	vld [tilespmem:s17+$0x170]  }
0x1ac: {  	v6 =	vmul.f32 v15, v6;
	v2 =	vld [tilespmem:s24+$0xFFFFFF70];
	[tilespmem:s18+$0xFFFFFFF0] =	vst v3  }
0x1ad: {  	v3 =	vld [tilespmem:s24+$0xFFFFFFF0];
	v14 =	vmul.f32 v14, v19;
	[tilespmem:s18+$0xFFFFFEF0] =	vst v1  }
0x1ae: {  	v1 =	vld [tilespmem:s24+$0xFFFFFEF0];
	[tilespmem:s18+$0xFFFFFE70] =	vst v6;
	v7 =	vmul.f32 v20, v7  }
0x1af: {  	v6 =	vld [tilespmem:s24+$0xFFFFFE70];
	[tilespmem:s20+$0x160] =	vst v14;
	v5 =	vmul.f32 v22, v5  }
0x1b0: {  	[tilespmem:s18+$0x70] =	vst v7;
	v7 =	vld [tilespmem:s24+$0x70];
	v4 =	vmul.f32 v12, v4  }
0x1b1: {  	v2 =	vmul.f32 v2, v10;
	[tilespmem:s18+$0xF0] =	vst v5;
	v5 =	vld [tilespmem:s24+$0xF0]  }
0x1b2: {  	v3 =	vmul.f32 v3, v11;
	[tilespmem:s18+$0x170] =	vst v4;
	v4 =	vld [tilespmem:s24+$0x170]  }
0x1b3: {  	v1 =	vmul.f32 v1, v9;
	[tilespmem:s20+$0xFFFFFF70] =	vst v2  }
0x1b4: {  	v6 =	vmul.f32 v6, v21;
	[tilespmem:s20+$0xFFFFFFF0] =	vst v3  }
0x1b5: {  	[tilespmem:s20+$0xFFFFFEF0] =	vst v1;
	v1 =	vmul.f32 v7, v17  }
0x1b6: {  	s9 =	smul.u32 $0x140, s14;
	[tilespmem:s20+$0xFFFFFE70] =	vst v6;
	v2 =	vmul.f32 v5, v18  }
0x1b7: {  	[tilespmem:s20+$0x70] =	vst v1;
	v3 =	vmul.f32 v4, v19  }
0x1b8: {  	s15 =	sshra.s32 s9, $0x2;
	[tilespmem:s20+$0xF0] =	vst v2  }
0x1b9: {  	s9 =	sadd.s32 $0x16850, s15;
	[tilespmem:s20+$0x170] =	vst v3  }
0x1ba: {  	[spmem:s3] =	stream.indirect.scatter.add.f32 [tilespmem:s31], [sflag:$0x3], $0x80, s9, s28, $0xb8;
	[tilespmem:$0x1EE70] =	vst v63  }
0x1bb: {  	_ = 	snop  }
0x1bc: {  	[spmem:s4] =	stream.indirect.scatter.add.f32 [tilespmem:s1], [sflag:$0x3], $0x10, s9, s28, $0xb8;
	[tilespmem:$0x1EE70] =	vst v63  }
0x1bd: {  	s9 =	simm.s32 @!p0 $0x5  }
0x1be: {  	_ =	swait.ge @!p0 [sflag:s9], $0x28  }
0x1bf: {  	s12 =	simm.s32 @!p0 $0x16800;
	[sflag:s9] =	ssyncset.done @!p0 $0x0  }
0x1c0: {  	s13 =	simm.s32 @!p0 $0x18F60;
	[sflag:s9] =	ssyncadd.s32 @!p0 $0xFFFFFFD8;
	s9 =	simm.s32 @!p0 $0x28  }
0x1c1: {  	[tilespmem:s13], [sflag:$0x1] =	stream.indirect.gather @!p0 [hbm4b:s0+s9], $0x80, s12, s9, $0xb8;
	[tilespmem:$0x1EE70] =	vst v63  }
0x1c2: {  	s13 =	simm.s32 @!p0 $0x1B760  }
0x1c3: {  	[tilespmem:s13], [sflag:$0x1] =	stream.indirect.gather @!p0 [hbm4b:s7+s9], $0x10, s12, s9, $0xb8;
	[tilespmem:$0x1EE70] =	vst v63  }
0x1c4: {  	s12 =	sadd.s32 @!p0 $0x168A0, s15;
	s13 =	simm.s32 @!p0 $0x1BC60  }
0x1c5: {  	[tilespmem:s13], [sflag:$0x1] =	stream.indirect.gather @!p0 [hbm4b:s8+s9], $0x10, s12, s9, $0xb8;
	[tilespmem:$0x1EE70] =	vst v63  }
0x1c6: {  	_ =	swait.ge [sflag:s2], $0x1400  }
0x1c7: {  	[sflag:s2] =	ssyncset.done $0x0  }
0x1c8: {  	[sflag:s2] =	ssyncadd.s32 $0xFFFFEC00  }
0x1c9: {  	_ =	swait.ge [sflag:s2], $0x280  }
0x1ca: {  	[sflag:s2] =	ssyncset.done $0x0  }
0x1cb: {  	[sflag:s2] =	ssyncadd.s32 $0xFFFFFD80  }
0x1cc: {  	_ =	swait.ge [sflag:s2], $0x280  }
0x1cd: {  	[sflag:s2] =	ssyncset.done $0x0  }
0x1ce: {  	s9 =	simm.s32 @!p1 $0x4;
	[sflag:s2] =	ssyncadd.s32 $0xFFFFFD80  }
0x1cf: {  	s16 =	sor.u32 $0x1, s16;
	_ =	swait.ge @!p1 [sflag:s9], $0x1400  }
0x1d0: {  	s12 =	sadd.s32 @!p0 s10, s16;
	[sflag:s9] =	ssyncset.done @!p1 $0x0  }
0x1d1: {  	s12 =	smul.u32 @!p0 $0x28, s12;
	[sflag:s9] =	ssyncadd.s32 @!p1 $0xFFFFEC00  }
0x1d2: {  	_ =	swait.ge @!p1 [sflag:s9], $0x280  }
0x1d3: {  	s12 =	sshrl.u32 @!p0 s12, $0x3;
	[sflag:s9] =	ssyncset.done @!p1 $0x0  }
0x1d4: {  	s24 =	simm.s32 $0x1BA20;
	[sflag:s9] =	ssyncadd.s32 @!p1 $0xFFFFFD80;
	s9 =	sadd.s32 @!p0 s6, s12  }
0x1d5: {  	s13 =	simm.s32 @!p0 $0x16828;
	s12 =	simm.s32 @!p0 $0x0;
	s9 =	sadd.s32 @!p0 $0xA, s9  }
0x1d6: {  	[tilespmem:s13], [sflag:$0x6] =	stream.linear.gather @!p0 [hbm4b:s9+s12], $0x28, $0x38;
	[tilespmem:$0x1EE70] =	vst v63  }
0x1d7: {  	s26 =	simm.s32 $0x1BF20;
	v1 =	vld [tilespmem:s24+$0x30]  }
0x1d8: {  	v2 =	vld [tilespmem:s26+$0x30];
	_ =	sdelay $0x1  }
0x1d9: {  	v4 =	vld [tilespmem:s24+$0xFFFFFFD0]  }
0x1da: {  	v5 =	vld [tilespmem:s24+$0xFFFFFFE0]  }
0x1db: {  	v7 =	vld [tilespmem:s26+$0xFFFFFFE0]  }
0x1dc: {  	v8 =	vld [tilespmem:s24+$0xFFFFFFF0];
	v1 =	vadd.f32 v2, v1  }
0x1dd: {  	v2 =	vld [tilespmem:s26+$0xFFFFFFD0]  }
0x1de: {  	v9 =	vld [tilespmem:s24+$0x0];
	v6 =	vmul.f32 $2.000000030e-01, v1  }
0x1df: {  	v10 =	vld [tilespmem:s26+$0x0];
	vm0 =	vgt.f32 v1, $0.0e+00  }
0x1e0: {  	v11 =	vld [tilespmem:s24+$0x10];
	v1 =	vsel vm0, v1, v6  }
0x1e1: {  	v6 =	vld [tilespmem:s26+$0xFFFFFFF0];
	v1 =	vsub.f32 v1, v0  }
0x1e2: {  	v2 =	vadd.f32 v2, v4;
	v4 =	vld [tilespmem:s26+$0x10]  }
0x1e3: {  	v1 =	vmul.f32 $1.442695020e+00, v1  }
0x1e4: {  	v3 =	vld [tilespmem:s26+$0xFFFFFFC0];
	v9 =	vadd.f32 v10, v9  }
0x1e5: {  	(erf) = vpow2.f32 v1;
	v1 =	vadd.f32 v7, v5;
	v5 =	vld [tilespmem:s24+$0xFFFFFFC0]  }
0x1e6: {  	vm8 =	vgt.f32 v9, $0.0e+00;
	v7 =	vmul.f32 $2.000000030e-01, v2;
	v6 =	vadd.f32 v6, v8  }
0x1e7: {  	v12 =	vld [tilespmem:s24+$0x20];
	vm6 =	vgt.f32 v2, $0.0e+00;
	v4 =	vadd.f32 v4, v11;
	vm1 =	vgt.f32 v1, $0.0e+00  }
0x1e8: {  	v8 =	vmul.f32 $2.000000030e-01, v1;
	v2 =	vsel vm6, v2, v7;
	v7 =	vld [tilespmem:s26+$0x20];
	vm7 =	vgt.f32 v6, $0.0e+00  }
0x1e9: {  	v10 =	vmul.f32 $2.000000030e-01, v6;
	v2 =	vsub.f32 v2, v0;
	vm9 =	vgt.f32 v4, $0.0e+00  }
0x1ea: {  	v1 =	vsel vm1, v1, v8;
	v8 =	vmul.f32 $2.000000030e-01, v9;
	v3 =	vadd.f32 v3, v5  }
0x1eb: {  	v2 =	vmul.f32 $1.442695020e+00, v2;
	v1 =	vsub.f32 v1, v0;
	v5 =	vsel vm7, v6, v10  }
0x1ec: {  	v6 =	vmul.f32 $2.000000030e-01, v4;
	v8 =	vsel vm8, v9, v8;
	v10 =	vmul.f32 $2.000000030e-01, v3  }
0x1ed: {  	v5 =	vsub.f32 v5, v0;
	v7 =	vadd.f32 v7, v12;
	vm10 =	vgt.f32 v3, $0.0e+00  }
0x1ee: {  	s12 =	simm.s32 $0x1EC20;
	s13 =	simm.s32 $0x1A560;
	v4 =	vsel vm9, v4, v6;
	v1 =	vmul.f32 $1.442695020e+00, v1;
	v9 =	vpop (erf);
	v3 =	vsel vm10, v3, v10  }
0x1ef: {  	v5 =	vmul.f32 $1.442695020e+00, v5;
	v6 =	vmul.f32 $2.000000030e-01, v7;
	[tilespmem:s12+$0x30] =	vst v9;
	v3 =	vsub.f32 v3, v0  }
0x1f0: {  	vm11 =	vgt.f32 v7, $0.0e+00;
	(erf) = vpow2.f32 v2;
	v2 =	vsub.f32 v8, v0;
	v10 =	vld [tilespmem:s13+$0x180]  }
0x1f1: {  	(erf) = vpow2.f32 v1;
	v1 =	vsub.f32 v4, v0;
	v3 =	vmul.f32 $1.442695020e+00, v3  }
0x1f2: {  	v4 =	vsel vm11, v7, v6;
	(erf) = vpow2.f32 v5;
	v2 =	vmul.f32 $1.442695020e+00, v2  }
0x1f3: {  	s20 =	simm.s32 $0x1BFA0;
	v4 =	vsub.f32 v4, v0;
	(erf) = vpow2.f32 v3  }
0x1f4: {  	s19 =	simm.s32 $0x1BAA0;
	v18 =	vld [tilespmem:s20+$0xFFFFFFC0];
	v1 =	vmul.f32 $1.442695020e+00, v1;
	(erf) = vpow2.f32 v2  }
0x1f5: {  	v19 =	vld [tilespmem:s19+$0xFFFFFFD0];
	v4 =	vmul.f32 $1.442695020e+00, v4;
	v3 =	vmul.f32 v9, v10  }
0x1f6: {  	s17 =	simm.s32 $0x1D760;
	v21 =	vld [tilespmem:s20+$0xFFFFFFD0];
	(erf) = vpow2.f32 v1  }
0x1f7: {  	v22 =	vld [tilespmem:s20+$0xFFFFFFE0];
	(erf) = vpow2.f32 v4;
	[tilespmem:s17+$0x180] =	vst v3  }
0x1f8: {  	v1 =	vld [tilespmem:s13+$0x190]  }
0x1f9: {  	v24 =	vld [tilespmem:s19+$0xFFFFFFF0];
	v15 =	vpop (erf)  }
0x1fa: {  	v25 =	vld [tilespmem:s20+$0xFFFFFFF0];
	[tilespmem:s12+$0xFFFFFFD0] =	vst v15;
	v13 =	vpop (erf)  }
0x1fb: {  	v2 =	vld [tilespmem:s13+$0xFFFFFE80];
	[tilespmem:s12+$0xFFFFFFE0] =	vst v13;
	v12 =	vpop (erf)  }
0x1fc: {  	v26 =	vld [tilespmem:s20+$0x0];
	[tilespmem:s12+$0xFFFFFFF0] =	vst v12;
	v20 =	vpop (erf)  }
0x1fd: {  	v4 =	vld [tilespmem:s13+$0xFFFFFF80];
	v1 =	vmul.f32 v9, v1;
	[tilespmem:s12+$0xFFFFFFC0] =	vst v20;
	v16 =	vpop (erf)  }
0x1fe: {  	v3 =	vld [tilespmem:s13+$0xFFFFFF00];
	[tilespmem:s12+$0x0] =	vst v16  }
0x1ff: {  	v5 =	vld [tilespmem:s13+$0xFFFFFE00];
	v14 =	vpop (erf);
	[tilespmem:s17+$0x190] =	vst v1  }
0x200: {  	v2 =	vmul.f32 v15, v2;
	v8 =	vpop (erf);
	[tilespmem:s12+$0x10] =	vst v14;
	v1 =	vld [tilespmem:s13+$0x1A0]  }
0x201: {  	v6 =	vld [tilespmem:s13+$0x0];
	[tilespmem:s12+$0x20] =	vst v8  }
0x202: {  	[tilespmem:s17+$0xFFFFFE80] =	vst v2;
	v2 =	vmul.f32 v12, v4;
	v4 =	vld [tilespmem:s13+$0x100]  }
0x203: {  	v3 =	vmul.f32 v13, v3;
	v7 =	vld [tilespmem:s13+$0x80]  }
0x204: {  	v10 =	vld [tilespmem:s13+$0xFFFFFE90];
	[tilespmem:s17+$0xFFFFFF80] =	vst v2;
	v5 =	vmul.f32 v20, v5  }
0x205: {  	[tilespmem:s17+$0xFFFFFF00] =	vst v3;
	v2 =	vld [tilespmem:s13+$0xFFFFFF90];
	v1 =	vmul.f32 v9, v1  }
0x206: {  	v3 =	vld [tilespmem:s13+$0xFFFFFF10];
	[tilespmem:s17+$0xFFFFFE00] =	vst v5;
	v5 =	vmul.f32 v16, v6  }
0x207: {  	v6 =	vld [tilespmem:s13+$0xFFFFFE10];
	[tilespmem:s17+$0x1A0] =	vst v1;
	v1 =	vmul.f32 v8, v4  }
0x208: {  	v7 =	vmul.f32 v14, v7;
	[tilespmem:s17+$0x0] =	vst v5;
	v4 =	vld [tilespmem:s13+$0x1B0]  }
0x209: {  	v5 =	vmul.f32 v15, v10;
	v10 =	vld [tilespmem:s13+$0x10];
	[tilespmem:s17+$0x100] =	vst v1  }
0x20a: {  	[tilespmem:s17+$0x80] =	vst v7;
	v1 =	vmul.f32 v12, v2;
	v2 =	vld [tilespmem:s13+$0x110]  }
0x20b: {  	v3 =	vmul.f32 v13, v3;
	v7 =	vld [tilespmem:s13+$0x90];
	[tilespmem:s17+$0xFFFFFE90] =	vst v5  }
0x20c: {  	v5 =	vmul.f32 v20, v6;
	v6 =	vld [tilespmem:s13+$0xFFFFFEA0];
	[tilespmem:s17+$0xFFFFFF90] =	vst v1  }
0x20d: {  	[tilespmem:s17+$0xFFFFFF10] =	vst v3;
	v1 =	vmul.f32 v4, v9;
	v4 =	vld [tilespmem:s13+$0xFFFFFFA0]  }
0x20e: {  	v3 =	vld [tilespmem:s13+$0xFFFFFF20];
	[tilespmem:s17+$0xFFFFFE10] =	vst v5;
	v5 =	vmul.f32 v16, v10  }
0x20f: {  	v10 =	vld [tilespmem:s13+$0xFFFFFE20];
	[tilespmem:s17+$0x1B0] =	vst v1;
	v1 =	vmul.f32 v8, v2  }
0x210: {  	v7 =	vmul.f32 v14, v7;
	[tilespmem:s17+$0x10] =	vst v5;
	v2 =	vld [tilespmem:s13+$0x1C0]  }
0x211: {  	v5 =	vmul.f32 v15, v6;
	v6 =	vld [tilespmem:s13+$0x20];
	[tilespmem:s17+$0x110] =	vst v1  }
0x212: {  	[tilespmem:s17+$0x90] =	vst v7;
	v1 =	vmul.f32 v12, v4;
	v4 =	vld [tilespmem:s13+$0x120]  }
0x213: {  	v28 =	vld [tilespmem:s19+$0x20];
	v3 =	vmul.f32 v13, v3;
	[tilespmem:s17+$0xFFFFFEA0] =	vst v5  }
0x214: {  	v5 =	vmul.f32 v20, v10;
	v10 =	vld [tilespmem:s13+$0xFFFFFEB0];
	[tilespmem:s17+$0xFFFFFFA0] =	vst v1  }
0x215: {  	[tilespmem:s17+$0xFFFFFF20] =	vst v3;
	v1 =	vmul.f32 v2, v9;
	v2 =	vld [tilespmem:s13+$0xFFFFFFB0]  }
0x216: {  	v7 =	vld [tilespmem:s13+$0xA0];
	[tilespmem:s17+$0xFFFFFE20] =	vst v5;
	v5 =	vmul.f32 v16, v6  }
0x217: {  	v6 =	vld [tilespmem:s13+$0xFFFFFE30];
	[tilespmem:s17+$0x1C0] =	vst v1;
	v1 =	vmul.f32 v8, v4  }
0x218: {  	[tilespmem:s17+$0x20] =	vst v5;
	v4 =	vld [tilespmem:s13+$0x1D0]  }
0x219: {  	v19 =	vadd.f32 v21, v19;
	v3 =	vld [tilespmem:s13+$0xFFFFFF30];
	v5 =	vmul.f32 v10, v15;
	[tilespmem:s17+$0x120] =	vst v1  }
0x21a: {  	v1 =	vmul.f32 v2, v12;
	v2 =	vld [tilespmem:s13+$0x130]  }
0x21b: {  	v21 =	vld [tilespmem:s19+$0x10];
	v27 =	vmul.f32 $2.000000030e-01, v19;
	[tilespmem:s17+$0xFFFFFEB0] =	vst v5  }
0x21c: {  	vm13 =	vgt.f32 v19, $0.0e+00;
	v7 =	vmul.f32 v14, v7;
	v5 =	vmul.f32 v6, v20;
	v6 =	vld [tilespmem:s13+$0xFFFFFEC0]  }
0x21d: {  	v19 =	vsel vm13, v19, v27;
	v27 =	vld [tilespmem:s20+$0x20];
	[tilespmem:s17+$0xFFFFFFB0] =	vst v1;
	v1 =	vmul.f32 v4, v9  }
0x21e: {  	v11 =	vld [tilespmem:s19+$0x30];
	[tilespmem:s17+$0xA0] =	vst v7;
	v3 =	vmul.f32 v3, v13  }
0x21f: {  	v10 =	vld [tilespmem:s13+$0x30];
	[tilespmem:s17+$0x1D0] =	vst v1;
	v1 =	vmul.f32 v2, v8  }
0x220: {  	s24 =	simm.s32 $0x1BB20;
	v7 =	vld [tilespmem:s13+$0xB0];
	[tilespmem:s17+$0xFFFFFF30] =	vst v3  }
0x221: {  	v47 =	vld [tilespmem:s24+$0x30];
	[tilespmem:s17+$0x130] =	vst v1;
	v1 =	vmul.f32 v6, v15  }
0x222: {  	v3 =	vld [tilespmem:s13+$0xFFFFFF40]  }
0x223: {  	[tilespmem:s17+$0xFFFFFEC0] =	vst v1;
	v1 =	vld [tilespmem:s20+$0x30]  }
0x224: {  	[tilespmem:s17+$0xFFFFFE30] =	vst v5;
	v4 =	vld [tilespmem:s13+$0xFFFFFFC0];
	v5 =	vmul.f32 v10, v16  }
0x225: {  	v7 =	vmul.f32 v7, v14;
	v10 =	vld [tilespmem:s13+$0xFFFFFE40]  }
0x226: {  	[tilespmem:s17+$0x30] =	vst v5;
	v2 =	vld [tilespmem:s13+$0x1E0]  }
0x227: {  	[tilespmem:s17+$0xB0] =	vst v7;
	v5 =	vld [tilespmem:s13+$0x40]  }
0x228: {  	v3 =	vmul.f32 v3, v13;
	v7 =	vld [tilespmem:s13+$0xC0];
	v1 =	vadd.f32 v1, v11  }
0x229: {  	v11 =	vld [tilespmem:s19+$0xFFFFFFE0]  }
0x22a: {  	v19 =	vsub.f32 v19, v0;
	[tilespmem:s17+$0xFFFFFF40] =	vst v3;
	v6 =	vld [tilespmem:s13+$0x140];
	v23 =	vmul.f32 $2.000000030e-01, v1  }
0x22b: {  	v3 =	vld [tilespmem:s13+$0xFFFFFF50];
	vm12 =	vgt.f32 v1, $0.0e+00  }
0x22c: {  	v19 =	vmul.f32 $1.442695020e+00, v19;
	v17 =	vld [tilespmem:s13+$0xFFFFFED0];
	v1 =	vsel vm12, v1, v23  }
0x22d: {  	v4 =	vmul.f32 v4, v12;
	v2 =	vmul.f32 v2, v9;
	v23 =	vld [tilespmem:s19+$0x0];
	v1 =	vsub.f32 v1, v0  }
0x22e: {  	v10 =	vmul.f32 v10, v20;
	v5 =	vmul.f32 v5, v16;
	v11 =	vadd.f32 v22, v11;
	v22 =	vld [tilespmem:s20+$0x10]  }
0x22f: {  	v50 =	vld [tilespmem:s24+$0xFFFFFFD0];
	v7 =	vmul.f32 v7, v14;
	[tilespmem:s17+$0x1E0] =	vst v2;
	v2 =	vadd.f32 v27, v28;
	v1 =	vmul.f32 $1.442695020e+00, v1  }
0x230: {  	v38 =	vld [tilespmem:s24+$0xFFFFFFF0];
	v6 =	vmul.f32 v6, v8;
	v3 =	vmul.f32 v3, v13  }
0x231: {  	v53 =	vld [tilespmem:s24+$0x10];
	[tilespmem:s17+$0xFFFFFFC0] =	vst v4;
	v17 =	vmul.f32 v17, v15;
	vm7 =	vgt.f32 v2, $0.0e+00;
	(erf) = vpow2.f32 v1  }
0x232: {  	[tilespmem:s17+$0xFFFFFE40] =	vst v10;
	vm14 =	vgt.f32 v11, $0.0e+00;
	v1 =	vadd.f32 v25, v24;
	v24 =	vld [tilespmem:s19+$0xFFFFFFC0];
	v25 =	vmul.f32 $2.000000030e-01, v11  }
0x233: {  	v4 =	vld [tilespmem:s13+$0xFFFFFE50];
	[tilespmem:s17+$0x40] =	vst v5;
	v23 =	vadd.f32 v26, v23;
	v21 =	vadd.f32 v22, v21;
	(erf) = vpow2.f32 v19  }
0x234: {  	[tilespmem:s17+$0xC0] =	vst v7;
	v7 =	vld [tilespmem:s13+$0x50];
	vm15 =	vgt.f32 v1, $0.0e+00;
	v26 =	vmul.f32 $2.000000030e-01, v1;
	v11 =	vsel vm14, v11, v25  }
0x235: {  	[tilespmem:s17+$0x140] =	vst v6;
	v6 =	vld [tilespmem:s13+$0xD0];
	vm4 =	vgt.f32 v23, $0.0e+00;
	v22 =	vmul.f32 $2.000000030e-01, v23;
	v25 =	vsub.f32 v11, v0  }
0x236: {  	[tilespmem:s17+$0xFFFFFED0] =	vst v17;
	vm5 =	vgt.f32 v21, $0.0e+00;
	v11 =	vld [tilespmem:s13+$0x1F0];
	v1 =	vsel vm15, v1, v26;
	v26 =	vmul.f32 $2.000000030e-01, v21  }
0x237: {  	v17 =	vld [tilespmem:s13+$0xFFFFFEE0];
	s20 =	simm.s32 $0x1C020;
	v10 =	vsel vm4, v23, v22;
	v23 =	vmul.f32 $2.000000030e-01, v2;
	v18 =	vadd.f32 v18, v24  }
0x238: {  	v48 =	vld [tilespmem:s20+$0x30];
	v1 =	vsub.f32 v1, v0;
	v24 =	vsub.f32 v10, v0;
	v25 =	vmul.f32 $1.442695020e+00, v25  }
0x239: {  	v37 =	vld [tilespmem:s20+$0xFFFFFFD0];
	v21 =	vsel vm5, v21, v26;
	v2 =	vsel vm7, v2, v23;
	v22 =	vmul.f32 $2.000000030e-01, v18  }
0x23a: {  	s21 =	simm.s32 $0x1ECA0;
	v26 =	vld [tilespmem:s13+$0xFFFFFFD0];
	vm6 =	vgt.f32 v18, $0.0e+00;
	v21 =	vsub.f32 v21, v0;
	v1 =	vmul.f32 $1.442695020e+00, v1;
	v10 =	vpop (erf)  }
0x23b: {  	s18 =	simm.s32 $0x1A960;
	v51 =	vld [tilespmem:s20+$0xFFFFFFE0];
	(erf) = vpow2.f32 v25;
	v9 =	vmul.f32 v11, v9;
	v18 =	vsel vm6, v18, v22;
	[tilespmem:s21+$0x30] =	vst v10  }
0x23c: {  	v11 =	vmul.f32 v17, v15;
	v22 =	vmul.f32 $1.442695020e+00, v24;
	v5 =	vsub.f32 v18, v0;
	v24 =	vld [tilespmem:s18+$0x180]  }
0x23d: {  	v52 =	vld [tilespmem:s20+$0x0];
	v2 =	vsub.f32 v2, v0;
	v21 =	vmul.f32 $1.442695020e+00, v21;
	(erf) = vpow2.f32 v1  }
0x23e: {  	v23 =	vld [tilespmem:s13+$0x150];
	v1 =	vmul.f32 v4, v20;
	v5 =	vmul.f32 $1.442695020e+00, v5  }
0x23f: {  	[tilespmem:s17+$0xFFFFFF50] =	vst v3;
	v54 =	vld [tilespmem:s20+$0x10];
	v2 =	vmul.f32 $1.442695020e+00, v2;
	v3 =	vmul.f32 v26, v12  }
0x240: {  	v17 =	vld [tilespmem:s24+$0xFFFFFFE0];
	[tilespmem:s17+$0xFFFFFE50] =	vst v1;
	v1 =	vmul.f32 v7, v16;
	(erf) = vpow2.f32 v5  }
0x241: {  	v18 =	vld [tilespmem:s13+$0xFFFFFF60];
	[tilespmem:s17+$0xFFFFFFD0] =	vst v3;
	(erf) = vpow2.f32 v22;
	v4 =	vmul.f32 v10, v24  }
0x242: {  	s19 =	simm.s32 $0x1DB60;
	v19 =	vld [tilespmem:s13+$0xFFFFFE60];
	v3 =	vmul.f32 v6, v14;
	[tilespmem:s17+$0x50] =	vst v1;
	(erf) = vpow2.f32 v21  }
0x243: {  	v22 =	vld [tilespmem:s13+$0x60];
	(erf) = vpow2.f32 v2;
	v2 =	vmul.f32 v23, v8;
	[tilespmem:s19+$0x180] =	vst v4  }
0x244: {  	[tilespmem:s17+$0x1F0] =	vst v9;
	v4 =	vld [tilespmem:s18+$0x190]  }
0x245: {  	[tilespmem:s17+$0xD0] =	vst v3;
	v1 =	vpop (erf);
	v21 =	vld [tilespmem:s13+$0xFFFFFFE0]  }
0x246: {  	[tilespmem:s21+$0xFFFFFFD0] =	vst v1;
	v23 =	vld [tilespmem:s13+$0xE0]  }
0x247: {  	v25 =	vld [tilespmem:s18+$0xFFFFFE80];
	[tilespmem:s17+$0x150] =	vst v2;
	v2 =	vpop (erf)  }
0x248: {  	v24 =	vld [tilespmem:s13+$0x160];
	[tilespmem:s21+$0xFFFFFFE0] =	vst v2;
	v3 =	vpop (erf)  }
0x249: {  	v26 =	vld [tilespmem:s18+$0xFFFFFF00];
	[tilespmem:s21+$0xFFFFFFF0] =	vst v3;
	v6 =	vpop (erf);
	v4 =	vmul.f32 v10, v4  }
0x24a: {  	[tilespmem:s21+$0xFFFFFFC0] =	vst v6;
	v27 =	vld [tilespmem:s18+$0xFFFFFF80]  }
0x24b: {  	v7 =	vpop (erf);
	v28 =	vld [tilespmem:s18+$0xFFFFFE00];
	[tilespmem:s19+$0x190] =	vst v4  }
0x24c: {  	v5 =	vpop (erf);
	[tilespmem:s21+$0x0] =	vst v7;
	v29 =	vld [tilespmem:s18+$0x1A0]  }
0x24d: {  	v25 =	vmul.f32 v1, v25;
	v30 =	vld [tilespmem:s18+$0x0];
	[tilespmem:s21+$0x10] =	vst v5;
	v4 =	vpop (erf)  }
0x24e: {  	v31 =	vld [tilespmem:s18+$0x80];
	v26 =	vmul.f32 v2, v26;
	[tilespmem:s21+$0x20] =	vst v4  }
0x24f: {  	[tilespmem:s19+$0xFFFFFE80] =	vst v25;
	v25 =	vmul.f32 v3, v27;
	v27 =	vld [tilespmem:s18+$0x100]  }
0x250: {  	v41 =	vld [tilespmem:s18+$0xFFFFFE90];
	v28 =	vmul.f32 v6, v28;
	[tilespmem:s19+$0xFFFFFF00] =	vst v26  }
0x251: {  	v26 =	vld [tilespmem:s18+$0xFFFFFF10];
	[tilespmem:s19+$0xFFFFFF80] =	vst v25;
	v25 =	vmul.f32 v10, v29  }
0x252: {  	[tilespmem:s19+$0xFFFFFE00] =	vst v28;
	v28 =	vld [tilespmem:s18+$0xFFFFFF90];
	v29 =	vmul.f32 v7, v30  }
0x253: {  	v31 =	vmul.f32 v5, v31;
	v30 =	vld [tilespmem:s18+$0xFFFFFE10];
	[tilespmem:s19+$0x1A0] =	vst v25  }
0x254: {  	[tilespmem:s19+$0x0] =	vst v29;
	v25 =	vmul.f32 v4, v27;
	v27 =	vld [tilespmem:s18+$0x1B0]  }
0x255: {  	v29 =	vmul.f32 v1, v41;
	[tilespmem:s19+$0x80] =	vst v31;
	v42 =	vld [tilespmem:s18+$0x10]  }
0x256: {  	v31 =	vld [tilespmem:s18+$0x90];
	v26 =	vmul.f32 v2, v26;
	[tilespmem:s19+$0x100] =	vst v25  }
0x257: {  	[tilespmem:s19+$0xFFFFFE90] =	vst v29;
	v25 =	vmul.f32 v3, v28;
	v28 =	vld [tilespmem:s18+$0x110]  }
0x258: {  	v29 =	vmul.f32 v6, v30;
	v30 =	vld [tilespmem:s18+$0xFFFFFEA0];
	[tilespmem:s19+$0xFFFFFF10] =	vst v26  }
0x259: {  	v26 =	vld [tilespmem:s18+$0xFFFFFF20];
	[tilespmem:s19+$0xFFFFFF90] =	vst v25;
	v25 =	vmul.f32 v27, v10  }
0x25a: {  	[tilespmem:s19+$0xFFFFFE10] =	vst v29;
	v27 =	vld [tilespmem:s18+$0xFFFFFFA0];
	v29 =	vmul.f32 v7, v42  }
0x25b: {  	v31 =	vmul.f32 v5, v31;
	v43 =	vld [tilespmem:s18+$0xFFFFFE20];
	[tilespmem:s19+$0x1B0] =	vst v25  }
0x25c: {  	[tilespmem:s19+$0x10] =	vst v29;
	v25 =	vmul.f32 v4, v28;
	v28 =	vld [tilespmem:s18+$0x1C0]  }
0x25d: {  	[tilespmem:s19+$0x90] =	vst v31;
	v29 =	vmul.f32 v1, v30;
	v30 =	vld [tilespmem:s18+$0x20]  }
0x25e: {  	v31 =	vld [tilespmem:s18+$0xA0];
	v26 =	vmul.f32 v2, v26;
	[tilespmem:s19+$0x110] =	vst v25  }
0x25f: {  	[tilespmem:s19+$0xFFFFFEA0] =	vst v29;
	v25 =	vmul.f32 v3, v27;
	v27 =	vld [tilespmem:s18+$0x120]  }
0x260: {  	v29 =	vmul.f32 v6, v43;
	v44 =	vld [tilespmem:s18+$0xFFFFFEB0];
	[tilespmem:s19+$0xFFFFFF20] =	vst v26  }
0x261: {  	v26 =	vld [tilespmem:s18+$0xFFFFFF30];
	[tilespmem:s19+$0xFFFFFFA0] =	vst v25;
	v25 =	vmul.f32 v28, v10  }
0x262: {  	[tilespmem:s19+$0xFFFFFE20] =	vst v29;
	v28 =	vld [tilespmem:s18+$0xFFFFFFB0];
	v29 =	vmul.f32 v7, v30  }
0x263: {  	v31 =	vmul.f32 v5, v31;
	v30 =	vld [tilespmem:s18+$0xFFFFFE30];
	[tilespmem:s19+$0x1C0] =	vst v25  }
0x264: {  	[tilespmem:s19+$0x20] =	vst v29;
	v25 =	vmul.f32 v4, v27;
	v27 =	vld [tilespmem:s18+$0x1D0]  }
0x265: {  	v40 =	vmul.f32 v22, v16;
	v22 =	vld [tilespmem:s20+$0xFFFFFFF0];
	[tilespmem:s19+$0xA0] =	vst v31;
	v29 =	vmul.f32 v44, v1  }
0x266: {  	v45 =	vld [tilespmem:s18+$0x30];
	v26 =	vmul.f32 v26, v2;
	[tilespmem:s19+$0x120] =	vst v25  }
0x267: {  	[tilespmem:s19+$0xFFFFFEB0] =	vst v29;
	v25 =	vmul.f32 v28, v3;
	v28 =	vld [tilespmem:s18+$0x130]  }
0x268: {  	v31 =	vld [tilespmem:s18+$0xB0];
	[tilespmem:s19+$0xFFFFFF30] =	vst v26  }
0x269: {  	v29 =	vmul.f32 v30, v6;
	v30 =	vld [tilespmem:s18+$0xFFFFFEC0];
	[tilespmem:s19+$0xFFFFFFB0] =	vst v25;
	v25 =	vmul.f32 v27, v10  }
0x26a: {  	[tilespmem:s17+$0xFFFFFEE0] =	vst v11;
	v26 =	vld [tilespmem:s18+$0xFFFFFF40]  }
0x26b: {  	v27 =	vld [tilespmem:s18+$0xFFFFFFC0];
	[tilespmem:s19+$0x1D0] =	vst v25  }
0x26c: {  	v33 =	vadd.f32 v48, v47;
	[tilespmem:s19+$0xFFFFFE30] =	vst v29;
	v29 =	vmul.f32 v45, v7;
	v25 =	vmul.f32 v28, v4;
	v28 =	vld [tilespmem:s18+$0x1E0]  }
0x26d: {  	v36 =	vadd.f32 v37, v50;
	[tilespmem:s17+$0x60] =	vst v40;
	v42 =	vmul.f32 v24, v8;
	v24 =	vld [tilespmem:s24+$0x0];
	v31 =	vmul.f32 v31, v5  }
0x26e: {  	v39 =	vmul.f32 $2.000000030e-01, v33;
	vm8 =	vgt.f32 v33, $0.0e+00;
	v46 =	vld [tilespmem:s18+$0xFFFFFE40];
	[tilespmem:s19+$0x30] =	vst v29  }
0x26f: {  	vm9 =	vgt.f32 v36, $0.0e+00;
	v18 =	vmul.f32 v18, v13;
	[tilespmem:s19+$0xB0] =	vst v31;
	v29 =	vmul.f32 v30, v1;
	v30 =	vld [tilespmem:s18+$0x40]  }
0x270: {  	v17 =	vadd.f32 v51, v17;
	v41 =	vmul.f32 v23, v14;
	v31 =	vld [tilespmem:s18+$0xC0];
	v26 =	vmul.f32 v26, v2;
	[tilespmem:s19+$0x130] =	vst v25  }
0x271: {  	[tilespmem:s19+$0xFFFFFEC0] =	vst v29;
	v23 =	vmul.f32 v27, v3;
	v27 =	vsel vm8, v33, v39;
	v25 =	vld [tilespmem:s18+$0x140];
	v28 =	vmul.f32 v28, v10  }
0x272: {  	vm10 =	vgt.f32 v17, $0.0e+00;
	v21 =	vmul.f32 v21, v12;
	v29 =	vld [tilespmem:s18+$0xFFFFFED0];
	[tilespmem:s19+$0xFFFFFF40] =	vst v26;
	v27 =	vsub.f32 v27, v0  }
0x273: {  	v19 =	vmul.f32 v19, v20;
	v22 =	vadd.f32 v22, v38;
	v32 =	vmul.f32 v46, v6;
	v26 =	vld [tilespmem:s18+$0xFFFFFF50];
	[tilespmem:s19+$0x1E0] =	vst v28  }
0x274: {  	[tilespmem:s17+$0xFFFFFFE0] =	vst v21;
	v24 =	vadd.f32 v52, v24;
	v30 =	vmul.f32 v30, v7;
	v27 =	vmul.f32 $1.442695020e+00, v27;
	v28 =	vld [tilespmem:s18+$0x1F0]  }
0x275: {  	v49 =	vld [tilespmem:s20+$0xFFFFFFC0];
	vm11 =	vgt.f32 v22, $0.0e+00;
	[tilespmem:s19+$0xFFFFFFC0] =	vst v23;
	v23 =	vmul.f32 $2.000000030e-01, v36;
	v31 =	vmul.f32 v31, v5  }
0x276: {  	v35 =	vld [tilespmem:s13+$0x70];
	vm12 =	vgt.f32 v24, $0.0e+00;
	(erf) = vpow2.f32 v27;
	[tilespmem:s19+$0x40] =	vst v30;
	v30 =	vmul.f32 $2.000000030e-01, v17  }
0x277: {  	v23 =	vsel vm9, v36, v23;
	v27 =	vld [tilespmem:s24+$0xFFFFFFC0];
	[tilespmem:s19+$0xC0] =	vst v31;
	v31 =	vmul.f32 $2.000000030e-01, v22;
	v25 =	vmul.f32 v25, v4  }
0x278: {  	[tilespmem:s19+$0xFFFFFE40] =	vst v32;
	v23 =	vsub.f32 v23, v0;
	v29 =	vmul.f32 v29, v1;
	v9 =	vmul.f32 v26, v2;
	v26 =	vld [tilespmem:s24+$0x20]  }
0x279: {  	v17 =	vsel vm10, v17, v30;
	[tilespmem:s19+$0x140] =	vst v25;
	v25 =	vadd.f32 v54, v53;
	v10 =	vmul.f32 v28, v10;
	v28 =	vld [tilespmem:s20+$0x20]  }
0x27a: {  	v34 =	vld [tilespmem:s13+$0xFFFFFFF0];
	v57 =	vmul.f32 $1.442695020e+00, v23;
	v17 =	vsub.f32 v17, v0;
	[tilespmem:s19+$0xFFFFFF50] =	vst v9;
	v9 =	vsel vm11, v22, v31  }
0x27b: {  	v55 =	vld [tilespmem:s18+$0xFFFFFE50];
	[tilespmem:s19+$0xFFFFFED0] =	vst v29;
	v29 =	vmul.f32 $2.000000030e-01, v24;
	v22 =	vmul.f32 $2.000000030e-01, v25;
	v9 =	vsub.f32 v9, v0  }
0x27c: {  	[tilespmem:s17+$0xFFFFFF60] =	vst v18;
	v56 =	vld [tilespmem:s18+$0xFFFFFFD0];
	(erf) = vpow2.f32 v57;
	v27 =	vadd.f32 v49, v27;
	v17 =	vmul.f32 $1.442695020e+00, v17  }
0x27d: {  	[tilespmem:s17+$0xFFFFFE60] =	vst v19;
	v30 =	vld [tilespmem:s18+$0x50];
	vm13 =	vgt.f32 v25, $0.0e+00;
	v11 =	vsel vm12, v24, v29;
	v9 =	vmul.f32 $1.442695020e+00, v9  }
0x27e: {  	[tilespmem:s17+$0xE0] =	vst v41;
	v32 =	vld [tilespmem:s13+$0xFFFFFF70];
	(erf) = vpow2.f32 v17;
	v19 =	vadd.f32 v28, v26;
	v28 =	vmul.f32 $2.000000030e-01, v27  }
0x27f: {  	v36 =	vld [tilespmem:s13+$0xF0];
	s24 =	simm.s32 $0x1ED20;
	vm14 =	vgt.f32 v27, $0.0e+00;
	[tilespmem:s19+$0x1F0] =	vst v10;
	(erf) = vpow2.f32 v9;
	v26 =	vsel vm13, v25, v22;
	v22 =	vpop (erf)  }
0x280: {  	s21 =	simm.s32 $0x1AD60;
	v58 =	vld [tilespmem:s18+$0xD0];
	v9 =	vmul.f32 v55, v6;
	[tilespmem:s24+$0x30] =	vst v22;
	v10 =	vmul.f32 $2.000000030e-01, v19;
	v27 =	vsel vm14, v27, v28  }
0x281: {  	v11 =	vsub.f32 v11, v0;
	vm15 =	vgt.f32 v19, $0.0e+00;
	v18 =	vsub.f32 v27, v0;
	v27 =	vld [tilespmem:s21+$0x180]  }
0x282: {  	v31 =	vld [tilespmem:s18+$0x150];
	[tilespmem:s19+$0xFFFFFE50] =	vst v9;
	v9 =	vmul.f32 v30, v7;
	v29 =	vsub.f32 v26, v0;
	v10 =	vsel vm15, v19, v10  }
0x283: {  	v23 =	vld [tilespmem:s18+$0xFFFFFEE0];
	v17 =	vmul.f32 v56, v3;
	v18 =	vmul.f32 $1.442695020e+00, v18;
	v10 =	vsub.f32 v10, v0  }
0x284: {  	v24 =	vld [tilespmem:s13+$0xFFFFFE70];
	v11 =	vmul.f32 $1.442695020e+00, v11;
	v21 =	vmul.f32 $1.442695020e+00, v29  }
0x285: {  	[tilespmem:s19+$0xFFFFFFD0] =	vst v17;
	v25 =	vld [tilespmem:s18+$0xFFFFFF60];
	(erf) = vpow2.f32 v18;
	v10 =	vmul.f32 $1.442695020e+00, v10  }
0x286: {  	v30 =	vld [tilespmem:s18+$0xFFFFFFE0];
	[tilespmem:s19+$0x50] =	vst v9;
	v9 =	vpop (erf);
	v18 =	vmul.f32 v22, v27;
	(erf) = vpow2.f32 v11  }
0x287: {  	s26 =	simm.s32 $0x1DF60;
	v26 =	vld [tilespmem:s13+$0xFFFFFEF0];
	[tilespmem:s24+$0xFFFFFFD0] =	vst v9;
	(erf) = vpow2.f32 v21  }
0x288: {  	v59 =	vld [tilespmem:s21+$0xFFFFFE80];
	[tilespmem:s26+$0x180] =	vst v18;
	(erf) = vpow2.f32 v10;
	v10 =	vmul.f32 v31, v4  }
0x289: {  	[tilespmem:s17+$0x160] =	vst v42;
	v11 =	vmul.f32 v58, v5;
	v17 =	vld [tilespmem:s21+$0x190]  }
0x28a: {  	v28 =	vld [tilespmem:s13+$0x170]  }
0x28b: {  	v33 =	vld [tilespmem:s18+$0x60];
	[tilespmem:s19+$0xD0] =	vst v11  }
0x28c: {  	v27 =	vld [tilespmem:s18+$0xFFFFFE60];
	[tilespmem:s19+$0x150] =	vst v10;
	v10 =	vpop (erf)  }
0x28d: {  	v29 =	vld [tilespmem:s18+$0xE0];
	[tilespmem:s24+$0xFFFFFFE0] =	vst v10;
	v11 =	vpop (erf)  }
0x28e: {  	v37 =	vmul.f32 v9, v59;
	v60 =	vld [tilespmem:s21+$0xFFFFFF00];
	[tilespmem:s24+$0xFFFFFFF0] =	vst v11;
	v18 =	vmul.f32 v22, v17;
	v21 =	vpop (erf)  }
0x28f: {  	[tilespmem:s24+$0xFFFFFFC0] =	vst v21;
	v61 =	vld [tilespmem:s21+$0xFFFFFF80]  }
0x290: {  	[tilespmem:s26+$0xFFFFFE80] =	vst v37;
	v62 =	vld [tilespmem:s21+$0xFFFFFE00]  }
0x291: {  	v48 =	vld [tilespmem:s21+$0xFFFFFE90];
	v17 =	vpop (erf);
	[tilespmem:s26+$0x190] =	vst v18  }
0x292: {  	[tilespmem:s24+$0x0] =	vst v17;
	v63 =	vld [tilespmem:s21+$0x1A0];
	v18 =	vpop (erf)  }
0x293: {  	v45 =	vld [tilespmem:s21+$0x0];
	v19 =	vpop (erf);
	[tilespmem:s24+$0x10] =	vst v18;
	v38 =	vmul.f32 v10, v60  }
0x294: {  	v43 =	vld [tilespmem:s21+$0x80];
	[tilespmem:s24+$0x20] =	vst v19;
	v46 =	vmul.f32 v11, v61  }
0x295: {  	v47 =	vld [tilespmem:s21+$0x100];
	v40 =	vmul.f32 v21, v62;
	[tilespmem:s26+$0xFFFFFF00] =	vst v38  }
0x296: {  	v38 =	vmul.f32 v9, v48;
	[tilespmem:s26+$0xFFFFFF80] =	vst v46;
	v49 =	vld [tilespmem:s21+$0xFFFFFF10]  }
0x297: {  	v41 =	vmul.f32 v22, v63;
	[tilespmem:s26+$0xFFFFFE00] =	vst v40;
	v50 =	vld [tilespmem:s21+$0xFFFFFF90]  }
0x298: {  	v42 =	vmul.f32 v17, v45;
	[tilespmem:s26+$0xFFFFFE90] =	vst v38;
	v51 =	vld [tilespmem:s21+$0xFFFFFE10]  }
0x299: {  	[tilespmem:s26+$0x1A0] =	vst v41;
	v57 =	vld [tilespmem:s21+$0xFFFFFEA0];
	v43 =	vmul.f32 v18, v43  }
0x29a: {  	[tilespmem:s26+$0x0] =	vst v42;
	v52 =	vld [tilespmem:s21+$0x1B0];
	v39 =	vmul.f32 v19, v47  }
0x29b: {  	v53 =	vld [tilespmem:s21+$0x10];
	[tilespmem:s26+$0x80] =	vst v43;
	v37 =	vmul.f32 v10, v49  }
0x29c: {  	[tilespmem:s26+$0x100] =	vst v39;
	v54 =	vld [tilespmem:s21+$0x90];
	v55 =	vmul.f32 v11, v50  }
0x29d: {  	v56 =	vld [tilespmem:s21+$0x110];
	v41 =	vmul.f32 v21, v51;
	[tilespmem:s26+$0xFFFFFF10] =	vst v37  }
0x29e: {  	v37 =	vmul.f32 v9, v57;
	[tilespmem:s26+$0xFFFFFF90] =	vst v55;
	v58 =	vld [tilespmem:s21+$0xFFFFFF20]  }
0x29f: {  	v42 =	vmul.f32 v52, v22;
	[tilespmem:s26+$0xFFFFFE10] =	vst v41;
	v59 =	vld [tilespmem:s21+$0xFFFFFFA0]  }
0x2a0: {  	v43 =	vmul.f32 v17, v53;
	[tilespmem:s26+$0xFFFFFEA0] =	vst v37;
	v60 =	vld [tilespmem:s21+$0xFFFFFE20]  }
0x2a1: {  	[tilespmem:s26+$0x1B0] =	vst v42;
	v47 =	vld [tilespmem:s21+$0xFFFFFEB0];
	v39 =	vmul.f32 v18, v54  }
0x2a2: {  	[tilespmem:s26+$0x10] =	vst v43;
	v61 =	vld [tilespmem:s21+$0x1C0];
	v40 =	vmul.f32 v19, v56  }
0x2a3: {  	v62 =	vld [tilespmem:s21+$0x20];
	[tilespmem:s26+$0x90] =	vst v39;
	v38 =	vmul.f32 v10, v58  }
0x2a4: {  	[tilespmem:s26+$0x110] =	vst v40;
	v63 =	vld [tilespmem:s21+$0xA0];
	v45 =	vmul.f32 v11, v59  }
0x2a5: {  	v46 =	vld [tilespmem:s21+$0x120];
	v42 =	vmul.f32 v21, v60;
	[tilespmem:s26+$0xFFFFFF20] =	vst v38  }
0x2a6: {  	v15 =	vmul.f32 v26, v15;
	v26 =	vmul.f32 v47, v9;
	[tilespmem:s26+$0xFFFFFFA0] =	vst v45;
	v48 =	vld [tilespmem:s21+$0xFFFFFF30]  }
0x2a7: {  	v43 =	vmul.f32 v61, v22;
	[tilespmem:s26+$0xFFFFFE20] =	vst v42;
	v49 =	vld [tilespmem:s21+$0xFFFFFFB0]  }
0x2a8: {  	v39 =	vmul.f32 v17, v62;
	[tilespmem:s26+$0xFFFFFEB0] =	vst v26;
	v50 =	vld [tilespmem:s21+$0xFFFFFE30]  }
0x2a9: {  	[tilespmem:s26+$0x1C0] =	vst v43;
	v56 =	vld [tilespmem:s21+$0xFFFFFEC0];
	v40 =	vmul.f32 v18, v63  }
0x2aa: {  	v20 =	vmul.f32 v24, v20;
	[tilespmem:s26+$0x20] =	vst v39;
	v51 =	vld [tilespmem:s21+$0x1D0];
	v24 =	vmul.f32 v19, v46  }
0x2ab: {  	v16 =	vmul.f32 v35, v16;
	v52 =	vld [tilespmem:s21+$0x30];
	[tilespmem:s26+$0xA0] =	vst v40  }
0x2ac: {  	v12 =	vmul.f32 v34, v12;
	v53 =	vmul.f32 v48, v10;
	[tilespmem:s26+$0x120] =	vst v24;
	v54 =	vld [tilespmem:s21+$0xB0]  }
0x2ad: {  	v13 =	vmul.f32 v32, v13;
	v24 =	vmul.f32 v49, v11;
	v55 =	vld [tilespmem:s21+$0x130]  }
0x2ae: {  	v14 =	vmul.f32 v36, v14;
	v31 =	vld [tilespmem:s18+$0x160];
	v26 =	vmul.f32 v50, v21;
	[tilespmem:s26+$0xFFFFFF30] =	vst v53  }
0x2af: {  	v8 =	vmul.f32 v28, v8;
	[tilespmem:s26+$0xFFFFFFB0] =	vst v24;
	v57 =	vld [tilespmem:s21+$0xFFFFFF40];
	v58 =	vmul.f32 v51, v22  }
0x2b0: {  	v28 =	vmul.f32 v29, v5;
	v38 =	vmul.f32 v52, v17;
	[tilespmem:s26+$0xFFFFFE30] =	vst v26;
	v59 =	vld [tilespmem:s21+$0xFFFFFFC0]  }
0x2b1: {  	v62 =	vmul.f32 v56, v9;
	[tilespmem:s26+$0x1D0] =	vst v58;
	v60 =	vld [tilespmem:s21+$0xFFFFFE40];
	v37 =	vmul.f32 v54, v18  }
0x2b2: {  	v24 =	vmul.f32 v23, v1;
	[tilespmem:s26+$0x30] =	vst v38;
	v61 =	vld [tilespmem:s21+$0x1E0];
	v34 =	vmul.f32 v55, v19  }
0x2b3: {  	v23 =	vmul.f32 v25, v2;
	v25 =	vmul.f32 v30, v3;
	v30 =	vld [tilespmem:s21+$0x40];
	[tilespmem:s26+$0xB0] =	vst v37  }
0x2b4: {  	v26 =	vmul.f32 v27, v6;
	v35 =	vmul.f32 v57, v10;
	[tilespmem:s26+$0x130] =	vst v34;
	v32 =	vld [tilespmem:s21+$0xC0]  }
0x2b5: {  	v27 =	vmul.f32 v33, v7;
	[tilespmem:s26+$0xFFFFFEC0] =	vst v62;
	v63 =	vmul.f32 v59, v11;
	v33 =	vld [tilespmem:s21+$0x140]  }
0x2b6: {  	v29 =	vmul.f32 v31, v4;
	v31 =	vld [tilespmem:s21+$0xFFFFFED0];
	[tilespmem:s26+$0xFFFFFF40] =	vst v35;
	v36 =	vmul.f32 v60, v21  }
0x2b7: {  	s9 =	simm.s32 $0x1AD60;
	s12 =	simm.s32 $0x1BBA0;
	s13 =	simm.s32 $0x10;
	v34 =	vld [tilespmem:s21+$0xFFFFFF50];
	[tilespmem:s26+$0xFFFFFFC0] =	vst v63;
	v35 =	vmul.f32 v61, v22  }
.LBB2_5:
0x2b8: {  	v37 =	vld [tilespmem:s12+$0x30];
	[tilespmem:s26+$0xFFFFFE40] =	vst v36;
	v30 =	vmul.f32 v30, v17;
	s20 =	sadd.s32 $0x80, s20  }
0x2b9: {  	s13 =	sadd.s32 $0x8, s13;
	v36 =	vld [tilespmem:s20+$0x30];
	v32 =	vmul.f32 v32, v18;
	[tilespmem:s26+$0x1E0] =	vst v35  }
0x2ba: {  	p1 =	slt.u32 s13, $0x20;
	[tilespmem:s26+$0x40] =	vst v30;
	v30 =	vmul.f32 v33, v19;
	v33 =	vld [tilespmem:s21+$0x1F0]  }
0x2bb: {  	v35 =	vld [tilespmem:s20+$0xFFFFFFC0];
	v31 =	vmul.f32 v31, v9;
	[tilespmem:s26+$0xC0] =	vst v32  }
0x2bc: {  	v32 =	vld [tilespmem:s12+$0xFFFFFFD0];
	v34 =	vmul.f32 v34, v10;
	[tilespmem:s26+$0x140] =	vst v30  }
0x2bd: {  	v30 =	vld [tilespmem:s20+$0xFFFFFFD0];
	[tilespmem:s26+$0xFFFFFED0] =	vst v31  }
0x2be: {  	v31 =	vld [tilespmem:s12+$0xFFFFFFE0];
	v36 =	vadd.f32 v36, v37;
	[tilespmem:s26+$0xFFFFFF50] =	vst v34  }
0x2bf: {  	v34 =	vld [tilespmem:s20+$0xFFFFFFE0];
	v22 =	vmul.f32 v33, v22;
	[tilespmem:s19+$0xFFFFFE60] =	vst v26  }
0x2c0: {  	v26 =	vld [tilespmem:s12+$0xFFFFFFF0];
	v33 =	vmul.f32 $2.000000030e-01, v36;
	[tilespmem:s19+$0xFFFFFEE0] =	vst v24  }
0x2c1: {  	vm0 =	vgt.f32 v36, $0.0e+00;
	v24 =	vld [tilespmem:s20+$0xFFFFFFF0];
	[tilespmem:s26+$0x1F0] =	vst v22  }
0x2c2: {  	v22 =	vadd.f32 v30, v32;
	v30 =	vld [tilespmem:s12+$0x0];
	v32 =	vsel vm0, v36, v33;
	[tilespmem:s19+$0xFFFFFF60] =	vst v23  }
0x2c3: {  	v23 =	vld [tilespmem:s20+$0x0];
	v32 =	vsub.f32 v32, v0;
	[tilespmem:s19+$0xFFFFFFE0] =	vst v25  }
0x2c4: {  	vm0 =	vgt.f32 v22, $0.0e+00;
	v25 =	vmul.f32 $2.000000030e-01, v22;
	v31 =	vadd.f32 v34, v31;
	v33 =	vld [tilespmem:s12+$0x10];
	[tilespmem:s19+$0x60] =	vst v27  }
0x2c5: {  	v27 =	vld [tilespmem:s20+$0x10];
	v32 =	vmul.f32 $1.442695020e+00, v32;
	[tilespmem:s19+$0xE0] =	vst v28  }
0x2c6: {  	vm1 =	vgt.f32 v31, $0.0e+00;
	v28 =	vmul.f32 $2.000000030e-01, v31;
	v24 =	vadd.f32 v24, v26;
	v26 =	vld [tilespmem:s12+$0x20];
	[tilespmem:s19+$0x160] =	vst v29  }
0x2c7: {  	v22 =	vsel vm0, v22, v25;
	v25 =	vld [tilespmem:s20+$0x20];
	(erf) = vpow2.f32 v32;
	[tilespmem:s17+$0xFFFFFE70] =	vst v20  }
0x2c8: {  	v20 =	vld [tilespmem:s12+$0xFFFFFFC0];
	vm0 =	vgt.f32 v24, $0.0e+00;
	v29 =	vmul.f32 $2.000000030e-01, v24;
	v23 =	vadd.f32 v23, v30;
	[tilespmem:s17+$0xFFFFFEF0] =	vst v15  }
0x2c9: {  	v15 =	vsub.f32 v22, v0;
	v22 =	vsel vm1, v31, v28;
	v28 =	vld [tilespmem:s21+$0xFFFFFE50];
	[tilespmem:s17+$0xFFFFFF70] =	vst v13  }
0x2ca: {  	vm1 =	vgt.f32 v23, $0.0e+00;
	v13 =	vmul.f32 $2.000000030e-01, v23;
	v27 =	vadd.f32 v27, v33;
	v30 =	vld [tilespmem:s21+$0xFFFFFFD0];
	[tilespmem:s17+$0xFFFFFFF0] =	vst v12  }
0x2cb: {  	v12 =	vmul.f32 $1.442695020e+00, v15;
	v15 =	vsub.f32 v22, v0;
	v22 =	vsel vm0, v24, v29;
	v24 =	vld [tilespmem:s21+$0x50];
	[tilespmem:s17+$0x70] =	vst v16  }
0x2cc: {  	vm0 =	vgt.f32 v27, $0.0e+00;
	v16 =	vmul.f32 $2.000000030e-01, v27;
	v25 =	vadd.f32 v25, v26;
	v26 =	vld [tilespmem:s21+$0xD0];
	[tilespmem:s17+$0xF0] =	vst v14  }
0x2cd: {  	v13 =	vsel vm1, v23, v13;
	v14 =	vadd.f32 v35, v20;
	v20 =	vsub.f32 v22, v0;
	v23 =	vld [tilespmem:s21+$0x150];
	[tilespmem:s17+$0x170] =	vst v8;
	s17 =	smov.u32 s19;
	s19 =	smov.u32 s26  }
0x2ce: {  	v8 =	vsel vm0, v27, v16;
	vm0 =	vgt.f32 v25, $0.0e+00;
	v16 =	vmul.f32 $2.000000030e-01, v25;
	v27 =	vld [tilespmem:s21+$0xFFFFFEE0]  }
0x2cf: {  	v13 =	vsub.f32 v13, v0;
	vm1 =	vgt.f32 v14, $0.0e+00;
	v29 =	vmul.f32 $2.000000030e-01, v14;
	v31 =	vld [tilespmem:s21+$0xFFFFFF60]  }
0x2d0: {  	s24 =	sadd.s32 $0x80, s24;
	v15 =	vmul.f32 $1.442695020e+00, v15;
	v8 =	vsub.f32 v8, v0;
	v16 =	vsel vm0, v25, v16;
	v22 =	vpop (erf);
	v25 =	vld [tilespmem:s18+$0xFFFFFE70]  }
0x2d1: {  	v20 =	vmul.f32 $1.442695020e+00, v20;
	s21 =	sadd.s32 $0x400, s21;
	v14 =	vsel vm1, v14, v29;
	v16 =	vsub.f32 v16, v0;
	[tilespmem:s24+$0x30] =	vst v22;
	v29 =	vld [tilespmem:s18+$0xFFFFFEF0]  }
0x2d2: {  	v13 =	vmul.f32 $1.442695020e+00, v13;
	v8 =	vmul.f32 $1.442695020e+00, v8;
	v14 =	vsub.f32 v14, v0;
	v32 =	vld [tilespmem:s21+$0x180]  }
0x2d3: {  	v16 =	vmul.f32 $1.442695020e+00, v16;
	(erf) = vpow2.f32 v12;
	v12 =	vld [tilespmem:s18+$0xFFFFFF70]  }
0x2d4: {  	v14 =	vmul.f32 $1.442695020e+00, v14;
	(erf) = vpow2.f32 v15;
	v33 =	vld [tilespmem:s18+$0xFFFFFFF0]  }
0x2d5: {  	v15 =	vmul.f32 v28, v21;
	(erf) = vpow2.f32 v20;
	v28 =	vld [tilespmem:s18+$0x70]  }
0x2d6: {  	(erf) = vpow2.f32 v14;
	v14 =	vmul.f32 v30, v11;
	v30 =	vld [tilespmem:s18+$0xF0]  }
0x2d7: {  	v20 =	vmul.f32 v22, v32;
	(erf) = vpow2.f32 v13;
	[tilespmem:s26+$0xFFFFFE50] =	vst v15;
	v32 =	vld [tilespmem:s18+$0x170];
	s18 =	smov.u32 s9;
	s9 =	smov.u32 s21  }
0x2d8: {  	v13 =	vmul.f32 v24, v17;
	s26 =	sadd.s32 $0x400, s26;
	(erf) = vpow2.f32 v8;
	v8 =	vld [tilespmem:s18+$0xFFFFFE60];
	[tilespmem:s19+$0xFFFFFFD0] =	vst v14  }
0x2d9: {  	v15 =	vmul.f32 v26, v18;
	[tilespmem:s26+$0x180] =	vst v20;
	(erf) = vpow2.f32 v16;
	v14 =	vld [tilespmem:s18+$0xFFFFFFE0]  }
0x2da: {  	v24 =	vmul.f32 v27, v9;
	v34 =	vld [tilespmem:s21+$0x190];
	[tilespmem:s19+$0x50] =	vst v13;
	v13 =	vmul.f32 v23, v19  }
0x2db: {  	v20 =	vmul.f32 v25, v6;
	v6 =	vmov v21;
	v23 =	vmul.f32 v31, v10;
	v27 =	vld [tilespmem:s18+$0x60];
	[tilespmem:s19+$0xD0] =	vst v15  }
0x2dc: {  	v15 =	vmul.f32 v29, v1;
	v1 =	vmov v9;
	v31 =	vld [tilespmem:s18+$0xE0];
	[tilespmem:s19+$0x150] =	vst v13;
	v13 =	vmul.f32 v12, v2;
	v9 =	vpop (erf)  }
0x2dd: {  	v12 =	vmul.f32 v33, v3;
	v2 =	vmov v10;
	[tilespmem:s24+$0xFFFFFFD0] =	vst v9;
	v26 =	vmul.f32 v8, v6;
	v29 =	vld [tilespmem:s18+$0x160];
	v10 =	vpop (erf)  }
0x2de: {  	v16 =	vmul.f32 v28, v7;
	v3 =	vmov v11;
	v33 =	vld [tilespmem:s21+$0xFFFFFE80];
	[tilespmem:s24+$0xFFFFFFE0] =	vst v10;
	v25 =	vmul.f32 v14, v11;
	v11 =	vpop (erf)  }
0x2df: {  	v7 =	vmov v17;
	v14 =	vmul.f32 v30, v5;
	v35 =	vld [tilespmem:s21+$0xFFFFFF00];
	[tilespmem:s24+$0xFFFFFFF0] =	vst v11;
	v28 =	vmul.f32 v22, v34;
	v21 =	vpop (erf)  }
0x2e0: {  	v8 =	vmul.f32 v32, v4;
	v5 =	vmov v18;
	[tilespmem:s24+$0xFFFFFFC0] =	vst v21;
	v30 =	vld [tilespmem:s21+$0xFFFFFF80];
	v17 =	vpop (erf);
	v27 =	vmul.f32 v27, v7  }
0x2e1: {  	v4 =	vmov v19;
	v32 =	vld [tilespmem:s21+$0xFFFFFE00];
	[tilespmem:s26+$0x190] =	vst v28;
	v18 =	vpop (erf);
	v28 =	vmul.f32 v31, v5  }
0x2e2: {  	[tilespmem:s24+$0x0] =	vst v17;
	v31 =	vld [tilespmem:s21+$0x1A0];
	v19 =	vpop (erf);
	v29 =	vmul.f32 v29, v4  }
0x2e3: {  	v33 =	vmul.f32 v9, v33;
	v34 =	vld [tilespmem:s21+$0x0];
	[tilespmem:s24+$0x10] =	vst v18  }
0x2e4: {  	v35 =	vmul.f32 v10, v35;
	v36 =	vld [tilespmem:s21+$0x80];
	[tilespmem:s24+$0x20] =	vst v19  }
0x2e5: {  	[tilespmem:s26+$0xFFFFFE80] =	vst v33;
	v30 =	vmul.f32 v11, v30;
	v33 =	vld [tilespmem:s21+$0x100]  }
0x2e6: {  	v32 =	vmul.f32 v21, v32;
	v37 =	vld [tilespmem:s21+$0xFFFFFE90];
	[tilespmem:s26+$0xFFFFFF00] =	vst v35  }
0x2e7: {  	v35 =	vld [tilespmem:s21+$0xFFFFFF10];
	[tilespmem:s26+$0xFFFFFF80] =	vst v30;
	v30 =	vmul.f32 v22, v31  }
0x2e8: {  	[tilespmem:s26+$0xFFFFFE00] =	vst v32;
	v31 =	vld [tilespmem:s21+$0xFFFFFF90];
	v32 =	vmul.f32 v17, v34  }
0x2e9: {  	v34 =	vld [tilespmem:s21+$0xFFFFFE10];
	v36 =	vmul.f32 v18, v36;
	[tilespmem:s26+$0x1A0] =	vst v30  }
0x2ea: {  	[tilespmem:s26+$0x0] =	vst v32;
	v30 =	vmul.f32 v19, v33;
	v32 =	vld [tilespmem:s21+$0x1B0]  }
0x2eb: {  	v33 =	vmul.f32 v9, v37;
	v37 =	vld [tilespmem:s21+$0x10];
	[tilespmem:s26+$0x80] =	vst v36  }
0x2ec: {  	v35 =	vmul.f32 v10, v35;
	v36 =	vld [tilespmem:s21+$0x90];
	[tilespmem:s26+$0x100] =	vst v30  }
0x2ed: {  	[tilespmem:s26+$0xFFFFFE90] =	vst v33;
	v30 =	vmul.f32 v11, v31;
	v31 =	vld [tilespmem:s21+$0x110]  }
0x2ee: {  	v33 =	vmul.f32 v21, v34;
	v34 =	vld [tilespmem:s21+$0xFFFFFEA0];
	[tilespmem:s26+$0xFFFFFF10] =	vst v35  }
0x2ef: {  	v35 =	vld [tilespmem:s21+$0xFFFFFF20];
	[tilespmem:s26+$0xFFFFFF90] =	vst v30;
	v30 =	vmul.f32 v32, v22  }
0x2f0: {  	[tilespmem:s26+$0xFFFFFE10] =	vst v33;
	v32 =	vld [tilespmem:s21+$0xFFFFFFA0];
	v33 =	vmul.f32 v17, v37  }
0x2f1: {  	v37 =	vld [tilespmem:s21+$0xFFFFFE20];
	v36 =	vmul.f32 v18, v36;
	[tilespmem:s26+$0x1B0] =	vst v30  }
0x2f2: {  	[tilespmem:s26+$0x10] =	vst v33;
	v30 =	vmul.f32 v19, v31;
	v31 =	vld [tilespmem:s21+$0x1C0]  }
0x2f3: {  	v33 =	vmul.f32 v9, v34;
	v34 =	vld [tilespmem:s21+$0x20];
	[tilespmem:s26+$0x90] =	vst v36  }
0x2f4: {  	v35 =	vmul.f32 v10, v35;
	v36 =	vld [tilespmem:s21+$0xA0];
	[tilespmem:s26+$0x110] =	vst v30  }
0x2f5: {  	[tilespmem:s26+$0xFFFFFEA0] =	vst v33;
	v30 =	vmul.f32 v11, v32;
	v32 =	vld [tilespmem:s21+$0x120]  }
0x2f6: {  	v33 =	vmul.f32 v21, v37;
	v37 =	vld [tilespmem:s21+$0xFFFFFEB0];
	[tilespmem:s26+$0xFFFFFF20] =	vst v35  }
0x2f7: {  	v35 =	vld [tilespmem:s21+$0xFFFFFF30];
	[tilespmem:s26+$0xFFFFFFA0] =	vst v30;
	v30 =	vmul.f32 v31, v22  }
0x2f8: {  	[tilespmem:s26+$0xFFFFFE20] =	vst v33;
	v31 =	vld [tilespmem:s21+$0xFFFFFFB0];
	v33 =	vmul.f32 v17, v34  }
0x2f9: {  	v34 =	vld [tilespmem:s21+$0xFFFFFE30];
	v36 =	vmul.f32 v18, v36;
	[tilespmem:s26+$0x1C0] =	vst v30  }
0x2fa: {  	[tilespmem:s26+$0x20] =	vst v33;
	v30 =	vmul.f32 v19, v32;
	v32 =	vld [tilespmem:s21+$0x1D0]  }
0x2fb: {  	v33 =	vmul.f32 v37, v9;
	v37 =	vld [tilespmem:s21+$0x30];
	[tilespmem:s26+$0xA0] =	vst v36  }
0x2fc: {  	v35 =	vmul.f32 v35, v10;
	v36 =	vld [tilespmem:s21+$0xB0];
	[tilespmem:s26+$0x120] =	vst v30  }
0x2fd: {  	[tilespmem:s26+$0xFFFFFEB0] =	vst v33;
	v30 =	vmul.f32 v31, v11;
	v31 =	vld [tilespmem:s21+$0x130]  }
0x2fe: {  	v33 =	vmul.f32 v34, v21;
	v34 =	vld [tilespmem:s21+$0xFFFFFEC0];
	[tilespmem:s26+$0xFFFFFF30] =	vst v35  }
0x2ff: {  	v35 =	vld [tilespmem:s21+$0xFFFFFF40];
	[tilespmem:s26+$0xFFFFFFB0] =	vst v30;
	v30 =	vmul.f32 v32, v22  }
0x300: {  	[tilespmem:s26+$0xFFFFFE30] =	vst v33;
	v33 =	vld [tilespmem:s21+$0xFFFFFFC0];
	v32 =	vmul.f32 v37, v17  }
0x301: {  	v37 =	vld [tilespmem:s21+$0xFFFFFE40];
	v36 =	vmul.f32 v36, v18;
	[tilespmem:s26+$0x1D0] =	vst v30  }
0x302: {  	[tilespmem:s26+$0x30] =	vst v32;
	v31 =	vmul.f32 v31, v19;
	v38 =	vld [tilespmem:s21+$0x1E0]  }
.Ltmp1:
0x303: {  	v34 =	vmul.f32 v34, v9;
	v30 =	vld [tilespmem:s21+$0x40];
	[tilespmem:s26+$0xB0] =	vst v36;
	(pc) =	sbr.rel @p1 .LBB2_5-.Ltmp1, $4  }
0x304: {  	v35 =	vmul.f32 v35, v10;
	v32 =	vld [tilespmem:s21+$0xC0];
	[tilespmem:s26+$0x130] =	vst v31  }
0x305: {  	[tilespmem:s26+$0xFFFFFEC0] =	vst v34;
	v39 =	vmul.f32 v33, v11;
	v33 =	vld [tilespmem:s21+$0x140]  }
0x306: {  	v36 =	vmul.f32 v37, v21;
	v31 =	vld [tilespmem:s21+$0xFFFFFED0];
	[tilespmem:s26+$0xFFFFFF40] =	vst v35  }
0x307: {  	s12 =	sadd.s32 $0x80, s12;
	v34 =	vld [tilespmem:s21+$0xFFFFFF50];
	[tilespmem:s26+$0xFFFFFFC0] =	vst v39;
	v35 =	vmul.f32 v38, v22  }
0x308: {  	[tilespmem:s26+$0xFFFFFE40] =	vst v36  }
0x309: {  	[tilespmem:s19+$0xFFFFFE60] =	vst v26  }
0x30a: {  	[tilespmem:s19+$0xFFFFFEE0] =	vst v24  }
0x30b: {  	[tilespmem:s19+$0xFFFFFF60] =	vst v23  }
0x30c: {  	[tilespmem:s19+$0xFFFFFFE0] =	vst v25  }
0x30d: {  	[tilespmem:s19+$0x60] =	vst v27  }
0x30e: {  	[tilespmem:s19+$0xE0] =	vst v28  }
0x30f: {  	[tilespmem:s19+$0x160] =	vst v29  }
0x310: {  	[tilespmem:s17+$0xFFFFFE70] =	vst v20  }
0x311: {  	[tilespmem:s17+$0xFFFFFEF0] =	vst v15  }
0x312: {  	[tilespmem:s17+$0xFFFFFF70] =	vst v13  }
0x313: {  	[tilespmem:s17+$0xFFFFFFF0] =	vst v12  }
0x314: {  	[tilespmem:s17+$0x70] =	vst v16  }
0x315: {  	[tilespmem:s17+$0xF0] =	vst v14  }
0x316: {  	v30 =	vmul.f32 v30, v17;
	v42 =	vld [tilespmem:s21+$0xFFFFFFD0];
	[tilespmem:s17+$0x170] =	vst v8  }
0x317: {  	v32 =	vmul.f32 v32, v18;
	[tilespmem:s26+$0x1E0] =	vst v35;
	v53 =	vld [tilespmem:s18+$0xFFFFFE70]  }
0x318: {  	v54 =	vld [tilespmem:s18+$0xFFFFFEF0];
	[tilespmem:s26+$0x40] =	vst v30;
	v38 =	vmul.f32 v33, v19  }
0x319: {  	v55 =	vld [tilespmem:s18+$0xFFFFFF70];
	v31 =	vmul.f32 v31, v9;
	[tilespmem:s26+$0xC0] =	vst v32  }
0x31a: {  	v56 =	vld [tilespmem:s18+$0xFFFFFFF0];
	v40 =	vmul.f32 v34, v10;
	[tilespmem:s26+$0x140] =	vst v38  }
0x31b: {  	v57 =	vld [tilespmem:s18+$0x70];
	[tilespmem:s26+$0xFFFFFED0] =	vst v31;
	v46 =	vmul.f32 v42, v11  }
0x31c: {  	v39 =	vld [tilespmem:s21+$0x1F0];
	[tilespmem:s26+$0xFFFFFF50] =	vst v40;
	v6 =	vmul.f32 v53, v6  }
0x31d: {  	v43 =	vld [tilespmem:s21+$0x50];
	v1 =	vmul.f32 v54, v1;
	[tilespmem:s26+$0xFFFFFFD0] =	vst v46  }
0x31e: {  	v41 =	vld [tilespmem:s21+$0xFFFFFE50];
	v2 =	vmul.f32 v55, v2;
	[tilespmem:s19+$0xFFFFFE70] =	vst v6  }
0x31f: {  	v44 =	vld [tilespmem:s21+$0xD0];
	v3 =	vmul.f32 v56, v3;
	[tilespmem:s19+$0xFFFFFEF0] =	vst v1  }
0x320: {  	v45 =	vld [tilespmem:s21+$0x150];
	v7 =	vmul.f32 v57, v7;
	[tilespmem:s19+$0xFFFFFF70] =	vst v2  }
0x321: {  	v58 =	vld [tilespmem:s18+$0xF0];
	v22 =	vmul.f32 v39, v22;
	[tilespmem:s19+$0xFFFFFFF0] =	vst v3  }
0x322: {  	v48 =	vld [tilespmem:s21+$0xFFFFFEE0];
	v15 =	vmul.f32 v43, v17;
	[tilespmem:s19+$0x70] =	vst v7  }
0x323: {  	v49 =	vld [tilespmem:s21+$0xFFFFFF60];
	[tilespmem:s26+$0x1F0] =	vst v22;
	v22 =	vmul.f32 v41, v21  }
0x324: {  	v16 =	vld [tilespmem:s9+$0xFFFFFFE0];
	v13 =	vmul.f32 v44, v18;
	[tilespmem:s26+$0x50] =	vst v15  }
0x325: {  	v12 =	vmul.f32 v45, v19;
	[tilespmem:s26+$0xFFFFFE50] =	vst v22;
	v15 =	vld [tilespmem:s9+$0x60]  }
0x326: {  	v5 =	vmul.f32 v58, v5;
	[tilespmem:s26+$0xD0] =	vst v13;
	v47 =	vld [tilespmem:s9+$0xFFFFFE60]  }
0x327: {  	v51 =	vmul.f32 v48, v9;
	v13 =	vld [tilespmem:s9+$0xE0];
	[tilespmem:s26+$0x150] =	vst v12  }
0x328: {  	[tilespmem:s19+$0xF0] =	vst v5;
	v22 =	vmul.f32 v49, v10;
	v52 =	vld [tilespmem:s9+$0x160]  }
0x329: {  	v59 =	vld [tilespmem:s18+$0x170];
	v16 =	vmul.f32 v16, v11;
	[tilespmem:s26+$0xFFFFFEE0] =	vst v51  }
0x32a: {  	[tilespmem:s26+$0xFFFFFF60] =	vst v22;
	v1 =	vld [tilespmem:s9+$0xFFFFFEF0];
	v15 =	vmul.f32 v15, v17  }
0x32b: {  	[tilespmem:s26+$0xFFFFFFE0] =	vst v16;
	v2 =	vld [tilespmem:s9+$0xFFFFFF70];
	v50 =	vmul.f32 v47, v21  }
0x32c: {  	v3 =	vld [tilespmem:s9+$0xFFFFFFF0];
	v13 =	vmul.f32 v13, v18;
	[tilespmem:s26+$0x60] =	vst v15  }
0x32d: {  	v14 =	vmul.f32 v52, v19;
	[tilespmem:s26+$0xFFFFFE60] =	vst v50;
	v61 =	vld [tilespmem:s9+$0x70]  }
0x32e: {  	v4 =	vmul.f32 v59, v4;
	[tilespmem:s26+$0xE0] =	vst v13;
	v60 =	vld [tilespmem:s9+$0xFFFFFE70]  }
0x32f: {  	v1 =	vmul.f32 v1, v9;
	[tilespmem:s26+$0x160] =	vst v14;
	v62 =	vld [tilespmem:s9+$0xF0]  }
0x330: {  	[tilespmem:s19+$0x170] =	vst v4;
	v2 =	vmul.f32 v2, v10;
	v63 =	vld [tilespmem:s9+$0x170]  }
0x331: {  	v3 =	vmul.f32 v3, v11;
	[tilespmem:s26+$0xFFFFFEF0] =	vst v1  }
0x332: {  	[tilespmem:s26+$0xFFFFFF70] =	vst v2;
	v1 =	vmul.f32 v61, v17  }
0x333: {  	[tilespmem:s26+$0xFFFFFFF0] =	vst v3;
	v6 =	vmul.f32 v60, v21  }
0x334: {  	s24 =	smul.u32 $0xA0, s16;
	v2 =	vmul.f32 v62, v18;
	[tilespmem:s26+$0x70] =	vst v1  }
0x335: {  	v3 =	vmul.f32 v63, v19;
	[tilespmem:s26+$0xFFFFFE70] =	vst v6  }
0x336: {  	s9 =	sshra.s32 s24, $0x2;
	[tilespmem:s26+$0xF0] =	vst v2  }
0x337: {  	s9 =	sadd.s32 $0x16850, s9;
	[tilespmem:s26+$0x170] =	vst v3  }
0x338: {  	[spmem:s3] =	stream.indirect.scatter.add.f32 [tilespmem:s23], [sflag:$0x4], $0x80, s9, s28, $0xb8;
	[tilespmem:$0x1EE70] =	vst v63  }
0x339: {  	_ = 	snop  }
0x33a: {  	[spmem:s4] =	stream.indirect.scatter.add.f32 [tilespmem:s29], [sflag:$0x4], $0x10, s9, s28, $0xb8;
	[tilespmem:$0x1EE70] =	vst v63  }
0x33b: {  	s9 =	simm.s32 @!p0 $0x6  }
0x33c: {  	_ =	swait.ge @!p0 [sflag:s9], $0x28  }
0x33d: {  	s12 =	simm.s32 @!p0 $0x16828;
	[sflag:s9] =	ssyncset.done @!p0 $0x0  }
0x33e: {  	s13 =	simm.s32 @!p0 $0x1A360;
	[sflag:s9] =	ssyncadd.s32 @!p0 $0xFFFFFFD8;
	s9 =	simm.s32 @!p0 $0x28  }
0x33f: {  	[tilespmem:s13], [sflag:$0x2] =	stream.indirect.gather @!p0 [hbm4b:s0+s9], $0x80, s12, s9, $0xb8;
	[tilespmem:$0x1EE70] =	vst v63  }
0x340: {  	s13 =	simm.s32 @!p0 $0x1B9E0  }
0x341: {  	[tilespmem:s13], [sflag:$0x2] =	stream.indirect.gather @!p0 [hbm4b:s7+s9], $0x10, s12, s9, $0xb8;
	[tilespmem:$0x1EE70] =	vst v63  }
0x342: {  	s14 =	sadd.s32 $0x1, s14;
	s12 =	sadd.s32 @!p0 $0x168C8, s15;
	s13 =	simm.s32 @!p0 $0x1BEE0  }
0x343: {  	[tilespmem:s13], [sflag:$0x2] =	stream.indirect.gather @!p0 [hbm4b:s8+s9], $0x10, s12, s9, $0xb8;
	[tilespmem:$0x1EE70] =	vst v63  }
0x344: {  	p0 =	sne.s32 s14, $0x7D  }
.Ltmp2:
0x345: {  	_ = 	snop;
	(pc) =	sbr.rel @p0 .LBB2_2-.Ltmp2, $1  }
0x346: {  	_ =	sdelay $0x3  }
0x347: {  	s9 =	simm.s32 $0x3  }
0x348: {  	_ =	swait.ge [sflag:s9], $0x1400  }
0x349: {  	[sflag:s9] =	ssyncset.done $0x0  }
0x34a: {  	[sflag:s9] =	ssyncadd.s32 $0xFFFFEC00  }
0x34b: {  	_ =	swait.ge [sflag:s9], $0x280  }
0x34c: {  	[sflag:s9] =	ssyncset.done $0x0  }
0x34d: {  	s20 =	simm.s32 $0x4;
	[sflag:s9] =	ssyncadd.s32 $0xFFFFFD80  }
0x34e: {  	_ =	swait.ge [sflag:s20], $0x1400  }
0x34f: {  	[sflag:s20] =	ssyncset.done $0x0  }
0x350: {  	[sflag:s20] =	ssyncadd.s32 $0xFFFFEC00  }
0x351: {  	_ =	swait.ge [sflag:s20], $0x280  }
0x352: {  	[sflag:s20] =	ssyncset.done $0x0  }
0x353: {  	[sflag:s20] =	ssyncadd.s32 $0xFFFFFD80  }
0x354: {  	[bflag:$0x0] =	sbarrier.arrive $0xFFFF  }
0x355: {  	s15 =	rddreg [dreg:$0x7]  }
0x356: {  	s21 =	rddreg [dreg:$0xd]  }
0x357: {  	s12 =	rddreg [dreg:$0x10]  }
0x358: {  	[hbm:s21], [sflag:s15] =	dma.local [spmem:s12], $0x2800  }
0x359: {  	_ =	swait.ge [sflag:s22], $0x2800  }
0x35a: {  	[sflag:s22] =	ssyncset.done $0x0;
	s24 =	rddreg [dreg:$0xe]  }
0x35b: {  	s13 =	rddreg [dreg:$0x11];
	[sflag:s22] =	ssyncadd.s32 $0xFFFFD800  }
0x35c: {  	[hbm:s24], [sflag:s15] =	dma.local [spmem:s13], $0x500  }
0x35d: {  	_ =	swait.ge [sflag:s22], $0x500  }
0x35e: {  	s11 =	sadd.s32 $0x1, s11;
	s26 =	rddreg [dreg:$0xf]  }
0x35f: {  	p0 =	sne.s32 s11, s26  }
.Ltmp3:
0x360: {  	_ = 	snop;
	(pc) =	sbr.rel @p0 .LBB2_1-.Ltmp3, $3  }
0x361: {  	_ =	sdelay $0x1  }
0x362: {  	[sflag:s22] =	ssyncset.done $0x0  }
0x363: {  	[sflag:s22] =	ssyncadd.s32 $0xFFFFFB00  }
0x364: {  	_ =	sfence.sel $0x180000  }
0x365: {  	[bflag:$0x0] =	sbarrier.arrive $0xFFFF  }
0x366: {  	_ =	strace $0x90000047  }
0x367: {  	s0 =	stileid.u32;
	[bflag:$0x2] =	sbarrier.arrive $0xFFFF  }
0x368: {  	p0 =	sne.s32 s0, $0x0;
	s0 =	rddreg [dreg:$0x4]  }
0x369: {  	s0 =	sadd.s32 @!p0 $0x100000, s0  }
0x36a: {  	[sflag:s0] =	ssyncadd.tile.s32 @!p0 $0x1;
	_ =	shalt  }
.Lfunc_end2:
_tile_overlayer_lowered:
.L_overlay_start_2:
0x36b: {  	(tag) =	ssettag $0x2  }
0x36c: {  	s0 =	rddreg [dreg:$0x0];
	s2 =	stileid.u32  }
0x36d: {  	s1 =	rddreg [dreg:$0x1];
	p0 =	sne.s32 s2, $0x0  }
0x36e: {  	s3 =	rddreg [dreg:$0x2];
	[bflag:$0x3] =	sbarrier.arrive $0xFFFF;
	s2 =	simm.s32 @!p0 $0x1C07  }
0x36f: {  	[timem:s3], [sflag:s2] =	dma.local @!p0 [hbm:s0], s1  }
0x370: {  	s0 =	simm.s32 @!p0 $0x7  }
0x371: {  	_ =	swait.ge @!p0 [sflag:s0], s1  }
0x372: {  	s1 =	ssub.s32 @!p0 $0x0, s1;
	[sflag:s0] =	ssyncset.done @!p0 $0x0  }
0x373: {  	[sflag:s0] =	ssyncadd.s32 @!p0 s1  }
0x374: {  	[bflag:$0x3] =	sbarrier.arrive $0xFFFF  }
0x375: {  	_ =	shalt  }

</sc_bundles>
